<compile_context>
chip_gen: v7x
topology: tpu7x:2x2x1
jax: 0.10.2.dev20260603
libtpu: 0.0.44.dev20260713+nightly
codegen_flags: <defaults>
</compile_context>

<pallas_src>
import functools

import jax
import jax.numpy as jnp
import numpy as np
from jax import lax
from jax.experimental import pallas as pl
from jax.experimental.pallas import tpu as pltpu
from jax.experimental.pallas import tpu_sc as plsc

N = 100000
E = 3200000
RADIUS = 0.015
INV_R = np.float32(1.0 / RADIUS)

NC = 2
NS = 16
NW = NC * NS
TE = E // NW
C = 4000
NCH = TE // C
NCHN = N // C
STAGE_IT = (NCHN + NS - 1) // NS

BN = 2000
NB = N // BN
WB = BN
NWB = N // WB
WB_IT = (NWB + NS - 1) // NS
VEL_MEAN = np.float32(0.0)
VEL_STD = np.float32(1.0)


def _rsqrt_newton(s):
  i = lax.bitcast_convert_type(s, jnp.int32)
  i = jnp.int32(0x5F3759DF) - lax.shift_right_logical(i, 1)
  y = lax.bitcast_convert_type(i, jnp.float32)
  for _ in range(3):
    y = y * (jnp.float32(1.5) - jnp.float32(0.5) * s * y * y)
  return y


def _sc_body(xs, ys, zs, snd, rcv, out,
             shx, shy, shz, accx, accy, accz, accn,
             si0, si1, ri0, ri1,
             sx0, sy0, sz0, rx0, ry0, rz0,
             sx1, sy1, sz1, rx1, ry1, rz1,
             dx, dy, dz, dn, zbuf, semg0, semg1, sems2):
  sx = sx0
  cid = lax.axis_index("c")
  sid = lax.axis_index("s")
  wid = cid * NS + sid

  def zb(i, _):
    zbuf[pl.ds(i * 16, 16)] = jnp.zeros((16,), jnp.float32)
    return 0
  lax.fori_loop(0, C // 16, zb, 0)

  for src, dst in ((xs, shx), (ys, shy), (zs, shz)):
    def stage(k, _, src=src, dst=dst):
      c = sid + NS * k
      @pl.when(c < NCHN)
      def _():
        pltpu.sync_copy(src.at[pl.ds(c * C, C)], sx)
        pltpu.sync_copy(sx, dst.at[pl.ds(c * C, C)])
      return 0
    lax.fori_loop(0, STAGE_IT, stage, 0)
  for acc in (accx, accy, accz, accn):
    def zero(k, _, acc=acc):
      c = sid + NS * k
      @pl.when(c < NCHN)
      def _():
        pltpu.sync_copy(zbuf, acc.at[pl.ds(c * C, C)])
      return 0
    lax.fori_loop(0, STAGE_IT, zero, 0)
  plsc.subcore_barrier()

  sidx2 = (si0, si1)
  ridx2 = (ri0, ri1)
  gsets = ((sx0, sy0, sz0), (sx1, sy1, sz1))
  g2sets = ((rx0, ry0, rz0), (rx1, ry1, rz1))
  sems = (semg0, semg1)

  def issue_gathers(b, g):
    base = wid * TE + g * C
    pltpu.sync_copy(snd.at[pl.ds(base, C)], sidx2[b])
    pltpu.sync_copy(rcv.at[pl.ds(base, C)], ridx2[b])
    for tab, dst in zip((shx, shy, shz), gsets[b]):
      pltpu.async_copy(tab.at[sidx2[b]], dst, sems[b])
    for tab, dst in zip((shx, shy, shz), g2sets[b]):
      pltpu.async_copy(tab.at[ridx2[b]], dst, sems[b])

  def wait_gathers(b):
    for dst in gsets[b] + g2sets[b]:
      pltpu.make_async_copy(snd.at[pl.ds(0, C)], dst, sems[b]).wait()

  def wait_scatters():
    for src in (dx, dy, dz, dn):
      pltpu.make_async_copy(snd.at[pl.ds(0, C)], src, sems2).wait()

  def body(b, g):
    wait_gathers(b)
    @pl.when(g > 0)
    def _():
      wait_scatters()
    @pl.when(g + 1 < NCH)
    def _():
      issue_gathers(1 - b, g + 1)
    gx, gy, gz = gsets[b]
    hx, hy, hz = g2sets[b]

    def compute(i, _):
      s = pl.ds(i * 16, 16)
      vdx = (gx[s] - hx[s]) * INV_R
      vdy = (gy[s] - hy[s]) * INV_R
      vdz = (gz[s] - hz[s]) * INV_R
      ss = vdx * vdx + vdy * vdy + vdz * vdz
      vn = ss * _rsqrt_newton(ss)
      dx[s] = vdx
      dy[s] = vdy
      dz[s] = vdz
      dn[s] = vn
      return 0
    lax.fori_loop(0, C // 16, compute, 0)

    pltpu.async_copy(dx, accx.at[ridx2[b]], sems2, add=True)
    pltpu.async_copy(dy, accy.at[ridx2[b]], sems2, add=True)
    pltpu.async_copy(dz, accz.at[ridx2[b]], sems2, add=True)
    pltpu.async_copy(dn, accn.at[ridx2[b]], sems2, add=True)

  issue_gathers(0, 0)

  def chunk(g, _):
    for b in (0, 1):
      @pl.when(g % 2 == b)
      def _(b=b):
        body(b, g)
    return 0
  lax.fori_loop(0, NCH, chunk, 0)
  wait_scatters()
  plsc.subcore_barrier()

  for comp, acc in enumerate((accx, accy, accz, accn)):
    def wb(k, _, comp=comp, acc=acc):
      c = sid + NS * k
      @pl.when(c < NWB)
      def _():
        pltpu.sync_copy(acc.at[pl.ds(c * WB, WB)], sx.at[pl.ds(0, WB)])
        pltpu.sync_copy(sx.at[pl.ds(0, WB)],
                        out.at[pl.ds(c * 8 * WB + (cid * 4 + comp) * WB, WB)])
      return 0
    lax.fori_loop(0, WB_IT, wb, 0)


@functools.cache
def _sc_edge_kernel():
  return pl.kernel(
    _sc_body,
    out_type=jax.ShapeDtypeStruct((NWB * 2 * 4 * WB,), jnp.float32),
    mesh=plsc.VectorSubcoreMesh(core_axis_name="c", subcore_axis_name="s",
                                num_cores=NC, num_subcores=NS),
    scratch_types=[
        pltpu.VMEM_SHARED((N,), jnp.float32),
        pltpu.VMEM_SHARED((N,), jnp.float32),
        pltpu.VMEM_SHARED((N,), jnp.float32),
        pltpu.VMEM_SHARED((N,), jnp.float32),
        pltpu.VMEM_SHARED((N,), jnp.float32),
        pltpu.VMEM_SHARED((N,), jnp.float32),
        pltpu.VMEM_SHARED((N,), jnp.float32),
        pltpu.VMEM((C,), jnp.int32),
        pltpu.VMEM((C,), jnp.int32),
        pltpu.VMEM((C,), jnp.int32),
        pltpu.VMEM((C,), jnp.int32),
    ] + [pltpu.VMEM((C,), jnp.float32)] * 17 + [
        pltpu.SemaphoreType.DMA,
        pltpu.SemaphoreType.DMA,
        pltpu.SemaphoreType.DMA,
    ],
  )

def _tc_a_body(pos_ref, emb_ref, pt_ref, pt9_ref, out_ref):
  del pt9_ref
  pos = pos_ref[...]
  emb = emb_ref[...]
  pt = pt_ref[...]

  mrp = pos[:, 15:18]
  vel = pos[:, 3:18] - pos[:, 0:15]
  nvel = (vel - VEL_MEAN) / VEL_STD
  relp = pos[:, 0:15] - jnp.concatenate([mrp] * 5, axis=1)
  db = jnp.concatenate([mrp - jnp.float32(0.1), jnp.float32(0.9) - mrp],
                       axis=1)
  ncdb = jnp.clip(db * INV_R, -1.0, 1.0)

  oh = (pt == lax.broadcasted_iota(jnp.int32, (BN, 9), 1)).astype(jnp.float32)
  temb = jnp.dot(oh, emb, preferred_element_type=jnp.float32)

  out_ref[...] = jnp.concatenate([nvel, relp, ncdb, temb], axis=1)


_tc_a_kernel = pl.pallas_call(
    _tc_a_body,
    grid=(NB,),
    in_specs=[
        pl.BlockSpec((BN, 18), lambda i: (i, 0)),
        pl.BlockSpec((9, 16), lambda i: (0, 0)),
        pl.BlockSpec((BN, 1), lambda i: (i, 0)),
        pl.BlockSpec((1, 9, BN), lambda i: (i, 0, 0)),
    ],
    out_specs=pl.BlockSpec((BN, 52), lambda i: (i, 0)),
    out_shape=jax.ShapeDtypeStruct((N, 52), jnp.float32),
)


def _tc_b_body(pos_ref, agg_ref, a_ref, out_ref):
  pT = pos_ref[0]
  pr = agg_ref[0]

  v = pT[6:9] - pT[3:6]
  vp = pT[3:6] - pT[0:3]
  a = v - vp
  eps = jnp.float32(1e-8)
  e1 = v / (jnp.sqrt(jnp.sum(v * v, axis=0, keepdims=True)) + eps)
  u2 = a - jnp.sum(e1 * a, axis=0, keepdims=True) * e1
  e2 = u2 / (jnp.sqrt(jnp.sum(u2 * u2, axis=0, keepdims=True)) + eps)
  e3 = jnp.concatenate([
      e1[1:2] * e2[2:3] - e1[2:3] * e2[1:2],
      e1[2:3] * e2[0:1] - e1[0:1] * e2[2:3],
      e1[0:1] * e2[1:2] - e1[1:2] * e2[0:1],
  ], axis=0)
  rT = jnp.concatenate([
      e1[0:1], e2[0:1], e3[0:1],
      e1[1:2], e2[1:2], e3[1:2],
      e1[2:3], e2[2:3], e3[2:3],
  ], axis=0)

  big = jnp.concatenate([pr, rT], axis=0)
  r = lax.broadcasted_iota(jnp.int32, (17, 13), 0)
  c = lax.broadcasted_iota(jnp.int32, (17, 13), 1)
  m = (((r < 8) & (c < 4) & (r % 4 == c))
       | ((r >= 8) & (c >= 4) & (r - 8 == c - 4))).astype(jnp.float32)
  stripe = lax.dot_general(big, m,
                           dimension_numbers=(((0,), (0,)), ((), ())),
                           preferred_element_type=jnp.float32)
  out_ref[...] = jnp.concatenate([a_ref[...], stripe], axis=1)


_tc_b_kernel = pl.pallas_call(
    _tc_b_body,
    grid=(NB,),
    in_specs=[
        pl.BlockSpec((1, 9, BN), lambda i: (i, 0, 0)),
        pl.BlockSpec((1, 8, BN), lambda i: (i, 0, 0)),
        pl.BlockSpec((BN, 52), lambda i: (i, 0)),
    ],
    out_specs=pl.BlockSpec((BN, 65), lambda i: (i, 0)),
    out_shape=jax.ShapeDtypeStruct((N, 65), jnp.float32),
)


def kernel(position_sequence, type_embedding, particle_types, edge_index):
  mrp = position_sequence[:, -1]
  xs = mrp[:, 0]
  ys = mrp[:, 1]
  zs = mrp[:, 2]
  partials = _sc_edge_kernel()(xs, ys, zs, edge_index[0], edge_index[1])
  partials = partials.reshape(NWB, 8, WB)
  pos18 = position_sequence.reshape(N, 18)
  pos_t9 = (position_sequence[:, 3:, :]
            .reshape(NB, BN, 9).transpose(0, 2, 1))
  out_a = _tc_a_kernel(pos18, type_embedding, particle_types.reshape(N, 1),
                       pos_t9)
  return _tc_b_kernel(pos_t9, partials, out_a)

# --- scband reference (transcript-rebuilt; emitter-appended) ---
"""Pipeline reference for scband-learned-simulator-locs-72911364817501 (READ-ONLY COPY).

The authoritative reference and input builder live on the scoring server;
editing this copy changes nothing except your own understanding.
"""

import jax, jax.numpy as jnp
import numpy as np

N = 100000
E = 3200000
DIM = 3
T = 6
NPT = 9
EMB = 16
RADIUS = 0.015
BOUNDS = np.array([[0.1, 0.9], [0.1, 0.9], [0.1, 0.9]], dtype=np.float32)
VEL_MEAN = 0.0
VEL_STD = 1.0


def construct_3d_basis_from_2_vectors(v1, v2, eps=1e-8):
    # Gram-Schmidt: build rotation matrix [e1 e2 e3] from two vectors.
    e1 = v1 / (jnp.linalg.norm(v1, axis=-1, keepdims=True) + eps)
    u2 = v2 - jnp.sum(e1 * v2, axis=-1, keepdims=True) * e1
    e2 = u2 / (jnp.linalg.norm(u2, axis=-1, keepdims=True) + eps)
    e3 = jnp.cross(e1, e2)
    return jnp.stack([e1, e2, e3], axis=-1)


def setup_inputs(seed: int = 0) -> dict:
    key = jax.random.key(seed)
    k1, k2, k3, k4 = jax.random.split(key, 4)
    position_sequence = jax.random.uniform(k1, (N, T, DIM), dtype=jnp.float32)
    particle_types = jax.random.randint(k2, (N,), 0, NPT, dtype=jnp.int64 if jax.config.jax_enable_x64 else jnp.int32).astype(jnp.int32)
    edge_index = jax.random.randint(k3, (2, E), 0, N).astype(jnp.int32)
    type_embedding = jax.random.normal(k4, (NPT, EMB), dtype=jnp.float32)
    return {
        "position_sequence": position_sequence,
        "type_embedding": type_embedding,
        "particle_types": particle_types,
        "edge_index": edge_index,
    }


def reference(position_sequence, type_embedding, particle_types, edge_index):
    # Faithful jax translation of LearnedSimulator_locs._encoder_preprocessor
    # with the radius_graph connectivity precomputed as edge_index, plus the
    # 'locs_velacc' localizer (get_matrix_from_vel_accel).
    most_recent_position = position_sequence[:, -1]
    velocity_sequence = position_sequence[:, 1:] - position_sequence[:, :-1]  # time_diff
    senders = edge_index[0]
    receivers = edge_index[1]

    # Edge features: gathers over senders/receivers (memory-bound)
    normalized_relative_displacements = (
        jnp.take(most_recent_position, senders, axis=0)
        - jnp.take(most_recent_position, receivers, axis=0)
    ) / RADIUS
    normalized_relative_displacements_norms = jnp.linalg.norm(
        normalized_relative_displacements, axis=-1, keepdims=True
    )
    edge_features = jnp.concatenate(
        [normalized_relative_displacements, normalized_relative_displacements_norms], axis=1
    )

    # Node features
    normalized_velocity_sequence = (velocity_sequence - VEL_MEAN) / VEL_STD
    flat_velocity_sequence = normalized_velocity_sequence.reshape(N, -1)
    rel_position_sequence = (position_sequence[:, :-1] - most_recent_position[:, None]).reshape(N, -1)
    boundaries = jnp.asarray(BOUNDS)
    distance_to_lower_boundary = most_recent_position - boundaries[:, 0][None]
    distance_to_upper_boundary = boundaries[:, 1][None] - most_recent_position
    distance_to_boundaries = jnp.concatenate(
        [distance_to_lower_boundary, distance_to_upper_boundary], axis=1
    )
    normalized_clipped_distance_to_boundaries = jnp.clip(
        distance_to_boundaries / RADIUS, -1.0, 1.0
    )
    particle_type_embeddings = jnp.take(type_embedding, particle_types, axis=0)
    node_features = jnp.concatenate(
        [
            flat_velocity_sequence,
            rel_position_sequence,
            normalized_clipped_distance_to_boundaries,
            particle_type_embeddings,
        ],
        axis=1,
    )

    # Localizer: get_matrix_from_vel_accel ('locs_velacc')
    acc = velocity_sequence[:, 1:] - velocity_sequence[:, :-1]
    Rmat = construct_3d_basis_from_2_vectors(velocity_sequence[:, -1], acc[:, -1])

    # Aggregate edge features back to receiver nodes (scatter-add, memory-bound)
    aggregated_edges = jax.ops.segment_sum(edge_features, receivers, num_segments=N)

    out = jnp.concatenate([node_features, aggregated_edges, Rmat.reshape(N, 9)], axis=1)
    return out

if __name__ == "__main__":
    import jax
    _d = setup_inputs()
    print(jax.jit(kernel)(*tuple(_d.values())))

</pallas_src>

<mosaic_0001>
#map = affine_map<(d0, d1) -> (0)>
module attributes {stable_mosaic.version = 14 : i64} {
  func.func @_sc_body(%arg0: i32, %arg1: i32, %arg2: memref<100000xf32, #tpu.memory_space<hbm>>, %arg3: memref<100000xf32, #tpu.memory_space<hbm>>, %arg4: memref<100000xf32, #tpu.memory_space<hbm>>, %arg5: memref<3200000xi32, #tpu.memory_space<hbm>>, %arg6: memref<3200000xi32, #tpu.memory_space<hbm>>, %arg7: memref<800000xf32, #tpu.memory_space<hbm>>, %arg8: memref<100000xf32, #tpu.memory_space<vmem_shared>>, %arg9: memref<100000xf32, #tpu.memory_space<vmem_shared>>, %arg10: memref<100000xf32, #tpu.memory_space<vmem_shared>>, %arg11: memref<100000xf32, #tpu.memory_space<vmem_shared>>, %arg12: memref<100000xf32, #tpu.memory_space<vmem_shared>>, %arg13: memref<100000xf32, #tpu.memory_space<vmem_shared>>, %arg14: memref<100000xf32, #tpu.memory_space<vmem_shared>>, %arg15: memref<4000xi32, #tpu.memory_space<vmem>>, %arg16: memref<4000xi32, #tpu.memory_space<vmem>>, %arg17: memref<4000xi32, #tpu.memory_space<vmem>>, %arg18: memref<4000xi32, #tpu.memory_space<vmem>>, %arg19: memref<4000xf32, #tpu.memory_space<vmem>>, %arg20: memref<4000xf32, #tpu.memory_space<vmem>>, %arg21: memref<4000xf32, #tpu.memory_space<vmem>>, %arg22: memref<4000xf32, #tpu.memory_space<vmem>>, %arg23: memref<4000xf32, #tpu.memory_space<vmem>>, %arg24: memref<4000xf32, #tpu.memory_space<vmem>>, %arg25: memref<4000xf32, #tpu.memory_space<vmem>>, %arg26: memref<4000xf32, #tpu.memory_space<vmem>>, %arg27: memref<4000xf32, #tpu.memory_space<vmem>>, %arg28: memref<4000xf32, #tpu.memory_space<vmem>>, %arg29: memref<4000xf32, #tpu.memory_space<vmem>>, %arg30: memref<4000xf32, #tpu.memory_space<vmem>>, %arg31: memref<4000xf32, #tpu.memory_space<vmem>>, %arg32: memref<4000xf32, #tpu.memory_space<vmem>>, %arg33: memref<4000xf32, #tpu.memory_space<vmem>>, %arg34: memref<4000xf32, #tpu.memory_space<vmem>>, %arg35: memref<4000xf32, #tpu.memory_space<vmem>>, %arg36: memref<!tpu.dma_semaphore, #tpu.memory_space<semaphore_mem>>, %arg37: memref<!tpu.dma_semaphore, #tpu.memory_space<semaphore_mem>>, %arg38: memref<!tpu.dma_semaphore, #tpu.memory_space<semaphore_mem>>) attributes {dimension_semantics = [#tpu.dimension_semantics<core_parallel>, #tpu.dimension_semantics<subcore_parallel>], iteration_bounds = array<i64: 2, 16>, scalar_prefetch = 0 : i64, scratch_operands = 31 : i64, tpu.core_type = #tpu.core_type<sc_vector_subcore>, window_params = [{transform_indices = #map}, {transform_indices = #map}, {transform_indices = #map}, {transform_indices = #map}, {transform_indices = #map}, {transform_indices = #map}]} {
    %mul3A = arith.constant 16 : i32
    %mul3A_0 = arith.muli %arg0, %mul3A : i32
    %add3A = arith.addi %mul3A_0, %arg1 : i32
    %scan3A = arith.constant 0 : i32
    %scan3A_1 = arith.constant 0 : i32
    %scan3A_2 = arith.constant 250 : i32
    %scan3A_3 = arith.addi %scan3A_1, %scan3A_2 : i32
    %scan3A_4 = arith.constant 1 : i32
    %scan3A_5 = scf.for %scan3A_122 = %scan3A_1 to %scan3A_3 step %scan3A_4 iter_args(%scan3A_123 = %scan3A) -> (i32)  : i32 {
      %broadcast_in_dim3A = arith.constant 0.000000e+00 : f32
      %broadcast_in_dim3A_124 = vector.broadcast %broadcast_in_dim3A : f32 to vector<16xf32>
      %mul3A_125 = arith.constant 16 : i32
      %mul3A_126 = arith.muli %scan3A_122, %mul3A_125 : i32
      %swap3A = arith.index_cast %mul3A_126 : i32 to index
      %swap3A_127 = tpu.vector_load %arg35[%swap3A] {strides = array<i32>} : memref<4000xf32, #tpu.memory_space<vmem>>, vector<16xf32>,
      %swap3A_128 = vector.shape_cast %swap3A_127 : vector<16xf32> to vector<16xf32>
      %swap3A_129 = vector.shape_cast %broadcast_in_dim3A_124 : vector<16xf32> to vector<16xf32>
      tpu.vector_store %arg35[%swap3A], %swap3A_129 {strides = array<i32>} : memref<4000xf32, #tpu.memory_space<vmem>>, vector<16xf32>,
      %scan3A_130 = arith.constant 0 : i32
      scf.yield %scan3A_130 : i32
    }
    %scan3A_6 = arith.constant 250 : i32
    %scan3A_7 = arith.constant 0 : i32
    %scan3A_8 = arith.constant 0 : i32
    %scan3A_9 = arith.constant 2 : i32
    %scan3A_10 = arith.addi %scan3A_8, %scan3A_9 : i32
    %scan3A_11 = arith.constant 1 : i32
    %scan3A_12 = scf.for %scan3A_122 = %scan3A_8 to %scan3A_10 step %scan3A_11 iter_args(%scan3A_123 = %scan3A_7) -> (i32)  : i32 {
      %mul3A_124 = arith.constant 16 : i32
      %mul3A_125 = arith.muli %mul3A_124, %scan3A_122 : i32
      %add3A_126 = arith.addi %arg1, %mul3A_125 : i32
      %lt3A = arith.constant 25 : i32
      %lt3A_127 = arith.cmpi slt, %add3A_126, %lt3A : i32
      %convert_element_type3A = arith.extui %lt3A_127 : i1 to i32
      %cond3A = arith.constant 0 : i32
      %cond3A_128 = arith.cmpi ne, %convert_element_type3A, %cond3A : i32
      scf.if %cond3A_128 {
        %mul3A_130 = arith.constant 4000 : i32
        %mul3A_131 = arith.muli %add3A_126, %mul3A_130 : i32
        "tpu.region"() ({
          %run_scoped3A = tpu.sem_alloc : memref<!tpu.dma_semaphore, #tpu.memory_space<semaphore_mem>>
          %dma_start3A_134 = tpu.memref_slice %arg2[%mul3A_131] : memref<100000xf32, #tpu.memory_space<hbm>> -> memref<4000xf32, #tpu.memory_space<hbm>>
          %dma_start3A_135 = tpu.memref_slice %arg2[%mul3A_131] : memref<100000xf32, #tpu.memory_space<hbm>> -> memref<4000xf32, #tpu.memory_space<hbm>>
          tpu.enqueue_dma source(%dma_start3A_135 : memref<4000xf32, #tpu.memory_space<hbm>>) target(%arg19 : memref<4000xf32, #tpu.memory_space<vmem>>) target_semaphore(%run_scoped3A : memref<!tpu.dma_semaphore, #tpu.memory_space<semaphore_mem>>)
          %dma_wait3A_136 = tpu.memref_slice %arg2[%mul3A_131] : memref<100000xf32, #tpu.memory_space<hbm>> -> memref<4000xf32, #tpu.memory_space<hbm>>
          %dma_wait3A_137 = tpu.memref_slice %arg2[%mul3A_131] : memref<100000xf32, #tpu.memory_space<hbm>> -> memref<4000xf32, #tpu.memory_space<hbm>>
          tpu.wait_dma2 semaphore(%run_scoped3A : memref<!tpu.dma_semaphore, #tpu.memory_space<semaphore_mem>>) src(%dma_wait3A_137 : memref<4000xf32, #tpu.memory_space<hbm>>) dst(%arg19 : memref<4000xf32, #tpu.memory_space<vmem>>)
          tpu.yield
        }) : () -> ()
        %mul3A_132 = arith.constant 4000 : i32
        %mul3A_133 = arith.muli %add3A_126, %mul3A_132 : i32
        "tpu.region"() ({
          %run_scoped3A = tpu.sem_alloc : memref<!tpu.dma_semaphore, #tpu.memory_space<semaphore_mem>>
          %dma_start3A_134 = tpu.memref_slice %arg8[%mul3A_133] : memref<100000xf32, #tpu.memory_space<vmem_shared>> -> memref<4000xf32, #tpu.memory_space<vmem_shared>>
          %dma_start3A_135 = tpu.memref_slice %arg8[%mul3A_133] : memref<100000xf32, #tpu.memory_space<vmem_shared>> -> memref<4000xf32, #tpu.memory_space<vmem_shared>>
          tpu.enqueue_dma source(%arg19 : memref<4000xf32, #tpu.memory_space<vmem>>) target(%dma_start3A_135 : memref<4000xf32, #tpu.memory_space<vmem_shared>>) target_semaphore(%run_scoped3A : memref<!tpu.dma_semaphore, #tpu.memory_space<semaphore_mem>>)
          %dma_wait3A_136 = tpu.memref_slice %arg8[%mul3A_133] : memref<100000xf32, #tpu.memory_space<vmem_shared>> -> memref<4000xf32, #tpu.memory_space<vmem_shared>>
          %dma_wait3A_137 = tpu.memref_slice %arg8[%mul3A_133] : memref<100000xf32, #tpu.memory_space<vmem_shared>> -> memref<4000xf32, #tpu.memory_space<vmem_shared>>
          tpu.wait_dma2 semaphore(%run_scoped3A : memref<!tpu.dma_semaphore, #tpu.memory_space<semaphore_mem>>) src(%arg19 : memref<4000xf32, #tpu.memory_space<vmem>>) dst(%dma_wait3A_137 : memref<4000xf32, #tpu.memory_space<vmem_shared>>)
          tpu.yield
        }) : () -> ()
      } else {
      }
      %scan3A_129 = arith.constant 0 : i32
      scf.yield %scan3A_129 : i32
    }
    %scan3A_13 = arith.constant 2 : i32
    %scan3A_14 = arith.constant 0 : i32
    %scan3A_15 = arith.constant 0 : i32
    %scan3A_16 = arith.constant 2 : i32
    %scan3A_17 = arith.addi %scan3A_15, %scan3A_16 : i32
    %scan3A_18 = arith.constant 1 : i32
    %scan3A_19 = scf.for %scan3A_122 = %scan3A_15 to %scan3A_17 step %scan3A_18 iter_args(%scan3A_123 = %scan3A_14) -> (i32)  : i32 {
      %mul3A_124 = arith.constant 16 : i32
      %mul3A_125 = arith.muli %mul3A_124, %scan3A_122 : i32
      %add3A_126 = arith.addi %arg1, %mul3A_125 : i32
      %lt3A = arith.constant 25 : i32
      %lt3A_127 = arith.cmpi slt, %add3A_126, %lt3A : i32
      %convert_element_type3A = arith.extui %lt3A_127 : i1 to i32
      %cond3A = arith.constant 0 : i32
      %cond3A_128 = arith.cmpi ne, %convert_element_type3A, %cond3A : i32
      scf.if %cond3A_128 {
        %mul3A_130 = arith.constant 4000 : i32
        %mul3A_131 = arith.muli %add3A_126, %mul3A_130 : i32
        "tpu.region"() ({
          %run_scoped3A = tpu.sem_alloc : memref<!tpu.dma_semaphore, #tpu.memory_space<semaphore_mem>>
          %dma_start3A_134 = tpu.memref_slice %arg3[%mul3A_131] : memref<100000xf32, #tpu.memory_space<hbm>> -> memref<4000xf32, #tpu.memory_space<hbm>>
          %dma_start3A_135 = tpu.memref_slice %arg3[%mul3A_131] : memref<100000xf32, #tpu.memory_space<hbm>> -> memref<4000xf32, #tpu.memory_space<hbm>>
          tpu.enqueue_dma source(%dma_start3A_135 : memref<4000xf32, #tpu.memory_space<hbm>>) target(%arg19 : memref<4000xf32, #tpu.memory_space<vmem>>) target_semaphore(%run_scoped3A : memref<!tpu.dma_semaphore, #tpu.memory_space<semaphore_mem>>)
          %dma_wait3A_136 = tpu.memref_slice %arg3[%mul3A_131] : memref<100000xf32, #tpu.memory_space<hbm>> -> memref<4000xf32, #tpu.memory_space<hbm>>
          %dma_wait3A_137 = tpu.memref_slice %arg3[%mul3A_131] : memref<100000xf32, #tpu.memory_space<hbm>> -> memref<4000xf32, #tpu.memory_space<hbm>>
          tpu.wait_dma2 semaphore(%run_scoped3A : memref<!tpu.dma_semaphore, #tpu.memory_space<semaphore_mem>>) src(%dma_wait3A_137 : memref<4000xf32, #tpu.memory_space<hbm>>) dst(%arg19 : memref<4000xf32, #tpu.memory_space<vmem>>)
          tpu.yield
        }) : () -> ()
        %mul3A_132 = arith.constant 4000 : i32
        %mul3A_133 = arith.muli %add3A_126, %mul3A_132 : i32
        "tpu.region"() ({
          %run_scoped3A = tpu.sem_alloc : memref<!tpu.dma_semaphore, #tpu.memory_space<semaphore_mem>>
          %dma_start3A_134 = tpu.memref_slice %arg9[%mul3A_133] : memref<100000xf32, #tpu.memory_space<vmem_shared>> -> memref<4000xf32, #tpu.memory_space<vmem_shared>>
          %dma_start3A_135 = tpu.memref_slice %arg9[%mul3A_133] : memref<100000xf32, #tpu.memory_space<vmem_shared>> -> memref<4000xf32, #tpu.memory_space<vmem_shared>>
          tpu.enqueue_dma source(%arg19 : memref<4000xf32, #tpu.memory_space<vmem>>) target(%dma_start3A_135 : memref<4000xf32, #tpu.memory_space<vmem_shared>>) target_semaphore(%run_scoped3A : memref<!tpu.dma_semaphore, #tpu.memory_space<semaphore_mem>>)
          %dma_wait3A_136 = tpu.memref_slice %arg9[%mul3A_133] : memref<100000xf32, #tpu.memory_space<vmem_shared>> -> memref<4000xf32, #tpu.memory_space<vmem_shared>>
          %dma_wait3A_137 = tpu.memref_slice %arg9[%mul3A_133] : memref<100000xf32, #tpu.memory_space<vmem_shared>> -> memref<4000xf32, #tpu.memory_space<vmem_shared>>
          tpu.wait_dma2 semaphore(%run_scoped3A : memref<!tpu.dma_semaphore, #tpu.memory_space<semaphore_mem>>) src(%arg19 : memref<4000xf32, #tpu.memory_space<vmem>>) dst(%dma_wait3A_137 : memref<4000xf32, #tpu.memory_space<vmem_shared>>)
          tpu.yield
        }) : () -> ()
      } else {
      }
      %scan3A_129 = arith.constant 0 : i32
      scf.yield %scan3A_129 : i32
    }
    %scan3A_20 = arith.constant 2 : i32
    %scan3A_21 = arith.constant 0 : i32
    %scan3A_22 = arith.constant 0 : i32
    %scan3A_23 = arith.constant 2 : i32
    %scan3A_24 = arith.addi %scan3A_22, %scan3A_23 : i32
    %scan3A_25 = arith.constant 1 : i32
    %scan3A_26 = scf.for %scan3A_122 = %scan3A_22 to %scan3A_24 step %scan3A_25 iter_args(%scan3A_123 = %scan3A_21) -> (i32)  : i32 {
      %mul3A_124 = arith.constant 16 : i32
      %mul3A_125 = arith.muli %mul3A_124, %scan3A_122 : i32
      %add3A_126 = arith.addi %arg1, %mul3A_125 : i32
      %lt3A = arith.constant 25 : i32
      %lt3A_127 = arith.cmpi slt, %add3A_126, %lt3A : i32
      %convert_element_type3A = arith.extui %lt3A_127 : i1 to i32
      %cond3A = arith.constant 0 : i32
      %cond3A_128 = arith.cmpi ne, %convert_element_type3A, %cond3A : i32
      scf.if %cond3A_128 {
        %mul3A_130 = arith.constant 4000 : i32
        %mul3A_131 = arith.muli %add3A_126, %mul3A_130 : i32
        "tpu.region"() ({
          %run_scoped3A = tpu.sem_alloc : memref<!tpu.dma_semaphore, #tpu.memory_space<semaphore_mem>>
          %dma_start3A_134 = tpu.memref_slice %arg4[%mul3A_131] : memref<100000xf32, #tpu.memory_space<hbm>> -> memref<4000xf32, #tpu.memory_space<hbm>>
          %dma_start3A_135 = tpu.memref_slice %arg4[%mul3A_131] : memref<100000xf32, #tpu.memory_space<hbm>> -> memref<4000xf32, #tpu.memory_space<hbm>>
          tpu.enqueue_dma source(%dma_start3A_135 : memref<4000xf32, #tpu.memory_space<hbm>>) target(%arg19 : memref<4000xf32, #tpu.memory_space<vmem>>) target_semaphore(%run_scoped3A : memref<!tpu.dma_semaphore, #tpu.memory_space<semaphore_mem>>)
          %dma_wait3A_136 = tpu.memref_slice %arg4[%mul3A_131] : memref<100000xf32, #tpu.memory_space<hbm>> -> memref<4000xf32, #tpu.memory_space<hbm>>
          %dma_wait3A_137 = tpu.memref_slice %arg4[%mul3A_131] : memref<100000xf32, #tpu.memory_space<hbm>> -> memref<4000xf32, #tpu.memory_space<hbm>>
          tpu.wait_dma2 semaphore(%run_scoped3A : memref<!tpu.dma_semaphore, #tpu.memory_space<semaphore_mem>>) src(%dma_wait3A_137 : memref<4000xf32, #tpu.memory_space<hbm>>) dst(%arg19 : memref<4000xf32, #tpu.memory_space<vmem>>)
          tpu.yield
        }) : () -> ()
        %mul3A_132 = arith.constant 4000 : i32
        %mul3A_133 = arith.muli %add3A_126, %mul3A_132 : i32
        "tpu.region"() ({
          %run_scoped3A = tpu.sem_alloc : memref<!tpu.dma_semaphore, #tpu.memory_space<semaphore_mem>>
          %dma_start3A_134 = tpu.memref_slice %arg10[%mul3A_133] : memref<100000xf32, #tpu.memory_space<vmem_shared>> -> memref<4000xf32, #tpu.memory_space<vmem_shared>>
          %dma_start3A_135 = tpu.memref_slice %arg10[%mul3A_133] : memref<100000xf32, #tpu.memory_space<vmem_shared>> -> memref<4000xf32, #tpu.memory_space<vmem_shared>>
          tpu.enqueue_dma source(%arg19 : memref<4000xf32, #tpu.memory_space<vmem>>) target(%dma_start3A_135 : memref<4000xf32, #tpu.memory_space<vmem_shared>>) target_semaphore(%run_scoped3A : memref<!tpu.dma_semaphore, #tpu.memory_space<semaphore_mem>>)
          %dma_wait3A_136 = tpu.memref_slice %arg10[%mul3A_133] : memref<100000xf32, #tpu.memory_space<vmem_shared>> -> memref<4000xf32, #tpu.memory_space<vmem_shared>>
          %dma_wait3A_137 = tpu.memref_slice %arg10[%mul3A_133] : memref<100000xf32, #tpu.memory_space<vmem_shared>> -> memref<4000xf32, #tpu.memory_space<vmem_shared>>
          tpu.wait_dma2 semaphore(%run_scoped3A : memref<!tpu.dma_semaphore, #tpu.memory_space<semaphore_mem>>) src(%arg19 : memref<4000xf32, #tpu.memory_space<vmem>>) dst(%dma_wait3A_137 : memref<4000xf32, #tpu.memory_space<vmem_shared>>)
          tpu.yield
        }) : () -> ()
      } else {
      }
      %scan3A_129 = arith.constant 0 : i32
      scf.yield %scan3A_129 : i32
    }
    %scan3A_27 = arith.constant 2 : i32
    %scan3A_28 = arith.constant 0 : i32
    %scan3A_29 = arith.constant 0 : i32
    %scan3A_30 = arith.constant 2 : i32
    %scan3A_31 = arith.addi %scan3A_29, %scan3A_30 : i32
    %scan3A_32 = arith.constant 1 : i32
    %scan3A_33 = scf.for %scan3A_122 = %scan3A_29 to %scan3A_31 step %scan3A_32 iter_args(%scan3A_123 = %scan3A_28) -> (i32)  : i32 {
      %mul3A_124 = arith.constant 16 : i32
      %mul3A_125 = arith.muli %mul3A_124, %scan3A_122 : i32
      %add3A_126 = arith.addi %arg1, %mul3A_125 : i32
      %lt3A = arith.constant 25 : i32
      %lt3A_127 = arith.cmpi slt, %add3A_126, %lt3A : i32
      %convert_element_type3A = arith.extui %lt3A_127 : i1 to i32
      %cond3A = arith.constant 0 : i32
      %cond3A_128 = arith.cmpi ne, %convert_element_type3A, %cond3A : i32
      scf.if %cond3A_128 {
        %mul3A_130 = arith.constant 4000 : i32
        %mul3A_131 = arith.muli %add3A_126, %mul3A_130 : i32
        "tpu.region"() ({
          %run_scoped3A = tpu.sem_alloc : memref<!tpu.dma_semaphore, #tpu.memory_space<semaphore_mem>>
          %dma_start3A_132 = tpu.memref_slice %arg11[%mul3A_131] : memref<100000xf32, #tpu.memory_space<vmem_shared>> -> memref<4000xf32, #tpu.memory_space<vmem_shared>>
          %dma_start3A_133 = tpu.memref_slice %arg11[%mul3A_131] : memref<100000xf32, #tpu.memory_space<vmem_shared>> -> memref<4000xf32, #tpu.memory_space<vmem_shared>>
          tpu.enqueue_dma source(%arg35 : memref<4000xf32, #tpu.memory_space<vmem>>) target(%dma_start3A_133 : memref<4000xf32, #tpu.memory_space<vmem_shared>>) target_semaphore(%run_scoped3A : memref<!tpu.dma_semaphore, #tpu.memory_space<semaphore_mem>>)
          %dma_wait3A_134 = tpu.memref_slice %arg11[%mul3A_131] : memref<100000xf32, #tpu.memory_space<vmem_shared>> -> memref<4000xf32, #tpu.memory_space<vmem_shared>>
          %dma_wait3A_135 = tpu.memref_slice %arg11[%mul3A_131] : memref<100000xf32, #tpu.memory_space<vmem_shared>> -> memref<4000xf32, #tpu.memory_space<vmem_shared>>
          tpu.wait_dma2 semaphore(%run_scoped3A : memref<!tpu.dma_semaphore, #tpu.memory_space<semaphore_mem>>) src(%arg35 : memref<4000xf32, #tpu.memory_space<vmem>>) dst(%dma_wait3A_135 : memref<4000xf32, #tpu.memory_space<vmem_shared>>)
          tpu.yield
        }) : () -> ()
      } else {
      }
      %scan3A_129 = arith.constant 0 : i32
      scf.yield %scan3A_129 : i32
    }
    %scan3A_34 = arith.constant 2 : i32
    %scan3A_35 = arith.constant 0 : i32
    %scan3A_36 = arith.constant 0 : i32
    %scan3A_37 = arith.constant 2 : i32
    %scan3A_38 = arith.addi %scan3A_36, %scan3A_37 : i32
    %scan3A_39 = arith.constant 1 : i32
    %scan3A_40 = scf.for %scan3A_122 = %scan3A_36 to %scan3A_38 step %scan3A_39 iter_args(%scan3A_123 = %scan3A_35) -> (i32)  : i32 {
      %mul3A_124 = arith.constant 16 : i32
      %mul3A_125 = arith.muli %mul3A_124, %scan3A_122 : i32
      %add3A_126 = arith.addi %arg1, %mul3A_125 : i32
      %lt3A = arith.constant 25 : i32
      %lt3A_127 = arith.cmpi slt, %add3A_126, %lt3A : i32
      %convert_element_type3A = arith.extui %lt3A_127 : i1 to i32
      %cond3A = arith.constant 0 : i32
      %cond3A_128 = arith.cmpi ne, %convert_element_type3A, %cond3A : i32
      scf.if %cond3A_128 {
        %mul3A_130 = arith.constant 4000 : i32
        %mul3A_131 = arith.muli %add3A_126, %mul3A_130 : i32
        "tpu.region"() ({
          %run_scoped3A = tpu.sem_alloc : memref<!tpu.dma_semaphore, #tpu.memory_space<semaphore_mem>>
          %dma_start3A_132 = tpu.memref_slice %arg12[%mul3A_131] : memref<100000xf32, #tpu.memory_space<vmem_shared>> -> memref<4000xf32, #tpu.memory_space<vmem_shared>>
          %dma_start3A_133 = tpu.memref_slice %arg12[%mul3A_131] : memref<100000xf32, #tpu.memory_space<vmem_shared>> -> memref<4000xf32, #tpu.memory_space<vmem_shared>>
          tpu.enqueue_dma source(%arg35 : memref<4000xf32, #tpu.memory_space<vmem>>) target(%dma_start3A_133 : memref<4000xf32, #tpu.memory_space<vmem_shared>>) target_semaphore(%run_scoped3A : memref<!tpu.dma_semaphore, #tpu.memory_space<semaphore_mem>>)
          %dma_wait3A_134 = tpu.memref_slice %arg12[%mul3A_131] : memref<100000xf32, #tpu.memory_space<vmem_shared>> -> memref<4000xf32, #tpu.memory_space<vmem_shared>>
          %dma_wait3A_135 = tpu.memref_slice %arg12[%mul3A_131] : memref<100000xf32, #tpu.memory_space<vmem_shared>> -> memref<4000xf32, #tpu.memory_space<vmem_shared>>
          tpu.wait_dma2 semaphore(%run_scoped3A : memref<!tpu.dma_semaphore, #tpu.memory_space<semaphore_mem>>) src(%arg35 : memref<4000xf32, #tpu.memory_space<vmem>>) dst(%dma_wait3A_135 : memref<4000xf32, #tpu.memory_space<vmem_shared>>)
          tpu.yield
        }) : () -> ()
      } else {
      }
      %scan3A_129 = arith.constant 0 : i32
      scf.yield %scan3A_129 : i32
    }
    %scan3A_41 = arith.constant 2 : i32
    %scan3A_42 = arith.constant 0 : i32
    %scan3A_43 = arith.constant 0 : i32
    %scan3A_44 = arith.constant 2 : i32
    %scan3A_45 = arith.addi %scan3A_43, %scan3A_44 : i32
    %scan3A_46 = arith.constant 1 : i32
    %scan3A_47 = scf.for %scan3A_122 = %scan3A_43 to %scan3A_45 step %scan3A_46 iter_args(%scan3A_123 = %scan3A_42) -> (i32)  : i32 {
      %mul3A_124 = arith.constant 16 : i32
      %mul3A_125 = arith.muli %mul3A_124, %scan3A_122 : i32
      %add3A_126 = arith.addi %arg1, %mul3A_125 : i32
      %lt3A = arith.constant 25 : i32
      %lt3A_127 = arith.cmpi slt, %add3A_126, %lt3A : i32
      %convert_element_type3A = arith.extui %lt3A_127 : i1 to i32
      %cond3A = arith.constant 0 : i32
      %cond3A_128 = arith.cmpi ne, %convert_element_type3A, %cond3A : i32
      scf.if %cond3A_128 {
        %mul3A_130 = arith.constant 4000 : i32
        %mul3A_131 = arith.muli %add3A_126, %mul3A_130 : i32
        "tpu.region"() ({
          %run_scoped3A = tpu.sem_alloc : memref<!tpu.dma_semaphore, #tpu.memory_space<semaphore_mem>>
          %dma_start3A_132 = tpu.memref_slice %arg13[%mul3A_131] : memref<100000xf32, #tpu.memory_space<vmem_shared>> -> memref<4000xf32, #tpu.memory_space<vmem_shared>>
          %dma_start3A_133 = tpu.memref_slice %arg13[%mul3A_131] : memref<100000xf32, #tpu.memory_space<vmem_shared>> -> memref<4000xf32, #tpu.memory_space<vmem_shared>>
          tpu.enqueue_dma source(%arg35 : memref<4000xf32, #tpu.memory_space<vmem>>) target(%dma_start3A_133 : memref<4000xf32, #tpu.memory_space<vmem_shared>>) target_semaphore(%run_scoped3A : memref<!tpu.dma_semaphore, #tpu.memory_space<semaphore_mem>>)
          %dma_wait3A_134 = tpu.memref_slice %arg13[%mul3A_131] : memref<100000xf32, #tpu.memory_space<vmem_shared>> -> memref<4000xf32, #tpu.memory_space<vmem_shared>>
          %dma_wait3A_135 = tpu.memref_slice %arg13[%mul3A_131] : memref<100000xf32, #tpu.memory_space<vmem_shared>> -> memref<4000xf32, #tpu.memory_space<vmem_shared>>
          tpu.wait_dma2 semaphore(%run_scoped3A : memref<!tpu.dma_semaphore, #tpu.memory_space<semaphore_mem>>) src(%arg35 : memref<4000xf32, #tpu.memory_space<vmem>>) dst(%dma_wait3A_135 : memref<4000xf32, #tpu.memory_space<vmem_shared>>)
          tpu.yield
        }) : () -> ()
      } else {
      }
      %scan3A_129 = arith.constant 0 : i32
      scf.yield %scan3A_129 : i32
    }
    %scan3A_48 = arith.constant 2 : i32
    %scan3A_49 = arith.constant 0 : i32
    %scan3A_50 = arith.constant 0 : i32
    %scan3A_51 = arith.constant 2 : i32
    %scan3A_52 = arith.addi %scan3A_50, %scan3A_51 : i32
    %scan3A_53 = arith.constant 1 : i32
    %scan3A_54 = scf.for %scan3A_122 = %scan3A_50 to %scan3A_52 step %scan3A_53 iter_args(%scan3A_123 = %scan3A_49) -> (i32)  : i32 {
      %mul3A_124 = arith.constant 16 : i32
      %mul3A_125 = arith.muli %mul3A_124, %scan3A_122 : i32
      %add3A_126 = arith.addi %arg1, %mul3A_125 : i32
      %lt3A = arith.constant 25 : i32
      %lt3A_127 = arith.cmpi slt, %add3A_126, %lt3A : i32
      %convert_element_type3A = arith.extui %lt3A_127 : i1 to i32
      %cond3A = arith.constant 0 : i32
      %cond3A_128 = arith.cmpi ne, %convert_element_type3A, %cond3A : i32
      scf.if %cond3A_128 {
        %mul3A_130 = arith.constant 4000 : i32
        %mul3A_131 = arith.muli %add3A_126, %mul3A_130 : i32
        "tpu.region"() ({
          %run_scoped3A = tpu.sem_alloc : memref<!tpu.dma_semaphore, #tpu.memory_space<semaphore_mem>>
          %dma_start3A_132 = tpu.memref_slice %arg14[%mul3A_131] : memref<100000xf32, #tpu.memory_space<vmem_shared>> -> memref<4000xf32, #tpu.memory_space<vmem_shared>>
          %dma_start3A_133 = tpu.memref_slice %arg14[%mul3A_131] : memref<100000xf32, #tpu.memory_space<vmem_shared>> -> memref<4000xf32, #tpu.memory_space<vmem_shared>>
          tpu.enqueue_dma source(%arg35 : memref<4000xf32, #tpu.memory_space<vmem>>) target(%dma_start3A_133 : memref<4000xf32, #tpu.memory_space<vmem_shared>>) target_semaphore(%run_scoped3A : memref<!tpu.dma_semaphore, #tpu.memory_space<semaphore_mem>>)
          %dma_wait3A_134 = tpu.memref_slice %arg14[%mul3A_131] : memref<100000xf32, #tpu.memory_space<vmem_shared>> -> memref<4000xf32, #tpu.memory_space<vmem_shared>>
          %dma_wait3A_135 = tpu.memref_slice %arg14[%mul3A_131] : memref<100000xf32, #tpu.memory_space<vmem_shared>> -> memref<4000xf32, #tpu.memory_space<vmem_shared>>
          tpu.wait_dma2 semaphore(%run_scoped3A : memref<!tpu.dma_semaphore, #tpu.memory_space<semaphore_mem>>) src(%arg35 : memref<4000xf32, #tpu.memory_space<vmem>>) dst(%dma_wait3A_135 : memref<4000xf32, #tpu.memory_space<vmem_shared>>)
          tpu.yield
        }) : () -> ()
      } else {
      }
      %scan3A_129 = arith.constant 0 : i32
      scf.yield %scan3A_129 : i32
    }
    %scan3A_55 = arith.constant 2 : i32
    %barrier3A = arith.constant 0 : index
    tpu.barrier barrier_id(%barrier3A)
    %mul3A_56 = arith.constant 100000 : i32
    %mul3A_57 = arith.muli %add3A, %mul3A_56 : i32
    %add3A_58 = arith.constant 0 : i32
    %add3A_59 = arith.addi %mul3A_57, %add3A_58 : i32
    "tpu.region"() ({
      %run_scoped3A = tpu.sem_alloc : memref<!tpu.dma_semaphore, #tpu.memory_space<semaphore_mem>>
      %dma_start3A_122 = tpu.memref_slice %arg5[%add3A_59] : memref<3200000xi32, #tpu.memory_space<hbm>> -> memref<4000xi32, #tpu.memory_space<hbm>>
      %dma_start3A_123 = tpu.memref_slice %arg5[%add3A_59] : memref<3200000xi32, #tpu.memory_space<hbm>> -> memref<4000xi32, #tpu.memory_space<hbm>>
      tpu.enqueue_dma source(%dma_start3A_123 : memref<4000xi32, #tpu.memory_space<hbm>>) target(%arg15 : memref<4000xi32, #tpu.memory_space<vmem>>) target_semaphore(%run_scoped3A : memref<!tpu.dma_semaphore, #tpu.memory_space<semaphore_mem>>)
      %dma_wait3A_124 = tpu.memref_slice %arg5[%add3A_59] : memref<3200000xi32, #tpu.memory_space<hbm>> -> memref<4000xi32, #tpu.memory_space<hbm>>
      %dma_wait3A_125 = tpu.memref_slice %arg5[%add3A_59] : memref<3200000xi32, #tpu.memory_space<hbm>> -> memref<4000xi32, #tpu.memory_space<hbm>>
      tpu.wait_dma2 semaphore(%run_scoped3A : memref<!tpu.dma_semaphore, #tpu.memory_space<semaphore_mem>>) src(%dma_wait3A_125 : memref<4000xi32, #tpu.memory_space<hbm>>) dst(%arg15 : memref<4000xi32, #tpu.memory_space<vmem>>)
      tpu.yield
    }) : () -> ()
    "tpu.region"() ({
      %run_scoped3A = tpu.sem_alloc : memref<!tpu.dma_semaphore, #tpu.memory_space<semaphore_mem>>
      %dma_start3A_122 = tpu.memref_slice %arg6[%add3A_59] : memref<3200000xi32, #tpu.memory_space<hbm>> -> memref<4000xi32, #tpu.memory_space<hbm>>
      %dma_start3A_123 = tpu.memref_slice %arg6[%add3A_59] : memref<3200000xi32, #tpu.memory_space<hbm>> -> memref<4000xi32, #tpu.memory_space<hbm>>
      tpu.enqueue_dma source(%dma_start3A_123 : memref<4000xi32, #tpu.memory_space<hbm>>) target(%arg17 : memref<4000xi32, #tpu.memory_space<vmem>>) target_semaphore(%run_scoped3A : memref<!tpu.dma_semaphore, #tpu.memory_space<semaphore_mem>>)
      %dma_wait3A_124 = tpu.memref_slice %arg6[%add3A_59] : memref<3200000xi32, #tpu.memory_space<hbm>> -> memref<4000xi32, #tpu.memory_space<hbm>>
      %dma_wait3A_125 = tpu.memref_slice %arg6[%add3A_59] : memref<3200000xi32, #tpu.memory_space<hbm>> -> memref<4000xi32, #tpu.memory_space<hbm>>
      tpu.wait_dma2 semaphore(%run_scoped3A : memref<!tpu.dma_semaphore, #tpu.memory_space<semaphore_mem>>) src(%dma_wait3A_125 : memref<4000xi32, #tpu.memory_space<hbm>>) dst(%arg17 : memref<4000xi32, #tpu.memory_space<vmem>>)
      tpu.yield
    }) : () -> ()
    %dma_start3A = arith.constant 0 : i32
    %dma_start3A_60 = tpu.memref_slice %arg8[%dma_start3A] : memref<100000xf32, #tpu.memory_space<vmem_shared>> -> memref<100000xf32, #tpu.memory_space<vmem_shared>>
    tpu.enqueue_indirect_dma source(%dma_start3A_60 : memref<100000xf32, #tpu.memory_space<vmem_shared>>) target(%arg19 : memref<4000xf32, #tpu.memory_space<vmem>>) offsets(%arg15 : memref<4000xi32, #tpu.memory_space<vmem>>) semaphore(%arg36 : memref<!tpu.dma_semaphore, #tpu.memory_space<semaphore_mem>>)
    %dma_start3A_61 = arith.constant 0 : i32
    %dma_start3A_62 = tpu.memref_slice %arg9[%dma_start3A_61] : memref<100000xf32, #tpu.memory_space<vmem_shared>> -> memref<100000xf32, #tpu.memory_space<vmem_shared>>
    tpu.enqueue_indirect_dma source(%dma_start3A_62 : memref<100000xf32, #tpu.memory_space<vmem_shared>>) target(%arg20 : memref<4000xf32, #tpu.memory_space<vmem>>) offsets(%arg15 : memref<4000xi32, #tpu.memory_space<vmem>>) semaphore(%arg36 : memref<!tpu.dma_semaphore, #tpu.memory_space<semaphore_mem>>)
    %dma_start3A_63 = arith.constant 0 : i32
    %dma_start3A_64 = tpu.memref_slice %arg10[%dma_start3A_63] : memref<100000xf32, #tpu.memory_space<vmem_shared>> -> memref<100000xf32, #tpu.memory_space<vmem_shared>>
    tpu.enqueue_indirect_dma source(%dma_start3A_64 : memref<100000xf32, #tpu.memory_space<vmem_shared>>) target(%arg21 : memref<4000xf32, #tpu.memory_space<vmem>>) offsets(%arg15 : memref<4000xi32, #tpu.memory_space<vmem>>) semaphore(%arg36 : memref<!tpu.dma_semaphore, #tpu.memory_space<semaphore_mem>>)
    %dma_start3A_65 = arith.constant 0 : i32
    %dma_start3A_66 = tpu.memref_slice %arg8[%dma_start3A_65] : memref<100000xf32, #tpu.memory_space<vmem_shared>> -> memref<100000xf32, #tpu.memory_space<vmem_shared>>
    tpu.enqueue_indirect_dma source(%dma_start3A_66 : memref<100000xf32, #tpu.memory_space<vmem_shared>>) target(%arg22 : memref<4000xf32, #tpu.memory_space<vmem>>) offsets(%arg17 : memref<4000xi32, #tpu.memory_space<vmem>>) semaphore(%arg36 : memref<!tpu.dma_semaphore, #tpu.memory_space<semaphore_mem>>)
    %dma_start3A_67 = arith.constant 0 : i32
    %dma_start3A_68 = tpu.memref_slice %arg9[%dma_start3A_67] : memref<100000xf32, #tpu.memory_space<vmem_shared>> -> memref<100000xf32, #tpu.memory_space<vmem_shared>>
    tpu.enqueue_indirect_dma source(%dma_start3A_68 : memref<100000xf32, #tpu.memory_space<vmem_shared>>) target(%arg23 : memref<4000xf32, #tpu.memory_space<vmem>>) offsets(%arg17 : memref<4000xi32, #tpu.memory_space<vmem>>) semaphore(%arg36 : memref<!tpu.dma_semaphore, #tpu.memory_space<semaphore_mem>>)
    %dma_start3A_69 = arith.constant 0 : i32
    %dma_start3A_70 = tpu.memref_slice %arg10[%dma_start3A_69] : memref<100000xf32, #tpu.memory_space<vmem_shared>> -> memref<100000xf32, #tpu.memory_space<vmem_shared>>
    tpu.enqueue_indirect_dma source(%dma_start3A_70 : memref<100000xf32, #tpu.memory_space<vmem_shared>>) target(%arg24 : memref<4000xf32, #tpu.memory_space<vmem>>) offsets(%arg17 : memref<4000xi32, #tpu.memory_space<vmem>>) semaphore(%arg36 : memref<!tpu.dma_semaphore, #tpu.memory_space<semaphore_mem>>)
    %scan3A_71 = arith.constant 0 : i32
    %scan3A_72 = arith.constant 0 : i32
    %scan3A_73 = arith.constant 25 : i32
    %scan3A_74 = arith.addi %scan3A_72, %scan3A_73 : i32
    %scan3A_75 = arith.constant 1 : i32
    %scan3A_76 = scf.for %scan3A_122 = %scan3A_72 to %scan3A_74 step %scan3A_75 iter_args(%scan3A_123 = %scan3A_71) -> (i32)  : i32 {
      %jit3A = arith.constant 2 : i32
      %eq3A = arith.constant 0 : i32
      %eq3A_124 = arith.cmpi eq, %jit3A, %eq3A : i32
      %jit3A_125 = arith.constant 1 : i32
      %select_n3A = arith.select %eq3A_124, %jit3A_125, %jit3A : i32
      %rem3A = arith.remsi %scan3A_122, %select_n3A : i32
      %ne3A = arith.constant 0 : i32
      %ne3A_126 = arith.cmpi ne, %rem3A, %ne3A : i32
      %lt3A = arith.constant 0 : i32
      %lt3A_127 = arith.cmpi slt, %rem3A, %lt3A : i32
      %lt3A_128 = arith.constant 0 : i32
      %lt3A_129 = arith.cmpi slt, %select_n3A, %lt3A_128 : i32
      %ne3A_130 = arith.xori %lt3A_127, %lt3A_129 : i1
      %and3A = arith.andi %ne3A_130, %ne3A_126 : i1
      %add3A_131 = arith.addi %rem3A, %select_n3A : i32
      %select_n3A_132 = arith.select %and3A, %add3A_131, %rem3A : i32
      %eq3A_133 = arith.constant 0 : i32
      %eq3A_134 = arith.cmpi eq, %select_n3A_132, %eq3A_133 : i32
      %convert_element_type3A = arith.extui %eq3A_134 : i1 to i32
      %cond3A = arith.constant 0 : i32
      %cond3A_135 = arith.cmpi ne, %convert_element_type3A, %cond3A : i32
      scf.if %cond3A_135 {
        %dma_wait3A_158 = arith.constant 0 : i32
        %dma_wait3A_159 = tpu.memref_slice %arg5[%dma_wait3A_158] : memref<3200000xi32, #tpu.memory_space<hbm>> -> memref<4000xi32, #tpu.memory_space<hbm>>
        %dma_wait3A_160 = arith.constant 0 : i32
        %dma_wait3A_161 = tpu.memref_slice %arg5[%dma_wait3A_160] : memref<3200000xi32, #tpu.memory_space<hbm>> -> memref<4000xi32, #tpu.memory_space<hbm>>
        tpu.wait_dma2 semaphore(%arg36 : memref<!tpu.dma_semaphore, #tpu.memory_space<semaphore_mem>>) src(%dma_wait3A_161 : memref<4000xi32, #tpu.memory_space<hbm>>) dst(%arg19 : memref<4000xf32, #tpu.memory_space<vmem>>)
        %dma_wait3A_162 = arith.constant 0 : i32
        %dma_wait3A_163 = tpu.memref_slice %arg5[%dma_wait3A_162] : memref<3200000xi32, #tpu.memory_space<hbm>> -> memref<4000xi32, #tpu.memory_space<hbm>>
        %dma_wait3A_164 = arith.constant 0 : i32
        %dma_wait3A_165 = tpu.memref_slice %arg5[%dma_wait3A_164] : memref<3200000xi32, #tpu.memory_space<hbm>> -> memref<4000xi32, #tpu.memory_space<hbm>>
        tpu.wait_dma2 semaphore(%arg36 : memref<!tpu.dma_semaphore, #tpu.memory_space<semaphore_mem>>) src(%dma_wait3A_165 : memref<4000xi32, #tpu.memory_space<hbm>>) dst(%arg20 : memref<4000xf32, #tpu.memory_space<vmem>>)
        %dma_wait3A_166 = arith.constant 0 : i32
        %dma_wait3A_167 = tpu.memref_slice %arg5[%dma_wait3A_166] : memref<3200000xi32, #tpu.memory_space<hbm>> -> memref<4000xi32, #tpu.memory_space<hbm>>
        %dma_wait3A_168 = arith.constant 0 : i32
        %dma_wait3A_169 = tpu.memref_slice %arg5[%dma_wait3A_168] : memref<3200000xi32, #tpu.memory_space<hbm>> -> memref<4000xi32, #tpu.memory_space<hbm>>
        tpu.wait_dma2 semaphore(%arg36 : memref<!tpu.dma_semaphore, #tpu.memory_space<semaphore_mem>>) src(%dma_wait3A_169 : memref<4000xi32, #tpu.memory_space<hbm>>) dst(%arg21 : memref<4000xf32, #tpu.memory_space<vmem>>)
        %dma_wait3A_170 = arith.constant 0 : i32
        %dma_wait3A_171 = tpu.memref_slice %arg5[%dma_wait3A_170] : memref<3200000xi32, #tpu.memory_space<hbm>> -> memref<4000xi32, #tpu.memory_space<hbm>>
        %dma_wait3A_172 = arith.constant 0 : i32
        %dma_wait3A_173 = tpu.memref_slice %arg5[%dma_wait3A_172] : memref<3200000xi32, #tpu.memory_space<hbm>> -> memref<4000xi32, #tpu.memory_space<hbm>>
        tpu.wait_dma2 semaphore(%arg36 : memref<!tpu.dma_semaphore, #tpu.memory_space<semaphore_mem>>) src(%dma_wait3A_173 : memref<4000xi32, #tpu.memory_space<hbm>>) dst(%arg22 : memref<4000xf32, #tpu.memory_space<vmem>>)
        %dma_wait3A_174 = arith.constant 0 : i32
        %dma_wait3A_175 = tpu.memref_slice %arg5[%dma_wait3A_174] : memref<3200000xi32, #tpu.memory_space<hbm>> -> memref<4000xi32, #tpu.memory_space<hbm>>
        %dma_wait3A_176 = arith.constant 0 : i32
        %dma_wait3A_177 = tpu.memref_slice %arg5[%dma_wait3A_176] : memref<3200000xi32, #tpu.memory_space<hbm>> -> memref<4000xi32, #tpu.memory_space<hbm>>
        tpu.wait_dma2 semaphore(%arg36 : memref<!tpu.dma_semaphore, #tpu.memory_space<semaphore_mem>>) src(%dma_wait3A_177 : memref<4000xi32, #tpu.memory_space<hbm>>) dst(%arg23 : memref<4000xf32, #tpu.memory_space<vmem>>)
        %dma_wait3A_178 = arith.constant 0 : i32
        %dma_wait3A_179 = tpu.memref_slice %arg5[%dma_wait3A_178] : memref<3200000xi32, #tpu.memory_space<hbm>> -> memref<4000xi32, #tpu.memory_space<hbm>>
        %dma_wait3A_180 = arith.constant 0 : i32
        %dma_wait3A_181 = tpu.memref_slice %arg5[%dma_wait3A_180] : memref<3200000xi32, #tpu.memory_space<hbm>> -> memref<4000xi32, #tpu.memory_space<hbm>>
        tpu.wait_dma2 semaphore(%arg36 : memref<!tpu.dma_semaphore, #tpu.memory_space<semaphore_mem>>) src(%dma_wait3A_181 : memref<4000xi32, #tpu.memory_space<hbm>>) dst(%arg24 : memref<4000xf32, #tpu.memory_space<vmem>>)
        %gt3A = arith.constant 0 : i32
        %gt3A_182 = arith.cmpi sgt, %scan3A_122, %gt3A : i32
        %convert_element_type3A_183 = arith.extui %gt3A_182 : i1 to i32
        %cond3A_184 = arith.constant 0 : i32
        %cond3A_185 = arith.cmpi ne, %convert_element_type3A_183, %cond3A_184 : i32
        scf.if %cond3A_185 {
          %dma_wait3A_208 = arith.constant 0 : i32
          %dma_wait3A_209 = tpu.memref_slice %arg5[%dma_wait3A_208] : memref<3200000xi32, #tpu.memory_space<hbm>> -> memref<4000xi32, #tpu.memory_space<hbm>>
          %dma_wait3A_210 = arith.constant 0 : i32
          %dma_wait3A_211 = tpu.memref_slice %arg5[%dma_wait3A_210] : memref<3200000xi32, #tpu.memory_space<hbm>> -> memref<4000xi32, #tpu.memory_space<hbm>>
          tpu.wait_dma2 semaphore(%arg38 : memref<!tpu.dma_semaphore, #tpu.memory_space<semaphore_mem>>) src(%dma_wait3A_211 : memref<4000xi32, #tpu.memory_space<hbm>>) dst(%arg31 : memref<4000xf32, #tpu.memory_space<vmem>>)
          %dma_wait3A_212 = arith.constant 0 : i32
          %dma_wait3A_213 = tpu.memref_slice %arg5[%dma_wait3A_212] : memref<3200000xi32, #tpu.memory_space<hbm>> -> memref<4000xi32, #tpu.memory_space<hbm>>
          %dma_wait3A_214 = arith.constant 0 : i32
          %dma_wait3A_215 = tpu.memref_slice %arg5[%dma_wait3A_214] : memref<3200000xi32, #tpu.memory_space<hbm>> -> memref<4000xi32, #tpu.memory_space<hbm>>
          tpu.wait_dma2 semaphore(%arg38 : memref<!tpu.dma_semaphore, #tpu.memory_space<semaphore_mem>>) src(%dma_wait3A_215 : memref<4000xi32, #tpu.memory_space<hbm>>) dst(%arg32 : memref<4000xf32, #tpu.memory_space<vmem>>)
          %dma_wait3A_216 = arith.constant 0 : i32
          %dma_wait3A_217 = tpu.memref_slice %arg5[%dma_wait3A_216] : memref<3200000xi32, #tpu.memory_space<hbm>> -> memref<4000xi32, #tpu.memory_space<hbm>>
          %dma_wait3A_218 = arith.constant 0 : i32
          %dma_wait3A_219 = tpu.memref_slice %arg5[%dma_wait3A_218] : memref<3200000xi32, #tpu.memory_space<hbm>> -> memref<4000xi32, #tpu.memory_space<hbm>>
          tpu.wait_dma2 semaphore(%arg38 : memref<!tpu.dma_semaphore, #tpu.memory_space<semaphore_mem>>) src(%dma_wait3A_219 : memref<4000xi32, #tpu.memory_space<hbm>>) dst(%arg33 : memref<4000xf32, #tpu.memory_space<vmem>>)
          %dma_wait3A_220 = arith.constant 0 : i32
          %dma_wait3A_221 = tpu.memref_slice %arg5[%dma_wait3A_220] : memref<3200000xi32, #tpu.memory_space<hbm>> -> memref<4000xi32, #tpu.memory_space<hbm>>
          %dma_wait3A_222 = arith.constant 0 : i32
          %dma_wait3A_223 = tpu.memref_slice %arg5[%dma_wait3A_222] : memref<3200000xi32, #tpu.memory_space<hbm>> -> memref<4000xi32, #tpu.memory_space<hbm>>
          tpu.wait_dma2 semaphore(%arg38 : memref<!tpu.dma_semaphore, #tpu.memory_space<semaphore_mem>>) src(%dma_wait3A_223 : memref<4000xi32, #tpu.memory_space<hbm>>) dst(%arg34 : memref<4000xf32, #tpu.memory_space<vmem>>)
        } else {
        }
        %add3A_186 = arith.constant 1 : i32
        %add3A_187 = arith.addi %scan3A_122, %add3A_186 : i32
        %lt3A_188 = arith.constant 25 : i32
        %lt3A_189 = arith.cmpi slt, %add3A_187, %lt3A_188 : i32
        %convert_element_type3A_190 = arith.extui %lt3A_189 : i1 to i32
        %cond3A_191 = arith.constant 0 : i32
        %cond3A_192 = arith.cmpi ne, %convert_element_type3A_190, %cond3A_191 : i32
        scf.if %cond3A_192 {
          %add3A_208 = arith.constant 1 : i32
          %add3A_209 = arith.addi %scan3A_122, %add3A_208 : i32
          %mul3A_210 = arith.constant 100000 : i32
          %mul3A_211 = arith.muli %add3A, %mul3A_210 : i32
          %mul3A_212 = arith.constant 4000 : i32
          %mul3A_213 = arith.muli %add3A_209, %mul3A_212 : i32
          %add3A_214 = arith.addi %mul3A_211, %mul3A_213 : i32
          "tpu.region"() ({
            %run_scoped3A = tpu.sem_alloc : memref<!tpu.dma_semaphore, #tpu.memory_space<semaphore_mem>>
            %dma_start3A_227 = tpu.memref_slice %arg5[%add3A_214] : memref<3200000xi32, #tpu.memory_space<hbm>> -> memref<4000xi32, #tpu.memory_space<hbm>>
            %dma_start3A_228 = tpu.memref_slice %arg5[%add3A_214] : memref<3200000xi32, #tpu.memory_space<hbm>> -> memref<4000xi32, #tpu.memory_space<hbm>>
            tpu.enqueue_dma source(%dma_start3A_228 : memref<4000xi32, #tpu.memory_space<hbm>>) target(%arg16 : memref<4000xi32, #tpu.memory_space<vmem>>) target_semaphore(%run_scoped3A : memref<!tpu.dma_semaphore, #tpu.memory_space<semaphore_mem>>)
            %dma_wait3A_229 = tpu.memref_slice %arg5[%add3A_214] : memref<3200000xi32, #tpu.memory_space<hbm>> -> memref<4000xi32, #tpu.memory_space<hbm>>
            %dma_wait3A_230 = tpu.memref_slice %arg5[%add3A_214] : memref<3200000xi32, #tpu.memory_space<hbm>> -> memref<4000xi32, #tpu.memory_space<hbm>>
            tpu.wait_dma2 semaphore(%run_scoped3A : memref<!tpu.dma_semaphore, #tpu.memory_space<semaphore_mem>>) src(%dma_wait3A_230 : memref<4000xi32, #tpu.memory_space<hbm>>) dst(%arg16 : memref<4000xi32, #tpu.memory_space<vmem>>)
            tpu.yield
          }) : () -> ()
          "tpu.region"() ({
            %run_scoped3A = tpu.sem_alloc : memref<!tpu.dma_semaphore, #tpu.memory_space<semaphore_mem>>
            %dma_start3A_227 = tpu.memref_slice %arg6[%add3A_214] : memref<3200000xi32, #tpu.memory_space<hbm>> -> memref<4000xi32, #tpu.memory_space<hbm>>
            %dma_start3A_228 = tpu.memref_slice %arg6[%add3A_214] : memref<3200000xi32, #tpu.memory_space<hbm>> -> memref<4000xi32, #tpu.memory_space<hbm>>
            tpu.enqueue_dma source(%dma_start3A_228 : memref<4000xi32, #tpu.memory_space<hbm>>) target(%arg18 : memref<4000xi32, #tpu.memory_space<vmem>>) target_semaphore(%run_scoped3A : memref<!tpu.dma_semaphore, #tpu.memory_space<semaphore_mem>>)
            %dma_wait3A_229 = tpu.memref_slice %arg6[%add3A_214] : memref<3200000xi32, #tpu.memory_space<hbm>> -> memref<4000xi32, #tpu.memory_space<hbm>>
            %dma_wait3A_230 = tpu.memref_slice %arg6[%add3A_214] : memref<3200000xi32, #tpu.memory_space<hbm>> -> memref<4000xi32, #tpu.memory_space<hbm>>
            tpu.wait_dma2 semaphore(%run_scoped3A : memref<!tpu.dma_semaphore, #tpu.memory_space<semaphore_mem>>) src(%dma_wait3A_230 : memref<4000xi32, #tpu.memory_space<hbm>>) dst(%arg18 : memref<4000xi32, #tpu.memory_space<vmem>>)
            tpu.yield
          }) : () -> ()
          %dma_start3A_215 = arith.constant 0 : i32
          %dma_start3A_216 = tpu.memref_slice %arg8[%dma_start3A_215] : memref<100000xf32, #tpu.memory_space<vmem_shared>> -> memref<100000xf32, #tpu.memory_space<vmem_shared>>
          tpu.enqueue_indirect_dma source(%dma_start3A_216 : memref<100000xf32, #tpu.memory_space<vmem_shared>>) target(%arg25 : memref<4000xf32, #tpu.memory_space<vmem>>) offsets(%arg16 : memref<4000xi32, #tpu.memory_space<vmem>>) semaphore(%arg37 : memref<!tpu.dma_semaphore, #tpu.memory_space<semaphore_mem>>)
          %dma_start3A_217 = arith.constant 0 : i32
          %dma_start3A_218 = tpu.memref_slice %arg9[%dma_start3A_217] : memref<100000xf32, #tpu.memory_space<vmem_shared>> -> memref<100000xf32, #tpu.memory_space<vmem_shared>>
          tpu.enqueue_indirect_dma source(%dma_start3A_218 : memref<100000xf32, #tpu.memory_space<vmem_shared>>) target(%arg26 : memref<4000xf32, #tpu.memory_space<vmem>>) offsets(%arg16 : memref<4000xi32, #tpu.memory_space<vmem>>) semaphore(%arg37 : memref<!tpu.dma_semaphore, #tpu.memory_space<semaphore_mem>>)
          %dma_start3A_219 = arith.constant 0 : i32
          %dma_start3A_220 = tpu.memref_slice %arg10[%dma_start3A_219] : memref<100000xf32, #tpu.memory_space<vmem_shared>> -> memref<100000xf32, #tpu.memory_space<vmem_shared>>
          tpu.enqueue_indirect_dma source(%dma_start3A_220 : memref<100000xf32, #tpu.memory_space<vmem_shared>>) target(%arg27 : memref<4000xf32, #tpu.memory_space<vmem>>) offsets(%arg16 : memref<4000xi32, #tpu.memory_space<vmem>>) semaphore(%arg37 : memref<!tpu.dma_semaphore, #tpu.memory_space<semaphore_mem>>)
          %dma_start3A_221 = arith.constant 0 : i32
          %dma_start3A_222 = tpu.memref_slice %arg8[%dma_start3A_221] : memref<100000xf32, #tpu.memory_space<vmem_shared>> -> memref<100000xf32, #tpu.memory_space<vmem_shared>>
          tpu.enqueue_indirect_dma source(%dma_start3A_222 : memref<100000xf32, #tpu.memory_space<vmem_shared>>) target(%arg28 : memref<4000xf32, #tpu.memory_space<vmem>>) offsets(%arg18 : memref<4000xi32, #tpu.memory_space<vmem>>) semaphore(%arg37 : memref<!tpu.dma_semaphore, #tpu.memory_space<semaphore_mem>>)
          %dma_start3A_223 = arith.constant 0 : i32
          %dma_start3A_224 = tpu.memref_slice %arg9[%dma_start3A_223] : memref<100000xf32, #tpu.memory_space<vmem_shared>> -> memref<100000xf32, #tpu.memory_space<vmem_shared>>
          tpu.enqueue_indirect_dma source(%dma_start3A_224 : memref<100000xf32, #tpu.memory_space<vmem_shared>>) target(%arg29 : memref<4000xf32, #tpu.memory_space<vmem>>) offsets(%arg18 : memref<4000xi32, #tpu.memory_space<vmem>>) semaphore(%arg37 : memref<!tpu.dma_semaphore, #tpu.memory_space<semaphore_mem>>)
          %dma_start3A_225 = arith.constant 0 : i32
          %dma_start3A_226 = tpu.memref_slice %arg10[%dma_start3A_225] : memref<100000xf32, #tpu.memory_space<vmem_shared>> -> memref<100000xf32, #tpu.memory_space<vmem_shared>>
          tpu.enqueue_indirect_dma source(%dma_start3A_226 : memref<100000xf32, #tpu.memory_space<vmem_shared>>) target(%arg30 : memref<4000xf32, #tpu.memory_space<vmem>>) offsets(%arg18 : memref<4000xi32, #tpu.memory_space<vmem>>) semaphore(%arg37 : memref<!tpu.dma_semaphore, #tpu.memory_space<semaphore_mem>>)
        } else {
        }
        %scan3A_193 = arith.constant 0 : i32
        %scan3A_194 = arith.constant 0 : i32
        %scan3A_195 = arith.constant 250 : i32
        %scan3A_196 = arith.addi %scan3A_194, %scan3A_195 : i32
        %scan3A_197 = arith.constant 1 : i32
        %scan3A_198 = scf.for %scan3A_208 = %scan3A_194 to %scan3A_196 step %scan3A_197 iter_args(%scan3A_209 = %scan3A_193) -> (i32)  : i32 {
          %mul3A_210 = arith.constant 16 : i32
          %mul3A_211 = arith.muli %scan3A_208, %mul3A_210 : i32
          %get3A = arith.index_cast %mul3A_211 : i32 to index
          %get3A_212 = tpu.vector_load %arg19[%get3A] {strides = array<i32>} : memref<4000xf32, #tpu.memory_space<vmem>>, vector<16xf32>,
          %get3A_213 = vector.shape_cast %get3A_212 : vector<16xf32> to vector<16xf32>
          %get3A_214 = arith.index_cast %mul3A_211 : i32 to index
          %get3A_215 = tpu.vector_load %arg22[%get3A_214] {strides = array<i32>} : memref<4000xf32, #tpu.memory_space<vmem>>, vector<16xf32>,
          %get3A_216 = vector.shape_cast %get3A_215 : vector<16xf32> to vector<16xf32>
          %sub3A = arith.subf %get3A_213, %get3A_216 : vector<16xf32>
          %mul3A_217 = arith.constant 66.6666641 : f32
          %mul3A_218 = vector.broadcast %mul3A_217 : f32 to vector<16xf32>
          %mul3A_219 = arith.mulf %sub3A, %mul3A_218 : vector<16xf32>
          %get3A_220 = arith.index_cast %mul3A_211 : i32 to index
          %get3A_221 = tpu.vector_load %arg20[%get3A_220] {strides = array<i32>} : memref<4000xf32, #tpu.memory_space<vmem>>, vector<16xf32>,
          %get3A_222 = vector.shape_cast %get3A_221 : vector<16xf32> to vector<16xf32>
          %get3A_223 = arith.index_cast %mul3A_211 : i32 to index
          %get3A_224 = tpu.vector_load %arg23[%get3A_223] {strides = array<i32>} : memref<4000xf32, #tpu.memory_space<vmem>>, vector<16xf32>,
          %get3A_225 = vector.shape_cast %get3A_224 : vector<16xf32> to vector<16xf32>
          %sub3A_226 = arith.subf %get3A_222, %get3A_225 : vector<16xf32>
          %mul3A_227 = arith.constant 66.6666641 : f32
          %mul3A_228 = vector.broadcast %mul3A_227 : f32 to vector<16xf32>
          %mul3A_229 = arith.mulf %sub3A_226, %mul3A_228 : vector<16xf32>
          %get3A_230 = arith.index_cast %mul3A_211 : i32 to index
          %get3A_231 = tpu.vector_load %arg21[%get3A_230] {strides = array<i32>} : memref<4000xf32, #tpu.memory_space<vmem>>, vector<16xf32>,
          %get3A_232 = vector.shape_cast %get3A_231 : vector<16xf32> to vector<16xf32>
          %get3A_233 = arith.index_cast %mul3A_211 : i32 to index
          %get3A_234 = tpu.vector_load %arg24[%get3A_233] {strides = array<i32>} : memref<4000xf32, #tpu.memory_space<vmem>>, vector<16xf32>,
          %get3A_235 = vector.shape_cast %get3A_234 : vector<16xf32> to vector<16xf32>
          %sub3A_236 = arith.subf %get3A_232, %get3A_235 : vector<16xf32>
          %mul3A_237 = arith.constant 66.6666641 : f32
          %mul3A_238 = vector.broadcast %mul3A_237 : f32 to vector<16xf32>
          %mul3A_239 = arith.mulf %sub3A_236, %mul3A_238 : vector<16xf32>
          %mul3A_240 = arith.mulf %mul3A_219, %mul3A_219 : vector<16xf32>
          %mul3A_241 = arith.mulf %mul3A_229, %mul3A_229 : vector<16xf32>
          %add3A_242 = arith.addf %mul3A_240, %mul3A_241 : vector<16xf32>
          %mul3A_243 = arith.mulf %mul3A_239, %mul3A_239 : vector<16xf32>
          %add3A_244 = arith.addf %add3A_242, %mul3A_243 : vector<16xf32>
          %bitcast_convert_type3A = tpu.bitcast %add3A_244 : vector<16xf32> -> vector<16xi32>
          %shift_right_logical3A = arith.constant 1 : i32
          %shift_right_logical3A_245 = vector.broadcast %shift_right_logical3A : i32 to vector<16xi32>
          %shift_right_logical3A_246 = arith.shrui %bitcast_convert_type3A, %shift_right_logical3A_245 : vector<16xi32>
          %sub3A_247 = arith.constant 1597463007 : i32
          %sub3A_248 = vector.broadcast %sub3A_247 : i32 to vector<16xi32>
          %sub3A_249 = arith.subi %sub3A_248, %shift_right_logical3A_246 : vector<16xi32>
          %bitcast_convert_type3A_250 = tpu.bitcast %sub3A_249 : vector<16xi32> -> vector<16xf32>
          %mul3A_251 = arith.constant 5.000000e-01 : f32
          %mul3A_252 = vector.broadcast %mul3A_251 : f32 to vector<16xf32>
          %mul3A_253 = arith.mulf %mul3A_252, %add3A_244 : vector<16xf32>
          %mul3A_254 = arith.mulf %mul3A_253, %bitcast_convert_type3A_250 : vector<16xf32>
          %mul3A_255 = arith.mulf %mul3A_254, %bitcast_convert_type3A_250 : vector<16xf32>
          %sub3A_256 = arith.constant 1.500000e+00 : f32
          %sub3A_257 = vector.broadcast %sub3A_256 : f32 to vector<16xf32>
          %sub3A_258 = arith.subf %sub3A_257, %mul3A_255 : vector<16xf32>
          %mul3A_259 = arith.mulf %bitcast_convert_type3A_250, %sub3A_258 : vector<16xf32>
          %mul3A_260 = arith.constant 5.000000e-01 : f32
          %mul3A_261 = vector.broadcast %mul3A_260 : f32 to vector<16xf32>
          %mul3A_262 = arith.mulf %mul3A_261, %add3A_244 : vector<16xf32>
          %mul3A_263 = arith.mulf %mul3A_262, %mul3A_259 : vector<16xf32>
          %mul3A_264 = arith.mulf %mul3A_263, %mul3A_259 : vector<16xf32>
          %sub3A_265 = arith.constant 1.500000e+00 : f32
          %sub3A_266 = vector.broadcast %sub3A_265 : f32 to vector<16xf32>
          %sub3A_267 = arith.subf %sub3A_266, %mul3A_264 : vector<16xf32>
          %mul3A_268 = arith.mulf %mul3A_259, %sub3A_267 : vector<16xf32>
          %mul3A_269 = arith.constant 5.000000e-01 : f32
          %mul3A_270 = vector.broadcast %mul3A_269 : f32 to vector<16xf32>
          %mul3A_271 = arith.mulf %mul3A_270, %add3A_244 : vector<16xf32>
          %mul3A_272 = arith.mulf %mul3A_271, %mul3A_268 : vector<16xf32>
          %mul3A_273 = arith.mulf %mul3A_272, %mul3A_268 : vector<16xf32>
          %sub3A_274 = arith.constant 1.500000e+00 : f32
          %sub3A_275 = vector.broadcast %sub3A_274 : f32 to vector<16xf32>
          %sub3A_276 = arith.subf %sub3A_275, %mul3A_273 : vector<16xf32>
          %mul3A_277 = arith.mulf %mul3A_268, %sub3A_276 : vector<16xf32>
          %mul3A_278 = arith.mulf %add3A_244, %mul3A_277 : vector<16xf32>
          %swap3A = arith.index_cast %mul3A_211 : i32 to index
          %swap3A_279 = tpu.vector_load %arg31[%swap3A] {strides = array<i32>} : memref<4000xf32, #tpu.memory_space<vmem>>, vector<16xf32>,
          %swap3A_280 = vector.shape_cast %swap3A_279 : vector<16xf32> to vector<16xf32>
          %swap3A_281 = vector.shape_cast %mul3A_219 : vector<16xf32> to vector<16xf32>
          tpu.vector_store %arg31[%swap3A], %swap3A_281 {strides = array<i32>} : memref<4000xf32, #tpu.memory_space<vmem>>, vector<16xf32>,
          %swap3A_282 = arith.index_cast %mul3A_211 : i32 to index
          %swap3A_283 = tpu.vector_load %arg32[%swap3A_282] {strides = array<i32>} : memref<4000xf32, #tpu.memory_space<vmem>>, vector<16xf32>,
          %swap3A_284 = vector.shape_cast %swap3A_283 : vector<16xf32> to vector<16xf32>
          %swap3A_285 = vector.shape_cast %mul3A_229 : vector<16xf32> to vector<16xf32>
          tpu.vector_store %arg32[%swap3A_282], %swap3A_285 {strides = array<i32>} : memref<4000xf32, #tpu.memory_space<vmem>>, vector<16xf32>,
          %swap3A_286 = arith.index_cast %mul3A_211 : i32 to index
          %swap3A_287 = tpu.vector_load %arg33[%swap3A_286] {strides = array<i32>} : memref<4000xf32, #tpu.memory_space<vmem>>, vector<16xf32>,
          %swap3A_288 = vector.shape_cast %swap3A_287 : vector<16xf32> to vector<16xf32>
          %swap3A_289 = vector.shape_cast %mul3A_239 : vector<16xf32> to vector<16xf32>
          tpu.vector_store %arg33[%swap3A_286], %swap3A_289 {strides = array<i32>} : memref<4000xf32, #tpu.memory_space<vmem>>, vector<16xf32>,
          %swap3A_290 = arith.index_cast %mul3A_211 : i32 to index
          %swap3A_291 = tpu.vector_load %arg34[%swap3A_290] {strides = array<i32>} : memref<4000xf32, #tpu.memory_space<vmem>>, vector<16xf32>,
          %swap3A_292 = vector.shape_cast %swap3A_291 : vector<16xf32> to vector<16xf32>
          %swap3A_293 = vector.shape_cast %mul3A_278 : vector<16xf32> to vector<16xf32>
          tpu.vector_store %arg34[%swap3A_290], %swap3A_293 {strides = array<i32>} : memref<4000xf32, #tpu.memory_space<vmem>>, vector<16xf32>,
          %scan3A_294 = arith.constant 0 : i32
          scf.yield %scan3A_294 : i32
        }
        %scan3A_199 = arith.constant 250 : i32
        %dma_start3A_200 = arith.constant 0 : i32
        %dma_start3A_201 = tpu.memref_slice %arg11[%dma_start3A_200] : memref<100000xf32, #tpu.memory_space<vmem_shared>> -> memref<100000xf32, #tpu.memory_space<vmem_shared>>
        tpu.enqueue_indirect_dma source(%arg31 : memref<4000xf32, #tpu.memory_space<vmem>>) target(%dma_start3A_201 : memref<100000xf32, #tpu.memory_space<vmem_shared>>) offsets(%arg17 : memref<4000xi32, #tpu.memory_space<vmem>>) semaphore(%arg38 : memref<!tpu.dma_semaphore, #tpu.memory_space<semaphore_mem>>) {add = true}
        %dma_start3A_202 = arith.constant 0 : i32
        %dma_start3A_203 = tpu.memref_slice %arg12[%dma_start3A_202] : memref<100000xf32, #tpu.memory_space<vmem_shared>> -> memref<100000xf32, #tpu.memory_space<vmem_shared>>
        tpu.enqueue_indirect_dma source(%arg32 : memref<4000xf32, #tpu.memory_space<vmem>>) target(%dma_start3A_203 : memref<100000xf32, #tpu.memory_space<vmem_shared>>) offsets(%arg17 : memref<4000xi32, #tpu.memory_space<vmem>>) semaphore(%arg38 : memref<!tpu.dma_semaphore, #tpu.memory_space<semaphore_mem>>) {add = true}
        %dma_start3A_204 = arith.constant 0 : i32
        %dma_start3A_205 = tpu.memref_slice %arg13[%dma_start3A_204] : memref<100000xf32, #tpu.memory_space<vmem_shared>> -> memref<100000xf32, #tpu.memory_space<vmem_shared>>
        tpu.enqueue_indirect_dma source(%arg33 : memref<4000xf32, #tpu.memory_space<vmem>>) target(%dma_start3A_205 : memref<100000xf32, #tpu.memory_space<vmem_shared>>) offsets(%arg17 : memref<4000xi32, #tpu.memory_space<vmem>>) semaphore(%arg38 : memref<!tpu.dma_semaphore, #tpu.memory_space<semaphore_mem>>) {add = true}
        %dma_start3A_206 = arith.constant 0 : i32
        %dma_start3A_207 = tpu.memref_slice %arg14[%dma_start3A_206] : memref<100000xf32, #tpu.memory_space<vmem_shared>> -> memref<100000xf32, #tpu.memory_space<vmem_shared>>
        tpu.enqueue_indirect_dma source(%arg34 : memref<4000xf32, #tpu.memory_space<vmem>>) target(%dma_start3A_207 : memref<100000xf32, #tpu.memory_space<vmem_shared>>) offsets(%arg17 : memref<4000xi32, #tpu.memory_space<vmem>>) semaphore(%arg38 : memref<!tpu.dma_semaphore, #tpu.memory_space<semaphore_mem>>) {add = true}
      } else {
      }
      %jit3A_136 = arith.constant 2 : i32
      %eq3A_137 = arith.constant 0 : i32
      %eq3A_138 = arith.cmpi eq, %jit3A_136, %eq3A_137 : i32
      %jit3A_139 = arith.constant 1 : i32
      %select_n3A_140 = arith.select %eq3A_138, %jit3A_139, %jit3A_136 : i32
      %rem3A_141 = arith.remsi %scan3A_122, %select_n3A_140 : i32
      %ne3A_142 = arith.constant 0 : i32
      %ne3A_143 = arith.cmpi ne, %rem3A_141, %ne3A_142 : i32
      %lt3A_144 = arith.constant 0 : i32
      %lt3A_145 = arith.cmpi slt, %rem3A_141, %lt3A_144 : i32
      %lt3A_146 = arith.constant 0 : i32
      %lt3A_147 = arith.cmpi slt, %select_n3A_140, %lt3A_146 : i32
      %ne3A_148 = arith.xori %lt3A_145, %lt3A_147 : i1
      %and3A_149 = arith.andi %ne3A_148, %ne3A_143 : i1
      %add3A_150 = arith.addi %rem3A_141, %select_n3A_140 : i32
      %select_n3A_151 = arith.select %and3A_149, %add3A_150, %rem3A_141 : i32
      %eq3A_152 = arith.constant 1 : i32
      %eq3A_153 = arith.cmpi eq, %select_n3A_151, %eq3A_152 : i32
      %convert_element_type3A_154 = arith.extui %eq3A_153 : i1 to i32
      %cond3A_155 = arith.constant 0 : i32
      %cond3A_156 = arith.cmpi ne, %convert_element_type3A_154, %cond3A_155 : i32
      scf.if %cond3A_156 {
        %dma_wait3A_158 = arith.constant 0 : i32
        %dma_wait3A_159 = tpu.memref_slice %arg5[%dma_wait3A_158] : memref<3200000xi32, #tpu.memory_space<hbm>> -> memref<4000xi32, #tpu.memory_space<hbm>>
        %dma_wait3A_160 = arith.constant 0 : i32
        %dma_wait3A_161 = tpu.memref_slice %arg5[%dma_wait3A_160] : memref<3200000xi32, #tpu.memory_space<hbm>> -> memref<4000xi32, #tpu.memory_space<hbm>>
        tpu.wait_dma2 semaphore(%arg37 : memref<!tpu.dma_semaphore, #tpu.memory_space<semaphore_mem>>) src(%dma_wait3A_161 : memref<4000xi32, #tpu.memory_space<hbm>>) dst(%arg25 : memref<4000xf32, #tpu.memory_space<vmem>>)
        %dma_wait3A_162 = arith.constant 0 : i32
        %dma_wait3A_163 = tpu.memref_slice %arg5[%dma_wait3A_162] : memref<3200000xi32, #tpu.memory_space<hbm>> -> memref<4000xi32, #tpu.memory_space<hbm>>
        %dma_wait3A_164 = arith.constant 0 : i32
        %dma_wait3A_165 = tpu.memref_slice %arg5[%dma_wait3A_164] : memref<3200000xi32, #tpu.memory_space<hbm>> -> memref<4000xi32, #tpu.memory_space<hbm>>
        tpu.wait_dma2 semaphore(%arg37 : memref<!tpu.dma_semaphore, #tpu.memory_space<semaphore_mem>>) src(%dma_wait3A_165 : memref<4000xi32, #tpu.memory_space<hbm>>) dst(%arg26 : memref<4000xf32, #tpu.memory_space<vmem>>)
        %dma_wait3A_166 = arith.constant 0 : i32
        %dma_wait3A_167 = tpu.memref_slice %arg5[%dma_wait3A_166] : memref<3200000xi32, #tpu.memory_space<hbm>> -> memref<4000xi32, #tpu.memory_space<hbm>>
        %dma_wait3A_168 = arith.constant 0 : i32
        %dma_wait3A_169 = tpu.memref_slice %arg5[%dma_wait3A_168] : memref<3200000xi32, #tpu.memory_space<hbm>> -> memref<4000xi32, #tpu.memory_space<hbm>>
        tpu.wait_dma2 semaphore(%arg37 : memref<!tpu.dma_semaphore, #tpu.memory_space<semaphore_mem>>) src(%dma_wait3A_169 : memref<4000xi32, #tpu.memory_space<hbm>>) dst(%arg27 : memref<4000xf32, #tpu.memory_space<vmem>>)
        %dma_wait3A_170 = arith.constant 0 : i32
        %dma_wait3A_171 = tpu.memref_slice %arg5[%dma_wait3A_170] : memref<3200000xi32, #tpu.memory_space<hbm>> -> memref<4000xi32, #tpu.memory_space<hbm>>
        %dma_wait3A_172 = arith.constant 0 : i32
        %dma_wait3A_173 = tpu.memref_slice %arg5[%dma_wait3A_172] : memref<3200000xi32, #tpu.memory_space<hbm>> -> memref<4000xi32, #tpu.memory_space<hbm>>
        tpu.wait_dma2 semaphore(%arg37 : memref<!tpu.dma_semaphore, #tpu.memory_space<semaphore_mem>>) src(%dma_wait3A_173 : memref<4000xi32, #tpu.memory_space<hbm>>) dst(%arg28 : memref<4000xf32, #tpu.memory_space<vmem>>)
        %dma_wait3A_174 = arith.constant 0 : i32
        %dma_wait3A_175 = tpu.memref_slice %arg5[%dma_wait3A_174] : memref<3200000xi32, #tpu.memory_space<hbm>> -> memref<4000xi32, #tpu.memory_space<hbm>>
        %dma_wait3A_176 = arith.constant 0 : i32
        %dma_wait3A_177 = tpu.memref_slice %arg5[%dma_wait3A_176] : memref<3200000xi32, #tpu.memory_space<hbm>> -> memref<4000xi32, #tpu.memory_space<hbm>>
        tpu.wait_dma2 semaphore(%arg37 : memref<!tpu.dma_semaphore, #tpu.memory_space<semaphore_mem>>) src(%dma_wait3A_177 : memref<4000xi32, #tpu.memory_space<hbm>>) dst(%arg29 : memref<4000xf32, #tpu.memory_space<vmem>>)
        %dma_wait3A_178 = arith.constant 0 : i32
        %dma_wait3A_179 = tpu.memref_slice %arg5[%dma_wait3A_178] : memref<3200000xi32, #tpu.memory_space<hbm>> -> memref<4000xi32, #tpu.memory_space<hbm>>
        %dma_wait3A_180 = arith.constant 0 : i32
        %dma_wait3A_181 = tpu.memref_slice %arg5[%dma_wait3A_180] : memref<3200000xi32, #tpu.memory_space<hbm>> -> memref<4000xi32, #tpu.memory_space<hbm>>
        tpu.wait_dma2 semaphore(%arg37 : memref<!tpu.dma_semaphore, #tpu.memory_space<semaphore_mem>>) src(%dma_wait3A_181 : memref<4000xi32, #tpu.memory_space<hbm>>) dst(%arg30 : memref<4000xf32, #tpu.memory_space<vmem>>)
        %gt3A = arith.constant 0 : i32
        %gt3A_182 = arith.cmpi sgt, %scan3A_122, %gt3A : i32
        %convert_element_type3A_183 = arith.extui %gt3A_182 : i1 to i32
        %cond3A_184 = arith.constant 0 : i32
        %cond3A_185 = arith.cmpi ne, %convert_element_type3A_183, %cond3A_184 : i32
        scf.if %cond3A_185 {
          %dma_wait3A_208 = arith.constant 0 : i32
          %dma_wait3A_209 = tpu.memref_slice %arg5[%dma_wait3A_208] : memref<3200000xi32, #tpu.memory_space<hbm>> -> memref<4000xi32, #tpu.memory_space<hbm>>
          %dma_wait3A_210 = arith.constant 0 : i32
          %dma_wait3A_211 = tpu.memref_slice %arg5[%dma_wait3A_210] : memref<3200000xi32, #tpu.memory_space<hbm>> -> memref<4000xi32, #tpu.memory_space<hbm>>
          tpu.wait_dma2 semaphore(%arg38 : memref<!tpu.dma_semaphore, #tpu.memory_space<semaphore_mem>>) src(%dma_wait3A_211 : memref<4000xi32, #tpu.memory_space<hbm>>) dst(%arg31 : memref<4000xf32, #tpu.memory_space<vmem>>)
          %dma_wait3A_212 = arith.constant 0 : i32
          %dma_wait3A_213 = tpu.memref_slice %arg5[%dma_wait3A_212] : memref<3200000xi32, #tpu.memory_space<hbm>> -> memref<4000xi32, #tpu.memory_space<hbm>>
          %dma_wait3A_214 = arith.constant 0 : i32
          %dma_wait3A_215 = tpu.memref_slice %arg5[%dma_wait3A_214] : memref<3200000xi32, #tpu.memory_space<hbm>> -> memref<4000xi32, #tpu.memory_space<hbm>>
          tpu.wait_dma2 semaphore(%arg38 : memref<!tpu.dma_semaphore, #tpu.memory_space<semaphore_mem>>) src(%dma_wait3A_215 : memref<4000xi32, #tpu.memory_space<hbm>>) dst(%arg32 : memref<4000xf32, #tpu.memory_space<vmem>>)
          %dma_wait3A_216 = arith.constant 0 : i32
          %dma_wait3A_217 = tpu.memref_slice %arg5[%dma_wait3A_216] : memref<3200000xi32, #tpu.memory_space<hbm>> -> memref<4000xi32, #tpu.memory_space<hbm>>
          %dma_wait3A_218 = arith.constant 0 : i32
          %dma_wait3A_219 = tpu.memref_slice %arg5[%dma_wait3A_218] : memref<3200000xi32, #tpu.memory_space<hbm>> -> memref<4000xi32, #tpu.memory_space<hbm>>
          tpu.wait_dma2 semaphore(%arg38 : memref<!tpu.dma_semaphore, #tpu.memory_space<semaphore_mem>>) src(%dma_wait3A_219 : memref<4000xi32, #tpu.memory_space<hbm>>) dst(%arg33 : memref<4000xf32, #tpu.memory_space<vmem>>)
          %dma_wait3A_220 = arith.constant 0 : i32
          %dma_wait3A_221 = tpu.memref_slice %arg5[%dma_wait3A_220] : memref<3200000xi32, #tpu.memory_space<hbm>> -> memref<4000xi32, #tpu.memory_space<hbm>>
          %dma_wait3A_222 = arith.constant 0 : i32
          %dma_wait3A_223 = tpu.memref_slice %arg5[%dma_wait3A_222] : memref<3200000xi32, #tpu.memory_space<hbm>> -> memref<4000xi32, #tpu.memory_space<hbm>>
          tpu.wait_dma2 semaphore(%arg38 : memref<!tpu.dma_semaphore, #tpu.memory_space<semaphore_mem>>) src(%dma_wait3A_223 : memref<4000xi32, #tpu.memory_space<hbm>>) dst(%arg34 : memref<4000xf32, #tpu.memory_space<vmem>>)
        } else {
        }
        %add3A_186 = arith.constant 1 : i32
        %add3A_187 = arith.addi %scan3A_122, %add3A_186 : i32
        %lt3A_188 = arith.constant 25 : i32
        %lt3A_189 = arith.cmpi slt, %add3A_187, %lt3A_188 : i32
        %convert_element_type3A_190 = arith.extui %lt3A_189 : i1 to i32
        %cond3A_191 = arith.constant 0 : i32
        %cond3A_192 = arith.cmpi ne, %convert_element_type3A_190, %cond3A_191 : i32
        scf.if %cond3A_192 {
          %add3A_208 = arith.constant 1 : i32
          %add3A_209 = arith.addi %scan3A_122, %add3A_208 : i32
          %mul3A_210 = arith.constant 100000 : i32
          %mul3A_211 = arith.muli %add3A, %mul3A_210 : i32
          %mul3A_212 = arith.constant 4000 : i32
          %mul3A_213 = arith.muli %add3A_209, %mul3A_212 : i32
          %add3A_214 = arith.addi %mul3A_211, %mul3A_213 : i32
          "tpu.region"() ({
            %run_scoped3A = tpu.sem_alloc : memref<!tpu.dma_semaphore, #tpu.memory_space<semaphore_mem>>
            %dma_start3A_227 = tpu.memref_slice %arg5[%add3A_214] : memref<3200000xi32, #tpu.memory_space<hbm>> -> memref<4000xi32, #tpu.memory_space<hbm>>
            %dma_start3A_228 = tpu.memref_slice %arg5[%add3A_214] : memref<3200000xi32, #tpu.memory_space<hbm>> -> memref<4000xi32, #tpu.memory_space<hbm>>
            tpu.enqueue_dma source(%dma_start3A_228 : memref<4000xi32, #tpu.memory_space<hbm>>) target(%arg15 : memref<4000xi32, #tpu.memory_space<vmem>>) target_semaphore(%run_scoped3A : memref<!tpu.dma_semaphore, #tpu.memory_space<semaphore_mem>>)
            %dma_wait3A_229 = tpu.memref_slice %arg5[%add3A_214] : memref<3200000xi32, #tpu.memory_space<hbm>> -> memref<4000xi32, #tpu.memory_space<hbm>>
            %dma_wait3A_230 = tpu.memref_slice %arg5[%add3A_214] : memref<3200000xi32, #tpu.memory_space<hbm>> -> memref<4000xi32, #tpu.memory_space<hbm>>
            tpu.wait_dma2 semaphore(%run_scoped3A : memref<!tpu.dma_semaphore, #tpu.memory_space<semaphore_mem>>) src(%dma_wait3A_230 : memref<4000xi32, #tpu.memory_space<hbm>>) dst(%arg15 : memref<4000xi32, #tpu.memory_space<vmem>>)
            tpu.yield
          }) : () -> ()
          "tpu.region"() ({
            %run_scoped3A = tpu.sem_alloc : memref<!tpu.dma_semaphore, #tpu.memory_space<semaphore_mem>>
            %dma_start3A_227 = tpu.memref_slice %arg6[%add3A_214] : memref<3200000xi32, #tpu.memory_space<hbm>> -> memref<4000xi32, #tpu.memory_space<hbm>>
            %dma_start3A_228 = tpu.memref_slice %arg6[%add3A_214] : memref<3200000xi32, #tpu.memory_space<hbm>> -> memref<4000xi32, #tpu.memory_space<hbm>>
            tpu.enqueue_dma source(%dma_start3A_228 : memref<4000xi32, #tpu.memory_space<hbm>>) target(%arg17 : memref<4000xi32, #tpu.memory_space<vmem>>) target_semaphore(%run_scoped3A : memref<!tpu.dma_semaphore, #tpu.memory_space<semaphore_mem>>)
            %dma_wait3A_229 = tpu.memref_slice %arg6[%add3A_214] : memref<3200000xi32, #tpu.memory_space<hbm>> -> memref<4000xi32, #tpu.memory_space<hbm>>
            %dma_wait3A_230 = tpu.memref_slice %arg6[%add3A_214] : memref<3200000xi32, #tpu.memory_space<hbm>> -> memref<4000xi32, #tpu.memory_space<hbm>>
            tpu.wait_dma2 semaphore(%run_scoped3A : memref<!tpu.dma_semaphore, #tpu.memory_space<semaphore_mem>>) src(%dma_wait3A_230 : memref<4000xi32, #tpu.memory_space<hbm>>) dst(%arg17 : memref<4000xi32, #tpu.memory_space<vmem>>)
            tpu.yield
          }) : () -> ()
          %dma_start3A_215 = arith.constant 0 : i32
          %dma_start3A_216 = tpu.memref_slice %arg8[%dma_start3A_215] : memref<100000xf32, #tpu.memory_space<vmem_shared>> -> memref<100000xf32, #tpu.memory_space<vmem_shared>>
          tpu.enqueue_indirect_dma source(%dma_start3A_216 : memref<100000xf32, #tpu.memory_space<vmem_shared>>) target(%arg19 : memref<4000xf32, #tpu.memory_space<vmem>>) offsets(%arg15 : memref<4000xi32, #tpu.memory_space<vmem>>) semaphore(%arg36 : memref<!tpu.dma_semaphore, #tpu.memory_space<semaphore_mem>>)
          %dma_start3A_217 = arith.constant 0 : i32
          %dma_start3A_218 = tpu.memref_slice %arg9[%dma_start3A_217] : memref<100000xf32, #tpu.memory_space<vmem_shared>> -> memref<100000xf32, #tpu.memory_space<vmem_shared>>
          tpu.enqueue_indirect_dma source(%dma_start3A_218 : memref<100000xf32, #tpu.memory_space<vmem_shared>>) target(%arg20 : memref<4000xf32, #tpu.memory_space<vmem>>) offsets(%arg15 : memref<4000xi32, #tpu.memory_space<vmem>>) semaphore(%arg36 : memref<!tpu.dma_semaphore, #tpu.memory_space<semaphore_mem>>)
          %dma_start3A_219 = arith.constant 0 : i32
          %dma_start3A_220 = tpu.memref_slice %arg10[%dma_start3A_219] : memref<100000xf32, #tpu.memory_space<vmem_shared>> -> memref<100000xf32, #tpu.memory_space<vmem_shared>>
          tpu.enqueue_indirect_dma source(%dma_start3A_220 : memref<100000xf32, #tpu.memory_space<vmem_shared>>) target(%arg21 : memref<4000xf32, #tpu.memory_space<vmem>>) offsets(%arg15 : memref<4000xi32, #tpu.memory_space<vmem>>) semaphore(%arg36 : memref<!tpu.dma_semaphore, #tpu.memory_space<semaphore_mem>>)
          %dma_start3A_221 = arith.constant 0 : i32
          %dma_start3A_222 = tpu.memref_slice %arg8[%dma_start3A_221] : memref<100000xf32, #tpu.memory_space<vmem_shared>> -> memref<100000xf32, #tpu.memory_space<vmem_shared>>
          tpu.enqueue_indirect_dma source(%dma_start3A_222 : memref<100000xf32, #tpu.memory_space<vmem_shared>>) target(%arg22 : memref<4000xf32, #tpu.memory_space<vmem>>) offsets(%arg17 : memref<4000xi32, #tpu.memory_space<vmem>>) semaphore(%arg36 : memref<!tpu.dma_semaphore, #tpu.memory_space<semaphore_mem>>)
          %dma_start3A_223 = arith.constant 0 : i32
          %dma_start3A_224 = tpu.memref_slice %arg9[%dma_start3A_223] : memref<100000xf32, #tpu.memory_space<vmem_shared>> -> memref<100000xf32, #tpu.memory_space<vmem_shared>>
          tpu.enqueue_indirect_dma source(%dma_start3A_224 : memref<100000xf32, #tpu.memory_space<vmem_shared>>) target(%arg23 : memref<4000xf32, #tpu.memory_space<vmem>>) offsets(%arg17 : memref<4000xi32, #tpu.memory_space<vmem>>) semaphore(%arg36 : memref<!tpu.dma_semaphore, #tpu.memory_space<semaphore_mem>>)
          %dma_start3A_225 = arith.constant 0 : i32
          %dma_start3A_226 = tpu.memref_slice %arg10[%dma_start3A_225] : memref<100000xf32, #tpu.memory_space<vmem_shared>> -> memref<100000xf32, #tpu.memory_space<vmem_shared>>
          tpu.enqueue_indirect_dma source(%dma_start3A_226 : memref<100000xf32, #tpu.memory_space<vmem_shared>>) target(%arg24 : memref<4000xf32, #tpu.memory_space<vmem>>) offsets(%arg17 : memref<4000xi32, #tpu.memory_space<vmem>>) semaphore(%arg36 : memref<!tpu.dma_semaphore, #tpu.memory_space<semaphore_mem>>)
        } else {
        }
        %scan3A_193 = arith.constant 0 : i32
        %scan3A_194 = arith.constant 0 : i32
        %scan3A_195 = arith.constant 250 : i32
        %scan3A_196 = arith.addi %scan3A_194, %scan3A_195 : i32
        %scan3A_197 = arith.constant 1 : i32
        %scan3A_198 = scf.for %scan3A_208 = %scan3A_194 to %scan3A_196 step %scan3A_197 iter_args(%scan3A_209 = %scan3A_193) -> (i32)  : i32 {
          %mul3A_210 = arith.constant 16 : i32
          %mul3A_211 = arith.muli %scan3A_208, %mul3A_210 : i32
          %get3A = arith.index_cast %mul3A_211 : i32 to index
          %get3A_212 = tpu.vector_load %arg25[%get3A] {strides = array<i32>} : memref<4000xf32, #tpu.memory_space<vmem>>, vector<16xf32>,
          %get3A_213 = vector.shape_cast %get3A_212 : vector<16xf32> to vector<16xf32>
          %get3A_214 = arith.index_cast %mul3A_211 : i32 to index
          %get3A_215 = tpu.vector_load %arg28[%get3A_214] {strides = array<i32>} : memref<4000xf32, #tpu.memory_space<vmem>>, vector<16xf32>,
          %get3A_216 = vector.shape_cast %get3A_215 : vector<16xf32> to vector<16xf32>
          %sub3A = arith.subf %get3A_213, %get3A_216 : vector<16xf32>
          %mul3A_217 = arith.constant 66.6666641 : f32
          %mul3A_218 = vector.broadcast %mul3A_217 : f32 to vector<16xf32>
          %mul3A_219 = arith.mulf %sub3A, %mul3A_218 : vector<16xf32>
          %get3A_220 = arith.index_cast %mul3A_211 : i32 to index
          %get3A_221 = tpu.vector_load %arg26[%get3A_220] {strides = array<i32>} : memref<4000xf32, #tpu.memory_space<vmem>>, vector<16xf32>,
          %get3A_222 = vector.shape_cast %get3A_221 : vector<16xf32> to vector<16xf32>
          %get3A_223 = arith.index_cast %mul3A_211 : i32 to index
          %get3A_224 = tpu.vector_load %arg29[%get3A_223] {strides = array<i32>} : memref<4000xf32, #tpu.memory_space<vmem>>, vector<16xf32>,
          %get3A_225 = vector.shape_cast %get3A_224 : vector<16xf32> to vector<16xf32>
          %sub3A_226 = arith.subf %get3A_222, %get3A_225 : vector<16xf32>
          %mul3A_227 = arith.constant 66.6666641 : f32
          %mul3A_228 = vector.broadcast %mul3A_227 : f32 to vector<16xf32>
          %mul3A_229 = arith.mulf %sub3A_226, %mul3A_228 : vector<16xf32>
          %get3A_230 = arith.index_cast %mul3A_211 : i32 to index
          %get3A_231 = tpu.vector_load %arg27[%get3A_230] {strides = array<i32>} : memref<4000xf32, #tpu.memory_space<vmem>>, vector<16xf32>,
          %get3A_232 = vector.shape_cast %get3A_231 : vector<16xf32> to vector<16xf32>
          %get3A_233 = arith.index_cast %mul3A_211 : i32 to index
          %get3A_234 = tpu.vector_load %arg30[%get3A_233] {strides = array<i32>} : memref<4000xf32, #tpu.memory_space<vmem>>, vector<16xf32>,
          %get3A_235 = vector.shape_cast %get3A_234 : vector<16xf32> to vector<16xf32>
          %sub3A_236 = arith.subf %get3A_232, %get3A_235 : vector<16xf32>
          %mul3A_237 = arith.constant 66.6666641 : f32
          %mul3A_238 = vector.broadcast %mul3A_237 : f32 to vector<16xf32>
          %mul3A_239 = arith.mulf %sub3A_236, %mul3A_238 : vector<16xf32>
          %mul3A_240 = arith.mulf %mul3A_219, %mul3A_219 : vector<16xf32>
          %mul3A_241 = arith.mulf %mul3A_229, %mul3A_229 : vector<16xf32>
          %add3A_242 = arith.addf %mul3A_240, %mul3A_241 : vector<16xf32>
          %mul3A_243 = arith.mulf %mul3A_239, %mul3A_239 : vector<16xf32>
          %add3A_244 = arith.addf %add3A_242, %mul3A_243 : vector<16xf32>
          %bitcast_convert_type3A = tpu.bitcast %add3A_244 : vector<16xf32> -> vector<16xi32>
          %shift_right_logical3A = arith.constant 1 : i32
          %shift_right_logical3A_245 = vector.broadcast %shift_right_logical3A : i32 to vector<16xi32>
          %shift_right_logical3A_246 = arith.shrui %bitcast_convert_type3A, %shift_right_logical3A_245 : vector<16xi32>
          %sub3A_247 = arith.constant 1597463007 : i32
          %sub3A_248 = vector.broadcast %sub3A_247 : i32 to vector<16xi32>
          %sub3A_249 = arith.subi %sub3A_248, %shift_right_logical3A_246 : vector<16xi32>
          %bitcast_convert_type3A_250 = tpu.bitcast %sub3A_249 : vector<16xi32> -> vector<16xf32>
          %mul3A_251 = arith.constant 5.000000e-01 : f32
          %mul3A_252 = vector.broadcast %mul3A_251 : f32 to vector<16xf32>
          %mul3A_253 = arith.mulf %mul3A_252, %add3A_244 : vector<16xf32>
          %mul3A_254 = arith.mulf %mul3A_253, %bitcast_convert_type3A_250 : vector<16xf32>
          %mul3A_255 = arith.mulf %mul3A_254, %bitcast_convert_type3A_250 : vector<16xf32>
          %sub3A_256 = arith.constant 1.500000e+00 : f32
          %sub3A_257 = vector.broadcast %sub3A_256 : f32 to vector<16xf32>
          %sub3A_258 = arith.subf %sub3A_257, %mul3A_255 : vector<16xf32>
          %mul3A_259 = arith.mulf %bitcast_convert_type3A_250, %sub3A_258 : vector<16xf32>
          %mul3A_260 = arith.constant 5.000000e-01 : f32
          %mul3A_261 = vector.broadcast %mul3A_260 : f32 to vector<16xf32>
          %mul3A_262 = arith.mulf %mul3A_261, %add3A_244 : vector<16xf32>
          %mul3A_263 = arith.mulf %mul3A_262, %mul3A_259 : vector<16xf32>
          %mul3A_264 = arith.mulf %mul3A_263, %mul3A_259 : vector<16xf32>
          %sub3A_265 = arith.constant 1.500000e+00 : f32
          %sub3A_266 = vector.broadcast %sub3A_265 : f32 to vector<16xf32>
          %sub3A_267 = arith.subf %sub3A_266, %mul3A_264 : vector<16xf32>
          %mul3A_268 = arith.mulf %mul3A_259, %sub3A_267 : vector<16xf32>
          %mul3A_269 = arith.constant 5.000000e-01 : f32
          %mul3A_270 = vector.broadcast %mul3A_269 : f32 to vector<16xf32>
          %mul3A_271 = arith.mulf %mul3A_270, %add3A_244 : vector<16xf32>
          %mul3A_272 = arith.mulf %mul3A_271, %mul3A_268 : vector<16xf32>
          %mul3A_273 = arith.mulf %mul3A_272, %mul3A_268 : vector<16xf32>
          %sub3A_274 = arith.constant 1.500000e+00 : f32
          %sub3A_275 = vector.broadcast %sub3A_274 : f32 to vector<16xf32>
          %sub3A_276 = arith.subf %sub3A_275, %mul3A_273 : vector<16xf32>
          %mul3A_277 = arith.mulf %mul3A_268, %sub3A_276 : vector<16xf32>
          %mul3A_278 = arith.mulf %add3A_244, %mul3A_277 : vector<16xf32>
          %swap3A = arith.index_cast %mul3A_211 : i32 to index
          %swap3A_279 = tpu.vector_load %arg31[%swap3A] {strides = array<i32>} : memref<4000xf32, #tpu.memory_space<vmem>>, vector<16xf32>,
          %swap3A_280 = vector.shape_cast %swap3A_279 : vector<16xf32> to vector<16xf32>
          %swap3A_281 = vector.shape_cast %mul3A_219 : vector<16xf32> to vector<16xf32>
          tpu.vector_store %arg31[%swap3A], %swap3A_281 {strides = array<i32>} : memref<4000xf32, #tpu.memory_space<vmem>>, vector<16xf32>,
          %swap3A_282 = arith.index_cast %mul3A_211 : i32 to index
          %swap3A_283 = tpu.vector_load %arg32[%swap3A_282] {strides = array<i32>} : memref<4000xf32, #tpu.memory_space<vmem>>, vector<16xf32>,
          %swap3A_284 = vector.shape_cast %swap3A_283 : vector<16xf32> to vector<16xf32>
          %swap3A_285 = vector.shape_cast %mul3A_229 : vector<16xf32> to vector<16xf32>
          tpu.vector_store %arg32[%swap3A_282], %swap3A_285 {strides = array<i32>} : memref<4000xf32, #tpu.memory_space<vmem>>, vector<16xf32>,
          %swap3A_286 = arith.index_cast %mul3A_211 : i32 to index
          %swap3A_287 = tpu.vector_load %arg33[%swap3A_286] {strides = array<i32>} : memref<4000xf32, #tpu.memory_space<vmem>>, vector<16xf32>,
          %swap3A_288 = vector.shape_cast %swap3A_287 : vector<16xf32> to vector<16xf32>
          %swap3A_289 = vector.shape_cast %mul3A_239 : vector<16xf32> to vector<16xf32>
          tpu.vector_store %arg33[%swap3A_286], %swap3A_289 {strides = array<i32>} : memref<4000xf32, #tpu.memory_space<vmem>>, vector<16xf32>,
          %swap3A_290 = arith.index_cast %mul3A_211 : i32 to index
          %swap3A_291 = tpu.vector_load %arg34[%swap3A_290] {strides = array<i32>} : memref<4000xf32, #tpu.memory_space<vmem>>, vector<16xf32>,
          %swap3A_292 = vector.shape_cast %swap3A_291 : vector<16xf32> to vector<16xf32>
          %swap3A_293 = vector.shape_cast %mul3A_278 : vector<16xf32> to vector<16xf32>
          tpu.vector_store %arg34[%swap3A_290], %swap3A_293 {strides = array<i32>} : memref<4000xf32, #tpu.memory_space<vmem>>, vector<16xf32>,
          %scan3A_294 = arith.constant 0 : i32
          scf.yield %scan3A_294 : i32
        }
        %scan3A_199 = arith.constant 250 : i32
        %dma_start3A_200 = arith.constant 0 : i32
        %dma_start3A_201 = tpu.memref_slice %arg11[%dma_start3A_200] : memref<100000xf32, #tpu.memory_space<vmem_shared>> -> memref<100000xf32, #tpu.memory_space<vmem_shared>>
        tpu.enqueue_indirect_dma source(%arg31 : memref<4000xf32, #tpu.memory_space<vmem>>) target(%dma_start3A_201 : memref<100000xf32, #tpu.memory_space<vmem_shared>>) offsets(%arg18 : memref<4000xi32, #tpu.memory_space<vmem>>) semaphore(%arg38 : memref<!tpu.dma_semaphore, #tpu.memory_space<semaphore_mem>>) {add = true}
        %dma_start3A_202 = arith.constant 0 : i32
        %dma_start3A_203 = tpu.memref_slice %arg12[%dma_start3A_202] : memref<100000xf32, #tpu.memory_space<vmem_shared>> -> memref<100000xf32, #tpu.memory_space<vmem_shared>>
        tpu.enqueue_indirect_dma source(%arg32 : memref<4000xf32, #tpu.memory_space<vmem>>) target(%dma_start3A_203 : memref<100000xf32, #tpu.memory_space<vmem_shared>>) offsets(%arg18 : memref<4000xi32, #tpu.memory_space<vmem>>) semaphore(%arg38 : memref<!tpu.dma_semaphore, #tpu.memory_space<semaphore_mem>>) {add = true}
        %dma_start3A_204 = arith.constant 0 : i32
        %dma_start3A_205 = tpu.memref_slice %arg13[%dma_start3A_204] : memref<100000xf32, #tpu.memory_space<vmem_shared>> -> memref<100000xf32, #tpu.memory_space<vmem_shared>>
        tpu.enqueue_indirect_dma source(%arg33 : memref<4000xf32, #tpu.memory_space<vmem>>) target(%dma_start3A_205 : memref<100000xf32, #tpu.memory_space<vmem_shared>>) offsets(%arg18 : memref<4000xi32, #tpu.memory_space<vmem>>) semaphore(%arg38 : memref<!tpu.dma_semaphore, #tpu.memory_space<semaphore_mem>>) {add = true}
        %dma_start3A_206 = arith.constant 0 : i32
        %dma_start3A_207 = tpu.memref_slice %arg14[%dma_start3A_206] : memref<100000xf32, #tpu.memory_space<vmem_shared>> -> memref<100000xf32, #tpu.memory_space<vmem_shared>>
        tpu.enqueue_indirect_dma source(%arg34 : memref<4000xf32, #tpu.memory_space<vmem>>) target(%dma_start3A_207 : memref<100000xf32, #tpu.memory_space<vmem_shared>>) offsets(%arg18 : memref<4000xi32, #tpu.memory_space<vmem>>) semaphore(%arg38 : memref<!tpu.dma_semaphore, #tpu.memory_space<semaphore_mem>>) {add = true}
      } else {
      }
      %scan3A_157 = arith.constant 0 : i32
      scf.yield %scan3A_157 : i32
    }
    %scan3A_77 = arith.constant 25 : i32
    %dma_wait3A = arith.constant 0 : i32
    %dma_wait3A_78 = tpu.memref_slice %arg5[%dma_wait3A] : memref<3200000xi32, #tpu.memory_space<hbm>> -> memref<4000xi32, #tpu.memory_space<hbm>>
    %dma_wait3A_79 = arith.constant 0 : i32
    %dma_wait3A_80 = tpu.memref_slice %arg5[%dma_wait3A_79] : memref<3200000xi32, #tpu.memory_space<hbm>> -> memref<4000xi32, #tpu.memory_space<hbm>>
    tpu.wait_dma2 semaphore(%arg38 : memref<!tpu.dma_semaphore, #tpu.memory_space<semaphore_mem>>) src(%dma_wait3A_80 : memref<4000xi32, #tpu.memory_space<hbm>>) dst(%arg31 : memref<4000xf32, #tpu.memory_space<vmem>>)
    %dma_wait3A_81 = arith.constant 0 : i32
    %dma_wait3A_82 = tpu.memref_slice %arg5[%dma_wait3A_81] : memref<3200000xi32, #tpu.memory_space<hbm>> -> memref<4000xi32, #tpu.memory_space<hbm>>
    %dma_wait3A_83 = arith.constant 0 : i32
    %dma_wait3A_84 = tpu.memref_slice %arg5[%dma_wait3A_83] : memref<3200000xi32, #tpu.memory_space<hbm>> -> memref<4000xi32, #tpu.memory_space<hbm>>
    tpu.wait_dma2 semaphore(%arg38 : memref<!tpu.dma_semaphore, #tpu.memory_space<semaphore_mem>>) src(%dma_wait3A_84 : memref<4000xi32, #tpu.memory_space<hbm>>) dst(%arg32 : memref<4000xf32, #tpu.memory_space<vmem>>)
    %dma_wait3A_85 = arith.constant 0 : i32
    %dma_wait3A_86 = tpu.memref_slice %arg5[%dma_wait3A_85] : memref<3200000xi32, #tpu.memory_space<hbm>> -> memref<4000xi32, #tpu.memory_space<hbm>>
    %dma_wait3A_87 = arith.constant 0 : i32
    %dma_wait3A_88 = tpu.memref_slice %arg5[%dma_wait3A_87] : memref<3200000xi32, #tpu.memory_space<hbm>> -> memref<4000xi32, #tpu.memory_space<hbm>>
    tpu.wait_dma2 semaphore(%arg38 : memref<!tpu.dma_semaphore, #tpu.memory_space<semaphore_mem>>) src(%dma_wait3A_88 : memref<4000xi32, #tpu.memory_space<hbm>>) dst(%arg33 : memref<4000xf32, #tpu.memory_space<vmem>>)
    %dma_wait3A_89 = arith.constant 0 : i32
    %dma_wait3A_90 = tpu.memref_slice %arg5[%dma_wait3A_89] : memref<3200000xi32, #tpu.memory_space<hbm>> -> memref<4000xi32, #tpu.memory_space<hbm>>
    %dma_wait3A_91 = arith.constant 0 : i32
    %dma_wait3A_92 = tpu.memref_slice %arg5[%dma_wait3A_91] : memref<3200000xi32, #tpu.memory_space<hbm>> -> memref<4000xi32, #tpu.memory_space<hbm>>
    tpu.wait_dma2 semaphore(%arg38 : memref<!tpu.dma_semaphore, #tpu.memory_space<semaphore_mem>>) src(%dma_wait3A_92 : memref<4000xi32, #tpu.memory_space<hbm>>) dst(%arg34 : memref<4000xf32, #tpu.memory_space<vmem>>)
    %barrier3A_93 = arith.constant 0 : index
    tpu.barrier barrier_id(%barrier3A_93)
    %scan3A_94 = arith.constant 0 : i32
    %scan3A_95 = arith.constant 0 : i32
    %scan3A_96 = arith.constant 4 : i32
    %scan3A_97 = arith.addi %scan3A_95, %scan3A_96 : i32
    %scan3A_98 = arith.constant 1 : i32
    %scan3A_99 = scf.for %scan3A_122 = %scan3A_95 to %scan3A_97 step %scan3A_98 iter_args(%scan3A_123 = %scan3A_94) -> (i32)  : i32 {
      %mul3A_124 = arith.constant 16 : i32
      %mul3A_125 = arith.muli %mul3A_124, %scan3A_122 : i32
      %add3A_126 = arith.addi %arg1, %mul3A_125 : i32
      %lt3A = arith.constant 50 : i32
      %lt3A_127 = arith.cmpi slt, %add3A_126, %lt3A : i32
      %convert_element_type3A = arith.extui %lt3A_127 : i1 to i32
      %cond3A = arith.constant 0 : i32
      %cond3A_128 = arith.cmpi ne, %convert_element_type3A, %cond3A : i32
      scf.if %cond3A_128 {
        %mul3A_130 = arith.constant 2000 : i32
        %mul3A_131 = arith.muli %add3A_126, %mul3A_130 : i32
        "tpu.region"() ({
          %run_scoped3A = tpu.sem_alloc : memref<!tpu.dma_semaphore, #tpu.memory_space<semaphore_mem>>
          %dma_start3A_143 = arith.constant 0 : i32
          %dma_start3A_144 = tpu.memref_slice %arg19[%dma_start3A_143] : memref<4000xf32, #tpu.memory_space<vmem>> -> memref<2000xf32, #tpu.memory_space<vmem>>
          %dma_start3A_145 = tpu.memref_slice %arg11[%mul3A_131] : memref<100000xf32, #tpu.memory_space<vmem_shared>> -> memref<2000xf32, #tpu.memory_space<vmem_shared>>
          %dma_start3A_146 = arith.constant 0 : i32
          %dma_start3A_147 = tpu.memref_slice %arg19[%dma_start3A_146] : memref<4000xf32, #tpu.memory_space<vmem>> -> memref<2000xf32, #tpu.memory_space<vmem>>
          %dma_start3A_148 = tpu.memref_slice %arg11[%mul3A_131] : memref<100000xf32, #tpu.memory_space<vmem_shared>> -> memref<2000xf32, #tpu.memory_space<vmem_shared>>
          tpu.enqueue_dma source(%dma_start3A_148 : memref<2000xf32, #tpu.memory_space<vmem_shared>>) target(%dma_start3A_147 : memref<2000xf32, #tpu.memory_space<vmem>>) target_semaphore(%run_scoped3A : memref<!tpu.dma_semaphore, #tpu.memory_space<semaphore_mem>>)
          %dma_wait3A_149 = arith.constant 0 : i32
          %dma_wait3A_150 = tpu.memref_slice %arg19[%dma_wait3A_149] : memref<4000xf32, #tpu.memory_space<vmem>> -> memref<2000xf32, #tpu.memory_space<vmem>>
          %dma_wait3A_151 = tpu.memref_slice %arg11[%mul3A_131] : memref<100000xf32, #tpu.memory_space<vmem_shared>> -> memref<2000xf32, #tpu.memory_space<vmem_shared>>
          %dma_wait3A_152 = arith.constant 0 : i32
          %dma_wait3A_153 = tpu.memref_slice %arg19[%dma_wait3A_152] : memref<4000xf32, #tpu.memory_space<vmem>> -> memref<2000xf32, #tpu.memory_space<vmem>>
          %dma_wait3A_154 = tpu.memref_slice %arg11[%mul3A_131] : memref<100000xf32, #tpu.memory_space<vmem_shared>> -> memref<2000xf32, #tpu.memory_space<vmem_shared>>
          tpu.wait_dma2 semaphore(%run_scoped3A : memref<!tpu.dma_semaphore, #tpu.memory_space<semaphore_mem>>) src(%dma_wait3A_154 : memref<2000xf32, #tpu.memory_space<vmem_shared>>) dst(%dma_wait3A_153 : memref<2000xf32, #tpu.memory_space<vmem>>)
          tpu.yield
        }) : () -> ()
        %mul3A_132 = arith.constant 8 : i32
        %mul3A_133 = arith.muli %add3A_126, %mul3A_132 : i32
        %mul3A_134 = arith.constant 2000 : i32
        %mul3A_135 = arith.muli %mul3A_133, %mul3A_134 : i32
        %mul3A_136 = arith.constant 4 : i32
        %mul3A_137 = arith.muli %arg0, %mul3A_136 : i32
        %add3A_138 = arith.constant 0 : i32
        %add3A_139 = arith.addi %mul3A_137, %add3A_138 : i32
        %mul3A_140 = arith.constant 2000 : i32
        %mul3A_141 = arith.muli %add3A_139, %mul3A_140 : i32
        %add3A_142 = arith.addi %mul3A_135, %mul3A_141 : i32
        "tpu.region"() ({
          %run_scoped3A = tpu.sem_alloc : memref<!tpu.dma_semaphore, #tpu.memory_space<semaphore_mem>>
          %dma_start3A_143 = arith.constant 0 : i32
          %dma_start3A_144 = tpu.memref_slice %arg19[%dma_start3A_143] : memref<4000xf32, #tpu.memory_space<vmem>> -> memref<2000xf32, #tpu.memory_space<vmem>>
          %dma_start3A_145 = tpu.memref_slice %arg7[%add3A_142] : memref<800000xf32, #tpu.memory_space<hbm>> -> memref<2000xf32, #tpu.memory_space<hbm>>
          %dma_start3A_146 = tpu.memref_slice %arg7[%add3A_142] : memref<800000xf32, #tpu.memory_space<hbm>> -> memref<2000xf32, #tpu.memory_space<hbm>>
          %dma_start3A_147 = arith.constant 0 : i32
          %dma_start3A_148 = tpu.memref_slice %arg19[%dma_start3A_147] : memref<4000xf32, #tpu.memory_space<vmem>> -> memref<2000xf32, #tpu.memory_space<vmem>>
          tpu.enqueue_dma source(%dma_start3A_148 : memref<2000xf32, #tpu.memory_space<vmem>>) target(%dma_start3A_146 : memref<2000xf32, #tpu.memory_space<hbm>>) target_semaphore(%run_scoped3A : memref<!tpu.dma_semaphore, #tpu.memory_space<semaphore_mem>>)
          %dma_wait3A_149 = arith.constant 0 : i32
          %dma_wait3A_150 = tpu.memref_slice %arg19[%dma_wait3A_149] : memref<4000xf32, #tpu.memory_space<vmem>> -> memref<2000xf32, #tpu.memory_space<vmem>>
          %dma_wait3A_151 = tpu.memref_slice %arg7[%add3A_142] : memref<800000xf32, #tpu.memory_space<hbm>> -> memref<2000xf32, #tpu.memory_space<hbm>>
          %dma_wait3A_152 = tpu.memref_slice %arg7[%add3A_142] : memref<800000xf32, #tpu.memory_space<hbm>> -> memref<2000xf32, #tpu.memory_space<hbm>>
          %dma_wait3A_153 = arith.constant 0 : i32
          %dma_wait3A_154 = tpu.memref_slice %arg19[%dma_wait3A_153] : memref<4000xf32, #tpu.memory_space<vmem>> -> memref<2000xf32, #tpu.memory_space<vmem>>
          tpu.wait_dma2 semaphore(%run_scoped3A : memref<!tpu.dma_semaphore, #tpu.memory_space<semaphore_mem>>) src(%dma_wait3A_154 : memref<2000xf32, #tpu.memory_space<vmem>>) dst(%dma_wait3A_152 : memref<2000xf32, #tpu.memory_space<hbm>>)
          tpu.yield
        }) : () -> ()
      } else {
      }
      %scan3A_129 = arith.constant 0 : i32
      scf.yield %scan3A_129 : i32
    }
    %scan3A_100 = arith.constant 4 : i32
    %scan3A_101 = arith.constant 0 : i32
    %scan3A_102 = arith.constant 0 : i32
    %scan3A_103 = arith.constant 4 : i32
    %scan3A_104 = arith.addi %scan3A_102, %scan3A_103 : i32
    %scan3A_105 = arith.constant 1 : i32
    %scan3A_106 = scf.for %scan3A_122 = %scan3A_102 to %scan3A_104 step %scan3A_105 iter_args(%scan3A_123 = %scan3A_101) -> (i32)  : i32 {
      %mul3A_124 = arith.constant 16 : i32
      %mul3A_125 = arith.muli %mul3A_124, %scan3A_122 : i32
      %add3A_126 = arith.addi %arg1, %mul3A_125 : i32
      %lt3A = arith.constant 50 : i32
      %lt3A_127 = arith.cmpi slt, %add3A_126, %lt3A : i32
      %convert_element_type3A = arith.extui %lt3A_127 : i1 to i32
      %cond3A = arith.constant 0 : i32
      %cond3A_128 = arith.cmpi ne, %convert_element_type3A, %cond3A : i32
      scf.if %cond3A_128 {
        %mul3A_130 = arith.constant 2000 : i32
        %mul3A_131 = arith.muli %add3A_126, %mul3A_130 : i32
        "tpu.region"() ({
          %run_scoped3A = tpu.sem_alloc : memref<!tpu.dma_semaphore, #tpu.memory_space<semaphore_mem>>
          %dma_start3A_143 = arith.constant 0 : i32
          %dma_start3A_144 = tpu.memref_slice %arg19[%dma_start3A_143] : memref<4000xf32, #tpu.memory_space<vmem>> -> memref<2000xf32, #tpu.memory_space<vmem>>
          %dma_start3A_145 = tpu.memref_slice %arg12[%mul3A_131] : memref<100000xf32, #tpu.memory_space<vmem_shared>> -> memref<2000xf32, #tpu.memory_space<vmem_shared>>
          %dma_start3A_146 = arith.constant 0 : i32
          %dma_start3A_147 = tpu.memref_slice %arg19[%dma_start3A_146] : memref<4000xf32, #tpu.memory_space<vmem>> -> memref<2000xf32, #tpu.memory_space<vmem>>
          %dma_start3A_148 = tpu.memref_slice %arg12[%mul3A_131] : memref<100000xf32, #tpu.memory_space<vmem_shared>> -> memref<2000xf32, #tpu.memory_space<vmem_shared>>
          tpu.enqueue_dma source(%dma_start3A_148 : memref<2000xf32, #tpu.memory_space<vmem_shared>>) target(%dma_start3A_147 : memref<2000xf32, #tpu.memory_space<vmem>>) target_semaphore(%run_scoped3A : memref<!tpu.dma_semaphore, #tpu.memory_space<semaphore_mem>>)
          %dma_wait3A_149 = arith.constant 0 : i32
          %dma_wait3A_150 = tpu.memref_slice %arg19[%dma_wait3A_149] : memref<4000xf32, #tpu.memory_space<vmem>> -> memref<2000xf32, #tpu.memory_space<vmem>>
          %dma_wait3A_151 = tpu.memref_slice %arg12[%mul3A_131] : memref<100000xf32, #tpu.memory_space<vmem_shared>> -> memref<2000xf32, #tpu.memory_space<vmem_shared>>
          %dma_wait3A_152 = arith.constant 0 : i32
          %dma_wait3A_153 = tpu.memref_slice %arg19[%dma_wait3A_152] : memref<4000xf32, #tpu.memory_space<vmem>> -> memref<2000xf32, #tpu.memory_space<vmem>>
          %dma_wait3A_154 = tpu.memref_slice %arg12[%mul3A_131] : memref<100000xf32, #tpu.memory_space<vmem_shared>> -> memref<2000xf32, #tpu.memory_space<vmem_shared>>
          tpu.wait_dma2 semaphore(%run_scoped3A : memref<!tpu.dma_semaphore, #tpu.memory_space<semaphore_mem>>) src(%dma_wait3A_154 : memref<2000xf32, #tpu.memory_space<vmem_shared>>) dst(%dma_wait3A_153 : memref<2000xf32, #tpu.memory_space<vmem>>)
          tpu.yield
        }) : () -> ()
        %mul3A_132 = arith.constant 8 : i32
        %mul3A_133 = arith.muli %add3A_126, %mul3A_132 : i32
        %mul3A_134 = arith.constant 2000 : i32
        %mul3A_135 = arith.muli %mul3A_133, %mul3A_134 : i32
        %mul3A_136 = arith.constant 4 : i32
        %mul3A_137 = arith.muli %arg0, %mul3A_136 : i32
        %add3A_138 = arith.constant 1 : i32
        %add3A_139 = arith.addi %mul3A_137, %add3A_138 : i32
        %mul3A_140 = arith.constant 2000 : i32
        %mul3A_141 = arith.muli %add3A_139, %mul3A_140 : i32
        %add3A_142 = arith.addi %mul3A_135, %mul3A_141 : i32
        "tpu.region"() ({
          %run_scoped3A = tpu.sem_alloc : memref<!tpu.dma_semaphore, #tpu.memory_space<semaphore_mem>>
          %dma_start3A_143 = arith.constant 0 : i32
          %dma_start3A_144 = tpu.memref_slice %arg19[%dma_start3A_143] : memref<4000xf32, #tpu.memory_space<vmem>> -> memref<2000xf32, #tpu.memory_space<vmem>>
          %dma_start3A_145 = tpu.memref_slice %arg7[%add3A_142] : memref<800000xf32, #tpu.memory_space<hbm>> -> memref<2000xf32, #tpu.memory_space<hbm>>
          %dma_start3A_146 = tpu.memref_slice %arg7[%add3A_142] : memref<800000xf32, #tpu.memory_space<hbm>> -> memref<2000xf32, #tpu.memory_space<hbm>>
          %dma_start3A_147 = arith.constant 0 : i32
          %dma_start3A_148 = tpu.memref_slice %arg19[%dma_start3A_147] : memref<4000xf32, #tpu.memory_space<vmem>> -> memref<2000xf32, #tpu.memory_space<vmem>>
          tpu.enqueue_dma source(%dma_start3A_148 : memref<2000xf32, #tpu.memory_space<vmem>>) target(%dma_start3A_146 : memref<2000xf32, #tpu.memory_space<hbm>>) target_semaphore(%run_scoped3A : memref<!tpu.dma_semaphore, #tpu.memory_space<semaphore_mem>>)
          %dma_wait3A_149 = arith.constant 0 : i32
          %dma_wait3A_150 = tpu.memref_slice %arg19[%dma_wait3A_149] : memref<4000xf32, #tpu.memory_space<vmem>> -> memref<2000xf32, #tpu.memory_space<vmem>>
          %dma_wait3A_151 = tpu.memref_slice %arg7[%add3A_142] : memref<800000xf32, #tpu.memory_space<hbm>> -> memref<2000xf32, #tpu.memory_space<hbm>>
          %dma_wait3A_152 = tpu.memref_slice %arg7[%add3A_142] : memref<800000xf32, #tpu.memory_space<hbm>> -> memref<2000xf32, #tpu.memory_space<hbm>>
          %dma_wait3A_153 = arith.constant 0 : i32
          %dma_wait3A_154 = tpu.memref_slice %arg19[%dma_wait3A_153] : memref<4000xf32, #tpu.memory_space<vmem>> -> memref<2000xf32, #tpu.memory_space<vmem>>
          tpu.wait_dma2 semaphore(%run_scoped3A : memref<!tpu.dma_semaphore, #tpu.memory_space<semaphore_mem>>) src(%dma_wait3A_154 : memref<2000xf32, #tpu.memory_space<vmem>>) dst(%dma_wait3A_152 : memref<2000xf32, #tpu.memory_space<hbm>>)
          tpu.yield
        }) : () -> ()
      } else {
      }
      %scan3A_129 = arith.constant 0 : i32
      scf.yield %scan3A_129 : i32
    }
    %scan3A_107 = arith.constant 4 : i32
    %scan3A_108 = arith.constant 0 : i32
    %scan3A_109 = arith.constant 0 : i32
    %scan3A_110 = arith.constant 4 : i32
    %scan3A_111 = arith.addi %scan3A_109, %scan3A_110 : i32
    %scan3A_112 = arith.constant 1 : i32
    %scan3A_113 = scf.for %scan3A_122 = %scan3A_109 to %scan3A_111 step %scan3A_112 iter_args(%scan3A_123 = %scan3A_108) -> (i32)  : i32 {
      %mul3A_124 = arith.constant 16 : i32
      %mul3A_125 = arith.muli %mul3A_124, %scan3A_122 : i32
      %add3A_126 = arith.addi %arg1, %mul3A_125 : i32
      %lt3A = arith.constant 50 : i32
      %lt3A_127 = arith.cmpi slt, %add3A_126, %lt3A : i32
      %convert_element_type3A = arith.extui %lt3A_127 : i1 to i32
      %cond3A = arith.constant 0 : i32
      %cond3A_128 = arith.cmpi ne, %convert_element_type3A, %cond3A : i32
      scf.if %cond3A_128 {
        %mul3A_130 = arith.constant 2000 : i32
        %mul3A_131 = arith.muli %add3A_126, %mul3A_130 : i32
        "tpu.region"() ({
          %run_scoped3A = tpu.sem_alloc : memref<!tpu.dma_semaphore, #tpu.memory_space<semaphore_mem>>
          %dma_start3A_143 = arith.constant 0 : i32
          %dma_start3A_144 = tpu.memref_slice %arg19[%dma_start3A_143] : memref<4000xf32, #tpu.memory_space<vmem>> -> memref<2000xf32, #tpu.memory_space<vmem>>
          %dma_start3A_145 = tpu.memref_slice %arg13[%mul3A_131] : memref<100000xf32, #tpu.memory_space<vmem_shared>> -> memref<2000xf32, #tpu.memory_space<vmem_shared>>
          %dma_start3A_146 = arith.constant 0 : i32
          %dma_start3A_147 = tpu.memref_slice %arg19[%dma_start3A_146] : memref<4000xf32, #tpu.memory_space<vmem>> -> memref<2000xf32, #tpu.memory_space<vmem>>
          %dma_start3A_148 = tpu.memref_slice %arg13[%mul3A_131] : memref<100000xf32, #tpu.memory_space<vmem_shared>> -> memref<2000xf32, #tpu.memory_space<vmem_shared>>
          tpu.enqueue_dma source(%dma_start3A_148 : memref<2000xf32, #tpu.memory_space<vmem_shared>>) target(%dma_start3A_147 : memref<2000xf32, #tpu.memory_space<vmem>>) target_semaphore(%run_scoped3A : memref<!tpu.dma_semaphore, #tpu.memory_space<semaphore_mem>>)
          %dma_wait3A_149 = arith.constant 0 : i32
          %dma_wait3A_150 = tpu.memref_slice %arg19[%dma_wait3A_149] : memref<4000xf32, #tpu.memory_space<vmem>> -> memref<2000xf32, #tpu.memory_space<vmem>>
          %dma_wait3A_151 = tpu.memref_slice %arg13[%mul3A_131] : memref<100000xf32, #tpu.memory_space<vmem_shared>> -> memref<2000xf32, #tpu.memory_space<vmem_shared>>
          %dma_wait3A_152 = arith.constant 0 : i32
          %dma_wait3A_153 = tpu.memref_slice %arg19[%dma_wait3A_152] : memref<4000xf32, #tpu.memory_space<vmem>> -> memref<2000xf32, #tpu.memory_space<vmem>>
          %dma_wait3A_154 = tpu.memref_slice %arg13[%mul3A_131] : memref<100000xf32, #tpu.memory_space<vmem_shared>> -> memref<2000xf32, #tpu.memory_space<vmem_shared>>
          tpu.wait_dma2 semaphore(%run_scoped3A : memref<!tpu.dma_semaphore, #tpu.memory_space<semaphore_mem>>) src(%dma_wait3A_154 : memref<2000xf32, #tpu.memory_space<vmem_shared>>) dst(%dma_wait3A_153 : memref<2000xf32, #tpu.memory_space<vmem>>)
          tpu.yield
        }) : () -> ()
        %mul3A_132 = arith.constant 8 : i32
        %mul3A_133 = arith.muli %add3A_126, %mul3A_132 : i32
        %mul3A_134 = arith.constant 2000 : i32
        %mul3A_135 = arith.muli %mul3A_133, %mul3A_134 : i32
        %mul3A_136 = arith.constant 4 : i32
        %mul3A_137 = arith.muli %arg0, %mul3A_136 : i32
        %add3A_138 = arith.constant 2 : i32
        %add3A_139 = arith.addi %mul3A_137, %add3A_138 : i32
        %mul3A_140 = arith.constant 2000 : i32
        %mul3A_141 = arith.muli %add3A_139, %mul3A_140 : i32
        %add3A_142 = arith.addi %mul3A_135, %mul3A_141 : i32
        "tpu.region"() ({
          %run_scoped3A = tpu.sem_alloc : memref<!tpu.dma_semaphore, #tpu.memory_space<semaphore_mem>>
          %dma_start3A_143 = arith.constant 0 : i32
          %dma_start3A_144 = tpu.memref_slice %arg19[%dma_start3A_143] : memref<4000xf32, #tpu.memory_space<vmem>> -> memref<2000xf32, #tpu.memory_space<vmem>>
          %dma_start3A_145 = tpu.memref_slice %arg7[%add3A_142] : memref<800000xf32, #tpu.memory_space<hbm>> -> memref<2000xf32, #tpu.memory_space<hbm>>
          %dma_start3A_146 = tpu.memref_slice %arg7[%add3A_142] : memref<800000xf32, #tpu.memory_space<hbm>> -> memref<2000xf32, #tpu.memory_space<hbm>>
          %dma_start3A_147 = arith.constant 0 : i32
          %dma_start3A_148 = tpu.memref_slice %arg19[%dma_start3A_147] : memref<4000xf32, #tpu.memory_space<vmem>> -> memref<2000xf32, #tpu.memory_space<vmem>>
          tpu.enqueue_dma source(%dma_start3A_148 : memref<2000xf32, #tpu.memory_space<vmem>>) target(%dma_start3A_146 : memref<2000xf32, #tpu.memory_space<hbm>>) target_semaphore(%run_scoped3A : memref<!tpu.dma_semaphore, #tpu.memory_space<semaphore_mem>>)
          %dma_wait3A_149 = arith.constant 0 : i32
          %dma_wait3A_150 = tpu.memref_slice %arg19[%dma_wait3A_149] : memref<4000xf32, #tpu.memory_space<vmem>> -> memref<2000xf32, #tpu.memory_space<vmem>>
          %dma_wait3A_151 = tpu.memref_slice %arg7[%add3A_142] : memref<800000xf32, #tpu.memory_space<hbm>> -> memref<2000xf32, #tpu.memory_space<hbm>>
          %dma_wait3A_152 = tpu.memref_slice %arg7[%add3A_142] : memref<800000xf32, #tpu.memory_space<hbm>> -> memref<2000xf32, #tpu.memory_space<hbm>>
          %dma_wait3A_153 = arith.constant 0 : i32
          %dma_wait3A_154 = tpu.memref_slice %arg19[%dma_wait3A_153] : memref<4000xf32, #tpu.memory_space<vmem>> -> memref<2000xf32, #tpu.memory_space<vmem>>
          tpu.wait_dma2 semaphore(%run_scoped3A : memref<!tpu.dma_semaphore, #tpu.memory_space<semaphore_mem>>) src(%dma_wait3A_154 : memref<2000xf32, #tpu.memory_space<vmem>>) dst(%dma_wait3A_152 : memref<2000xf32, #tpu.memory_space<hbm>>)
          tpu.yield
        }) : () -> ()
      } else {
      }
      %scan3A_129 = arith.constant 0 : i32
      scf.yield %scan3A_129 : i32
    }
    %scan3A_114 = arith.constant 4 : i32
    %scan3A_115 = arith.constant 0 : i32
    %scan3A_116 = arith.constant 0 : i32
    %scan3A_117 = arith.constant 4 : i32
    %scan3A_118 = arith.addi %scan3A_116, %scan3A_117 : i32
    %scan3A_119 = arith.constant 1 : i32
    %scan3A_120 = scf.for %scan3A_122 = %scan3A_116 to %scan3A_118 step %scan3A_119 iter_args(%scan3A_123 = %scan3A_115) -> (i32)  : i32 {
      %mul3A_124 = arith.constant 16 : i32
      %mul3A_125 = arith.muli %mul3A_124, %scan3A_122 : i32
      %add3A_126 = arith.addi %arg1, %mul3A_125 : i32
      %lt3A = arith.constant 50 : i32
      %lt3A_127 = arith.cmpi slt, %add3A_126, %lt3A : i32
      %convert_element_type3A = arith.extui %lt3A_127 : i1 to i32
      %cond3A = arith.constant 0 : i32
      %cond3A_128 = arith.cmpi ne, %convert_element_type3A, %cond3A : i32
      scf.if %cond3A_128 {
        %mul3A_130 = arith.constant 2000 : i32
        %mul3A_131 = arith.muli %add3A_126, %mul3A_130 : i32
        "tpu.region"() ({
          %run_scoped3A = tpu.sem_alloc : memref<!tpu.dma_semaphore, #tpu.memory_space<semaphore_mem>>
          %dma_start3A_143 = arith.constant 0 : i32
          %dma_start3A_144 = tpu.memref_slice %arg19[%dma_start3A_143] : memref<4000xf32, #tpu.memory_space<vmem>> -> memref<2000xf32, #tpu.memory_space<vmem>>
          %dma_start3A_145 = tpu.memref_slice %arg14[%mul3A_131] : memref<100000xf32, #tpu.memory_space<vmem_shared>> -> memref<2000xf32, #tpu.memory_space<vmem_shared>>
          %dma_start3A_146 = arith.constant 0 : i32
          %dma_start3A_147 = tpu.memref_slice %arg19[%dma_start3A_146] : memref<4000xf32, #tpu.memory_space<vmem>> -> memref<2000xf32, #tpu.memory_space<vmem>>
          %dma_start3A_148 = tpu.memref_slice %arg14[%mul3A_131] : memref<100000xf32, #tpu.memory_space<vmem_shared>> -> memref<2000xf32, #tpu.memory_space<vmem_shared>>
          tpu.enqueue_dma source(%dma_start3A_148 : memref<2000xf32, #tpu.memory_space<vmem_shared>>) target(%dma_start3A_147 : memref<2000xf32, #tpu.memory_space<vmem>>) target_semaphore(%run_scoped3A : memref<!tpu.dma_semaphore, #tpu.memory_space<semaphore_mem>>)
          %dma_wait3A_149 = arith.constant 0 : i32
          %dma_wait3A_150 = tpu.memref_slice %arg19[%dma_wait3A_149] : memref<4000xf32, #tpu.memory_space<vmem>> -> memref<2000xf32, #tpu.memory_space<vmem>>
          %dma_wait3A_151 = tpu.memref_slice %arg14[%mul3A_131] : memref<100000xf32, #tpu.memory_space<vmem_shared>> -> memref<2000xf32, #tpu.memory_space<vmem_shared>>
          %dma_wait3A_152 = arith.constant 0 : i32
          %dma_wait3A_153 = tpu.memref_slice %arg19[%dma_wait3A_152] : memref<4000xf32, #tpu.memory_space<vmem>> -> memref<2000xf32, #tpu.memory_space<vmem>>
          %dma_wait3A_154 = tpu.memref_slice %arg14[%mul3A_131] : memref<100000xf32, #tpu.memory_space<vmem_shared>> -> memref<2000xf32, #tpu.memory_space<vmem_shared>>
          tpu.wait_dma2 semaphore(%run_scoped3A : memref<!tpu.dma_semaphore, #tpu.memory_space<semaphore_mem>>) src(%dma_wait3A_154 : memref<2000xf32, #tpu.memory_space<vmem_shared>>) dst(%dma_wait3A_153 : memref<2000xf32, #tpu.memory_space<vmem>>)
          tpu.yield
        }) : () -> ()
        %mul3A_132 = arith.constant 8 : i32
        %mul3A_133 = arith.muli %add3A_126, %mul3A_132 : i32
        %mul3A_134 = arith.constant 2000 : i32
        %mul3A_135 = arith.muli %mul3A_133, %mul3A_134 : i32
        %mul3A_136 = arith.constant 4 : i32
        %mul3A_137 = arith.muli %arg0, %mul3A_136 : i32
        %add3A_138 = arith.constant 3 : i32
        %add3A_139 = arith.addi %mul3A_137, %add3A_138 : i32
        %mul3A_140 = arith.constant 2000 : i32
        %mul3A_141 = arith.muli %add3A_139, %mul3A_140 : i32
        %add3A_142 = arith.addi %mul3A_135, %mul3A_141 : i32
        "tpu.region"() ({
          %run_scoped3A = tpu.sem_alloc : memref<!tpu.dma_semaphore, #tpu.memory_space<semaphore_mem>>
          %dma_start3A_143 = arith.constant 0 : i32
          %dma_start3A_144 = tpu.memref_slice %arg19[%dma_start3A_143] : memref<4000xf32, #tpu.memory_space<vmem>> -> memref<2000xf32, #tpu.memory_space<vmem>>
          %dma_start3A_145 = tpu.memref_slice %arg7[%add3A_142] : memref<800000xf32, #tpu.memory_space<hbm>> -> memref<2000xf32, #tpu.memory_space<hbm>>
          %dma_start3A_146 = tpu.memref_slice %arg7[%add3A_142] : memref<800000xf32, #tpu.memory_space<hbm>> -> memref<2000xf32, #tpu.memory_space<hbm>>
          %dma_start3A_147 = arith.constant 0 : i32
          %dma_start3A_148 = tpu.memref_slice %arg19[%dma_start3A_147] : memref<4000xf32, #tpu.memory_space<vmem>> -> memref<2000xf32, #tpu.memory_space<vmem>>
          tpu.enqueue_dma source(%dma_start3A_148 : memref<2000xf32, #tpu.memory_space<vmem>>) target(%dma_start3A_146 : memref<2000xf32, #tpu.memory_space<hbm>>) target_semaphore(%run_scoped3A : memref<!tpu.dma_semaphore, #tpu.memory_space<semaphore_mem>>)
          %dma_wait3A_149 = arith.constant 0 : i32
          %dma_wait3A_150 = tpu.memref_slice %arg19[%dma_wait3A_149] : memref<4000xf32, #tpu.memory_space<vmem>> -> memref<2000xf32, #tpu.memory_space<vmem>>
          %dma_wait3A_151 = tpu.memref_slice %arg7[%add3A_142] : memref<800000xf32, #tpu.memory_space<hbm>> -> memref<2000xf32, #tpu.memory_space<hbm>>
          %dma_wait3A_152 = tpu.memref_slice %arg7[%add3A_142] : memref<800000xf32, #tpu.memory_space<hbm>> -> memref<2000xf32, #tpu.memory_space<hbm>>
          %dma_wait3A_153 = arith.constant 0 : i32
          %dma_wait3A_154 = tpu.memref_slice %arg19[%dma_wait3A_153] : memref<4000xf32, #tpu.memory_space<vmem>> -> memref<2000xf32, #tpu.memory_space<vmem>>
          tpu.wait_dma2 semaphore(%run_scoped3A : memref<!tpu.dma_semaphore, #tpu.memory_space<semaphore_mem>>) src(%dma_wait3A_154 : memref<2000xf32, #tpu.memory_space<vmem>>) dst(%dma_wait3A_152 : memref<2000xf32, #tpu.memory_space<hbm>>)
          tpu.yield
        }) : () -> ()
      } else {
      }
      %scan3A_129 = arith.constant 0 : i32
      scf.yield %scan3A_129 : i32
    }
    %scan3A_121 = arith.constant 4 : i32
    return
  }
}

module attributes {stable_mosaic.version = 14 : i64} {
  func.func @_tc_a_body(%arg0: i32, %arg1: memref<2000x18xf32, #tpu.memory_space<vmem>>, %arg2: memref<9x16xf32, #tpu.memory_space<vmem>>, %arg3: memref<2000x1xi32, #tpu.memory_space<vmem>>, %arg4: memref<1x9x2000xf32, #tpu.memory_space<vmem>>, %arg5: memref<2000x52xf32, #tpu.memory_space<vmem>>) attributes {dimension_semantics = [#tpu.dimension_semantics<arbitrary>], iteration_bounds = array<i64: 50>, scalar_prefetch = 0 : i64, scratch_operands = 0 : i64, tpu.core_type = #tpu.core_type<tc>, window_params = [{transform_indices = @transform_0, window_bounds = array<i64: 2000, 18>}, {pipeline_mode = #tpu.pipeline_mode<synchronous>, transform_indices = @transform_1, window_bounds = array<i64: 9, 16>}, {transform_indices = @transform_2, window_bounds = array<i64: 2000, 1>}, {transform_indices = @transform_3, window_bounds = array<i64: 1, 9, 2000>}, {transform_indices = @transform_4, window_bounds = array<i64: 2000, 52>}]} {
    %get3A = arith.constant 0 : index
    %get3A_0 = arith.constant 0 : index
    %get3A_1 = vector.load %arg1[%get3A, %get3A_0] : memref<2000x18xf32, #tpu.memory_space<vmem>>, vector<2000x18xf32>
    %get3A_2 = arith.constant 0 : index
    %get3A_3 = arith.constant 0 : index
    %get3A_4 = vector.load %arg2[%get3A_2, %get3A_3] : memref<9x16xf32, #tpu.memory_space<vmem>>, vector<9x16xf32>
    %get3A_5 = arith.constant 0 : index
    %get3A_6 = arith.constant 0 : index
    %get3A_7 = vector.load %arg3[%get3A_5, %get3A_6] : memref<2000x1xi32, #tpu.memory_space<vmem>>, vector<2000x1xi32>
    %slice3A = vector.extract_strided_slice %get3A_1 {offsets = [0, 15], sizes = [2000, 3], strides = [1, 1]} : vector<2000x18xf32> to vector<2000x3xf32>
    %slice3A_8 = vector.extract_strided_slice %get3A_1 {offsets = [0, 3], sizes = [2000, 15], strides = [1, 1]} : vector<2000x18xf32> to vector<2000x15xf32>
    %slice3A_9 = vector.extract_strided_slice %get3A_1 {offsets = [0, 0], sizes = [2000, 15], strides = [1, 1]} : vector<2000x18xf32> to vector<2000x15xf32>
    %sub3A = arith.subf %slice3A_8, %slice3A_9 : vector<2000x15xf32>
    %sub3A_10 = arith.constant 0.000000e+00 : f32
    %sub3A_11 = vector.broadcast %sub3A_10 : f32 to vector<2000x15xf32>
    %sub3A_12 = arith.subf %sub3A, %sub3A_11 : vector<2000x15xf32>
    %div3A = arith.constant 1.000000e+00 : f32
    %div3A_13 = vector.broadcast %div3A : f32 to vector<2000x15xf32>
    %div3A_14 = arith.divf %sub3A_12, %div3A_13 : vector<2000x15xf32>
    %slice3A_15 = vector.extract_strided_slice %get3A_1 {offsets = [0, 0], sizes = [2000, 15], strides = [1, 1]} : vector<2000x18xf32> to vector<2000x15xf32>
    %concatenate3A = tpu.concatenate %slice3A, %slice3A, %slice3A, %slice3A, %slice3A in 1 : vector<2000x3xf32>, vector<2000x3xf32>, vector<2000x3xf32>, vector<2000x3xf32>, vector<2000x3xf32> -> vector<2000x15xf32>
    %sub3A_16 = arith.subf %slice3A_15, %concatenate3A : vector<2000x15xf32>
    %sub3A_17 = arith.constant 1.000000e-01 : f32
    %sub3A_18 = vector.broadcast %sub3A_17 : f32 to vector<2000x3xf32>
    %sub3A_19 = arith.subf %slice3A, %sub3A_18 : vector<2000x3xf32>
    %sub3A_20 = arith.constant 0.899999976 : f32
    %sub3A_21 = vector.broadcast %sub3A_20 : f32 to vector<2000x3xf32>
    %sub3A_22 = arith.subf %sub3A_21, %slice3A : vector<2000x3xf32>
    %concatenate3A_23 = tpu.concatenate %sub3A_19, %sub3A_22 in 1 : vector<2000x3xf32>, vector<2000x3xf32> -> vector<2000x6xf32>
    %mul3A = arith.constant 66.6666641 : f32
    %mul3A_24 = vector.broadcast %mul3A : f32 to vector<2000x6xf32>
    %mul3A_25 = arith.mulf %concatenate3A_23, %mul3A_24 : vector<2000x6xf32>
    %jit3A = arith.constant -1.000000e+00 : f32
    %jit3A_26 = arith.constant 1.000000e+00 : f32
    %max3A = vector.broadcast %jit3A : f32 to vector<2000x6xf32>
    %max3A_27 = arith.maximumf %max3A, %mul3A_25 : vector<2000x6xf32>
    %min3A = vector.broadcast %jit3A_26 : f32 to vector<2000x6xf32>
    %min3A_28 = arith.minimumf %min3A, %max3A_27 : vector<2000x6xf32>
    %iota3A = tpu.iota {dimensions = array<i32: 1>} : vector<2000x9xi32>
    %eq3A = vector.broadcast %get3A_7 : vector<2000x1xi32> to vector<2000x9xi32>
    %eq3A_29 = arith.cmpi eq, %eq3A, %iota3A : vector<2000x9xi32>
    %convert_element_type3A = arith.extui %eq3A_29 : vector<2000x9xi1> to vector<2000x9xi32>
    %convert_element_type3A_30 = arith.sitofp %convert_element_type3A : vector<2000x9xi32> to vector<2000x9xf32>
    %dot_general3A = arith.constant dense<0.000000e+00> : vector<2000x16xf32>
    %dot_general3A_31 = tpu.matmul %convert_element_type3A_30, %get3A_4, %dot_general3A {dimension_numbers = #tpu.dot_dimension_numbers<[1], [0], [0], [1], [0, 0, 1, 1], [], []>, transpose_lhs_hint = false} : vector<2000x9xf32>, vector<9x16xf32>, vector<2000x16xf32> -> vector<2000x16xf32>
    %concatenate3A_32 = tpu.concatenate %div3A_14, %sub3A_16, %min3A_28, %dot_general3A_31 in 1 : vector<2000x15xf32>, vector<2000x15xf32>, vector<2000x6xf32>, vector<2000x16xf32> -> vector<2000x52xf32>
    %swap3A = arith.constant 0 : index
    %swap3A_33 = arith.constant 0 : index
    %swap3A_34 = vector.load %arg5[%swap3A, %swap3A_33] : memref<2000x52xf32, #tpu.memory_space<vmem>>, vector<2000x52xf32>
    tpu.vector_store %arg5[%swap3A, %swap3A_33], %concatenate3A_32 {strides = array<i32>} : memref<2000x52xf32, #tpu.memory_space<vmem>>, vector<2000x52xf32>,
    return
  }
  func.func @transform_0(%arg0: i32) -> (i32, i32) {
    %c0_i32 = arith.constant 0 : i32
    %c0_i32_0 = arith.constant 0 : i32
    return %arg0, %c0_i32 : i32, i32
  }
  func.func @transform_1(%arg0: i32) -> (i32, i32) {
    %c0_i32 = arith.constant 0 : i32
    %c0_i32_0 = arith.constant 0 : i32
    %c0_i32_1 = arith.constant 0 : i32
    return %c0_i32, %c0_i32_0 : i32, i32
  }
  func.func @transform_2(%arg0: i32) -> (i32, i32) {
    %c0_i32 = arith.constant 0 : i32
    %c0_i32_0 = arith.constant 0 : i32
    return %arg0, %c0_i32 : i32, i32
  }
  func.func @transform_3(%arg0: i32) -> (i32, i32, i32) {
    %c0_i32 = arith.constant 0 : i32
    %c0_i32_0 = arith.constant 0 : i32
    %c0_i32_1 = arith.constant 0 : i32
    return %arg0, %c0_i32, %c0_i32_0 : i32, i32, i32
  }
  func.func @transform_4(%arg0: i32) -> (i32, i32) {
    %c0_i32 = arith.constant 0 : i32
    %c0_i32_0 = arith.constant 0 : i32
    return %arg0, %c0_i32 : i32, i32
  }
}

module attributes {stable_mosaic.version = 14 : i64} {
  func.func @_tc_b_body(%arg0: i32, %arg1: memref<1x9x2000xf32, #tpu.memory_space<vmem>>, %arg2: memref<1x8x2000xf32, #tpu.memory_space<vmem>>, %arg3: memref<2000x52xf32, #tpu.memory_space<vmem>>, %arg4: memref<2000x65xf32, #tpu.memory_space<vmem>>) attributes {dimension_semantics = [#tpu.dimension_semantics<arbitrary>], iteration_bounds = array<i64: 50>, scalar_prefetch = 0 : i64, scratch_operands = 0 : i64, tpu.core_type = #tpu.core_type<tc>, window_params = [{transform_indices = @transform_0, window_bounds = array<i64: 1, 9, 2000>}, {transform_indices = @transform_1, window_bounds = array<i64: 1, 8, 2000>}, {transform_indices = @transform_2, window_bounds = array<i64: 2000, 52>}, {transform_indices = @transform_3, window_bounds = array<i64: 2000, 65>}]} {
    %get3A = arith.constant 0 : index
    %get3A_0 = arith.constant 0 : index
    %get3A_1 = arith.constant 0 : index
    %get3A_2 = vector.load %arg1[%get3A, %get3A_0, %get3A_1] : memref<1x9x2000xf32, #tpu.memory_space<vmem>>, vector<1x9x2000xf32>
    %get3A_3 = vector.shape_cast %get3A_2 : vector<1x9x2000xf32> to vector<9x2000xf32>
    %get3A_4 = arith.constant 0 : index
    %get3A_5 = arith.constant 0 : index
    %get3A_6 = arith.constant 0 : index
    %get3A_7 = vector.load %arg2[%get3A_4, %get3A_5, %get3A_6] : memref<1x8x2000xf32, #tpu.memory_space<vmem>>, vector<1x8x2000xf32>
    %get3A_8 = vector.shape_cast %get3A_7 : vector<1x8x2000xf32> to vector<8x2000xf32>
    %slice3A = vector.extract_strided_slice %get3A_3 {offsets = [6, 0], sizes = [3, 2000], strides = [1, 1]} : vector<9x2000xf32> to vector<3x2000xf32>
    %slice3A_9 = vector.extract_strided_slice %get3A_3 {offsets = [3, 0], sizes = [3, 2000], strides = [1, 1]} : vector<9x2000xf32> to vector<3x2000xf32>
    %sub3A = arith.subf %slice3A, %slice3A_9 : vector<3x2000xf32>
    %slice3A_10 = vector.extract_strided_slice %get3A_3 {offsets = [3, 0], sizes = [3, 2000], strides = [1, 1]} : vector<9x2000xf32> to vector<3x2000xf32>
    %slice3A_11 = vector.extract_strided_slice %get3A_3 {offsets = [0, 0], sizes = [3, 2000], strides = [1, 1]} : vector<9x2000xf32> to vector<3x2000xf32>
    %sub3A_12 = arith.subf %slice3A_10, %slice3A_11 : vector<3x2000xf32>
    %sub3A_13 = arith.subf %sub3A, %sub3A_12 : vector<3x2000xf32>
    %mul3A = arith.mulf %sub3A, %sub3A : vector<3x2000xf32>
    %reduce_sum3A = arith.constant dense<0.000000e+00> : vector<2000xf32>
    %reduce_sum3A_14 = vector.multi_reduction <add>, %mul3A, %reduce_sum3A [0] : vector<3x2000xf32> to vector<2000xf32>
    %broadcast_in_dim3A = vector.shape_cast %reduce_sum3A_14 : vector<2000xf32> to vector<1x2000xf32>
    %sqrt3A = math.sqrt %broadcast_in_dim3A : vector<1x2000xf32>
    %add3A = arith.constant 9.99999993E-9 : f32
    %add3A_15 = vector.broadcast %add3A : f32 to vector<1x2000xf32>
    %add3A_16 = arith.addf %sqrt3A, %add3A_15 : vector<1x2000xf32>
    %div3A = vector.broadcast %add3A_16 : vector<1x2000xf32> to vector<3x2000xf32>
    %div3A_17 = arith.divf %sub3A, %div3A : vector<3x2000xf32>
    %mul3A_18 = arith.mulf %div3A_17, %sub3A_13 : vector<3x2000xf32>
    %reduce_sum3A_19 = arith.constant dense<0.000000e+00> : vector<2000xf32>
    %reduce_sum3A_20 = vector.multi_reduction <add>, %mul3A_18, %reduce_sum3A_19 [0] : vector<3x2000xf32> to vector<2000xf32>
    %broadcast_in_dim3A_21 = vector.shape_cast %reduce_sum3A_20 : vector<2000xf32> to vector<1x2000xf32>
    %mul3A_22 = vector.broadcast %broadcast_in_dim3A_21 : vector<1x2000xf32> to vector<3x2000xf32>
    %mul3A_23 = arith.mulf %mul3A_22, %div3A_17 : vector<3x2000xf32>
    %sub3A_24 = arith.subf %sub3A_13, %mul3A_23 : vector<3x2000xf32>
    %mul3A_25 = arith.mulf %sub3A_24, %sub3A_24 : vector<3x2000xf32>
    %reduce_sum3A_26 = arith.constant dense<0.000000e+00> : vector<2000xf32>
    %reduce_sum3A_27 = vector.multi_reduction <add>, %mul3A_25, %reduce_sum3A_26 [0] : vector<3x2000xf32> to vector<2000xf32>
    %broadcast_in_dim3A_28 = vector.shape_cast %reduce_sum3A_27 : vector<2000xf32> to vector<1x2000xf32>
    %sqrt3A_29 = math.sqrt %broadcast_in_dim3A_28 : vector<1x2000xf32>
    %add3A_30 = arith.constant 9.99999993E-9 : f32
    %add3A_31 = vector.broadcast %add3A_30 : f32 to vector<1x2000xf32>
    %add3A_32 = arith.addf %sqrt3A_29, %add3A_31 : vector<1x2000xf32>
    %div3A_33 = vector.broadcast %add3A_32 : vector<1x2000xf32> to vector<3x2000xf32>
    %div3A_34 = arith.divf %sub3A_24, %div3A_33 : vector<3x2000xf32>
    %slice3A_35 = vector.extract_strided_slice %div3A_17 {offsets = [1, 0], sizes = [1, 2000], strides = [1, 1]} : vector<3x2000xf32> to vector<1x2000xf32>
    %slice3A_36 = vector.extract_strided_slice %div3A_34 {offsets = [2, 0], sizes = [1, 2000], strides = [1, 1]} : vector<3x2000xf32> to vector<1x2000xf32>
    %mul3A_37 = arith.mulf %slice3A_35, %slice3A_36 : vector<1x2000xf32>
    %slice3A_38 = vector.extract_strided_slice %div3A_17 {offsets = [2, 0], sizes = [1, 2000], strides = [1, 1]} : vector<3x2000xf32> to vector<1x2000xf32>
    %slice3A_39 = vector.extract_strided_slice %div3A_34 {offsets = [1, 0], sizes = [1, 2000], strides = [1, 1]} : vector<3x2000xf32> to vector<1x2000xf32>
    %mul3A_40 = arith.mulf %slice3A_38, %slice3A_39 : vector<1x2000xf32>
    %sub3A_41 = arith.subf %mul3A_37, %mul3A_40 : vector<1x2000xf32>
    %slice3A_42 = vector.extract_strided_slice %div3A_17 {offsets = [2, 0], sizes = [1, 2000], strides = [1, 1]} : vector<3x2000xf32> to vector<1x2000xf32>
    %slice3A_43 = vector.extract_strided_slice %div3A_34 {offsets = [0, 0], sizes = [1, 2000], strides = [1, 1]} : vector<3x2000xf32> to vector<1x2000xf32>
    %mul3A_44 = arith.mulf %slice3A_42, %slice3A_43 : vector<1x2000xf32>
    %slice3A_45 = vector.extract_strided_slice %div3A_17 {offsets = [0, 0], sizes = [1, 2000], strides = [1, 1]} : vector<3x2000xf32> to vector<1x2000xf32>
    %slice3A_46 = vector.extract_strided_slice %div3A_34 {offsets = [2, 0], sizes = [1, 2000], strides = [1, 1]} : vector<3x2000xf32> to vector<1x2000xf32>
    %mul3A_47 = arith.mulf %slice3A_45, %slice3A_46 : vector<1x2000xf32>
    %sub3A_48 = arith.subf %mul3A_44, %mul3A_47 : vector<1x2000xf32>
    %slice3A_49 = vector.extract_strided_slice %div3A_17 {offsets = [0, 0], sizes = [1, 2000], strides = [1, 1]} : vector<3x2000xf32> to vector<1x2000xf32>
    %slice3A_50 = vector.extract_strided_slice %div3A_34 {offsets = [1, 0], sizes = [1, 2000], strides = [1, 1]} : vector<3x2000xf32> to vector<1x2000xf32>
    %mul3A_51 = arith.mulf %slice3A_49, %slice3A_50 : vector<1x2000xf32>
    %slice3A_52 = vector.extract_strided_slice %div3A_17 {offsets = [1, 0], sizes = [1, 2000], strides = [1, 1]} : vector<3x2000xf32> to vector<1x2000xf32>
    %slice3A_53 = vector.extract_strided_slice %div3A_34 {offsets = [0, 0], sizes = [1, 2000], strides = [1, 1]} : vector<3x2000xf32> to vector<1x2000xf32>
    %mul3A_54 = arith.mulf %slice3A_52, %slice3A_53 : vector<1x2000xf32>
    %sub3A_55 = arith.subf %mul3A_51, %mul3A_54 : vector<1x2000xf32>
    %concatenate3A = tpu.concatenate %sub3A_41, %sub3A_48, %sub3A_55 in 0 : vector<1x2000xf32>, vector<1x2000xf32>, vector<1x2000xf32> -> vector<3x2000xf32>
    %slice3A_56 = vector.extract_strided_slice %div3A_17 {offsets = [0, 0], sizes = [1, 2000], strides = [1, 1]} : vector<3x2000xf32> to vector<1x2000xf32>
    %slice3A_57 = vector.extract_strided_slice %div3A_34 {offsets = [0, 0], sizes = [1, 2000], strides = [1, 1]} : vector<3x2000xf32> to vector<1x2000xf32>
    %slice3A_58 = vector.extract_strided_slice %concatenate3A {offsets = [0, 0], sizes = [1, 2000], strides = [1, 1]} : vector<3x2000xf32> to vector<1x2000xf32>
    %slice3A_59 = vector.extract_strided_slice %div3A_17 {offsets = [1, 0], sizes = [1, 2000], strides = [1, 1]} : vector<3x2000xf32> to vector<1x2000xf32>
    %slice3A_60 = vector.extract_strided_slice %div3A_34 {offsets = [1, 0], sizes = [1, 2000], strides = [1, 1]} : vector<3x2000xf32> to vector<1x2000xf32>
    %slice3A_61 = vector.extract_strided_slice %concatenate3A {offsets = [1, 0], sizes = [1, 2000], strides = [1, 1]} : vector<3x2000xf32> to vector<1x2000xf32>
    %slice3A_62 = vector.extract_strided_slice %div3A_17 {offsets = [2, 0], sizes = [1, 2000], strides = [1, 1]} : vector<3x2000xf32> to vector<1x2000xf32>
    %slice3A_63 = vector.extract_strided_slice %div3A_34 {offsets = [2, 0], sizes = [1, 2000], strides = [1, 1]} : vector<3x2000xf32> to vector<1x2000xf32>
    %slice3A_64 = vector.extract_strided_slice %concatenate3A {offsets = [2, 0], sizes = [1, 2000], strides = [1, 1]} : vector<3x2000xf32> to vector<1x2000xf32>
    %concatenate3A_65 = tpu.concatenate %slice3A_56, %slice3A_57, %slice3A_58, %slice3A_59, %slice3A_60, %slice3A_61, %slice3A_62, %slice3A_63, %slice3A_64 in 0 : vector<1x2000xf32>, vector<1x2000xf32>, vector<1x2000xf32>, vector<1x2000xf32>, vector<1x2000xf32>, vector<1x2000xf32>, vector<1x2000xf32>, vector<1x2000xf32>, vector<1x2000xf32> -> vector<9x2000xf32>
    %concatenate3A_66 = tpu.concatenate %get3A_8, %concatenate3A_65 in 0 : vector<8x2000xf32>, vector<9x2000xf32> -> vector<17x2000xf32>
    %iota3A = tpu.iota {dimensions = array<i32: 0>} : vector<17x13xi32>
    %iota3A_67 = tpu.iota {dimensions = array<i32: 1>} : vector<17x13xi32>
    %lt3A = arith.constant 8 : i32
    %lt3A_68 = vector.broadcast %lt3A : i32 to vector<17x13xi32>
    %lt3A_69 = arith.cmpi slt, %iota3A, %lt3A_68 : vector<17x13xi32>
    %lt3A_70 = arith.constant 4 : i32
    %lt3A_71 = vector.broadcast %lt3A_70 : i32 to vector<17x13xi32>
    %lt3A_72 = arith.cmpi slt, %iota3A_67, %lt3A_71 : vector<17x13xi32>
    %and3A = arith.andi %lt3A_69, %lt3A_72 : vector<17x13xi1>
    %jit3A = arith.constant 4 : i32
    %eq3A = arith.constant 0 : i32
    %eq3A_73 = arith.cmpi eq, %jit3A, %eq3A : i32
    %jit3A_74 = arith.constant 1 : i32
    %select_n3A = arith.select %eq3A_73, %jit3A_74, %jit3A : i32
    %rem3A = vector.broadcast %select_n3A : i32 to vector<17x13xi32>
    %rem3A_75 = arith.remsi %iota3A, %rem3A : vector<17x13xi32>
    %ne3A = arith.constant 0 : i32
    %ne3A_76 = vector.broadcast %ne3A : i32 to vector<17x13xi32>
    %ne3A_77 = arith.cmpi ne, %rem3A_75, %ne3A_76 : vector<17x13xi32>
    %lt3A_78 = arith.constant 0 : i32
    %lt3A_79 = vector.broadcast %lt3A_78 : i32 to vector<17x13xi32>
    %lt3A_80 = arith.cmpi slt, %rem3A_75, %lt3A_79 : vector<17x13xi32>
    %lt3A_81 = arith.constant 0 : i32
    %lt3A_82 = arith.cmpi slt, %select_n3A, %lt3A_81 : i32
    %ne3A_83 = vector.broadcast %lt3A_82 : i1 to vector<17x13xi1>
    %ne3A_84 = vector.broadcast %ne3A_83 : vector<17x13xi1> to vector<17x13xi1>
    %ne3A_85 = arith.xori %lt3A_80, %ne3A_84 : vector<17x13xi1>
    %and3A_86 = arith.andi %ne3A_85, %ne3A_77 : vector<17x13xi1>
    %add3A_87 = vector.broadcast %select_n3A : i32 to vector<17x13xi32>
    %add3A_88 = arith.addi %rem3A_75, %add3A_87 : vector<17x13xi32>
    %select_n3A_89 = arith.select %and3A_86, %add3A_88, %rem3A_75 : vector<17x13xi1>, vector<17x13xi32>
    %eq3A_90 = arith.cmpi eq, %select_n3A_89, %iota3A_67 : vector<17x13xi32>
    %and3A_91 = arith.andi %and3A, %eq3A_90 : vector<17x13xi1>
    %ge3A = arith.constant 8 : i32
    %ge3A_92 = vector.broadcast %ge3A : i32 to vector<17x13xi32>
    %ge3A_93 = arith.cmpi sge, %iota3A, %ge3A_92 : vector<17x13xi32>
    %ge3A_94 = arith.constant 4 : i32
    %ge3A_95 = vector.broadcast %ge3A_94 : i32 to vector<17x13xi32>
    %ge3A_96 = arith.cmpi sge, %iota3A_67, %ge3A_95 : vector<17x13xi32>
    %and3A_97 = arith.andi %ge3A_93, %ge3A_96 : vector<17x13xi1>
    %sub3A_98 = arith.constant 8 : i32
    %sub3A_99 = vector.broadcast %sub3A_98 : i32 to vector<17x13xi32>
    %sub3A_100 = arith.subi %iota3A, %sub3A_99 : vector<17x13xi32>
    %sub3A_101 = arith.constant 4 : i32
    %sub3A_102 = vector.broadcast %sub3A_101 : i32 to vector<17x13xi32>
    %sub3A_103 = arith.subi %iota3A_67, %sub3A_102 : vector<17x13xi32>
    %eq3A_104 = arith.cmpi eq, %sub3A_100, %sub3A_103 : vector<17x13xi32>
    %and3A_105 = arith.andi %and3A_97, %eq3A_104 : vector<17x13xi1>
    %or3A = arith.ori %and3A_91, %and3A_105 : vector<17x13xi1>
    %convert_element_type3A = arith.extui %or3A : vector<17x13xi1> to vector<17x13xi32>
    %convert_element_type3A_106 = arith.sitofp %convert_element_type3A : vector<17x13xi32> to vector<17x13xf32>
    %dot_general3A = arith.constant dense<0.000000e+00> : vector<2000x13xf32>
    %dot_general3A_107 = tpu.matmul %concatenate3A_66, %convert_element_type3A_106, %dot_general3A {dimension_numbers = #tpu.dot_dimension_numbers<[0], [0], [1], [1], [0, 1, 1, 1], [], []>, transpose_lhs_hint = false} : vector<17x2000xf32>, vector<17x13xf32>, vector<2000x13xf32> -> vector<2000x13xf32>
    %get3A_108 = arith.constant 0 : index
    %get3A_109 = arith.constant 0 : index
    %get3A_110 = vector.load %arg3[%get3A_108, %get3A_109] : memref<2000x52xf32, #tpu.memory_space<vmem>>, vector<2000x52xf32>
    %concatenate3A_111 = tpu.concatenate %get3A_110, %dot_general3A_107 in 1 : vector<2000x52xf32>, vector<2000x13xf32> -> vector<2000x65xf32>
    %swap3A = arith.constant 0 : index
    %swap3A_112 = arith.constant 0 : index
    %swap3A_113 = vector.load %arg4[%swap3A, %swap3A_112] : memref<2000x65xf32, #tpu.memory_space<vmem>>, vector<2000x65xf32>
    tpu.vector_store %arg4[%swap3A, %swap3A_112], %concatenate3A_111 {strides = array<i32>} : memref<2000x65xf32, #tpu.memory_space<vmem>>, vector<2000x65xf32>,
    return
  }
  func.func @transform_0(%arg0: i32) -> (i32, i32, i32) {
    %c0_i32 = arith.constant 0 : i32
    %c0_i32_0 = arith.constant 0 : i32
    %c0_i32_1 = arith.constant 0 : i32
    return %arg0, %c0_i32, %c0_i32_0 : i32, i32, i32
  }
  func.func @transform_1(%arg0: i32) -> (i32, i32, i32) {
    %c0_i32 = arith.constant 0 : i32
    %c0_i32_0 = arith.constant 0 : i32
    %c0_i32_1 = arith.constant 0 : i32
    return %arg0, %c0_i32, %c0_i32_0 : i32, i32, i32
  }
  func.func @transform_2(%arg0: i32) -> (i32, i32) {
    %c0_i32 = arith.constant 0 : i32
    %c0_i32_0 = arith.constant 0 : i32
    return %arg0, %c0_i32 : i32, i32
  }
  func.func @transform_3(%arg0: i32) -> (i32, i32) {
    %c0_i32 = arith.constant 0 : i32
    %c0_i32_0 = arith.constant 0 : i32
    return %arg0, %c0_i32 : i32, i32
  }
}

</mosaic_0001>

<sc_bundles>
// kernel: kernel.5.cloned.1.call-start
scs
__scs_entry_jumppad:
0x0: {  	(pc) =	sbr.rel $0x88, $3  }
0x1: {  	(tag) =	ssettag $0x0;
	lr =	simm.s32 $0x1  }
0x2: {  	[smem:$0x3F9D] =	sst lr;
	_ =	strace $0xD0000000  }
0x3: {  	_ = 	snop  }
0x4: {  	_ = 	snop  }
0x5: {  	_ = 	snop  }
0x6: {  	_ = 	snop  }
0x7: {  	_ = 	snop  }
__scs_overlays_trampoline_lowered:
0x8: {  	[smem:$0x3FAC] =	sst s0  }
0x9: {  	[smem:$0x3FAD] =	sst s1  }
0xa: {  	[smem:$0x3FAE] =	sst s2  }
0xb: {  	[smem:$0x3FAF] =	sst s3  }
0xc: {  	[smem:$0x3FB0] =	sst s4  }
0xd: {  	[smem:$0x3FB1] =	sst s5  }
0xe: {  	[smem:$0x3FB2] =	sst s6  }
0xf: {  	[smem:$0x3FB3] =	sst s7  }
0x10: {  	[smem:$0x3FB4] =	sst s8  }
0x11: {  	[smem:$0x3FB5] =	sst s9;
	s0 =	simm.s32 @!p0 $0x0  }
0x12: {  	s1 =	sld [smem:$0x3F9B];
	s0 =	simm.s32 @p0 $0x1  }
0x13: {  	[smem:$0x3FB6] =	sst s0;
	s0 =	simm.s32 @!p1 $0x0  }
0x14: {  	s2 =	sld [smem:$0x3F9A];
	s0 =	simm.s32 @p1 $0x1  }
0x15: {  	[smem:$0x3FB7] =	sst s0;
	s0 =	simm.s32 @!p2 $0x0  }
0x16: {  	s3 =	sld [smem:$0x3FDB];
	s0 =	simm.s32 @p2 $0x1  }
0x17: {  	s4 =	simm.s32 $0x1BF5;
	[smem:$0x3FB9] =	sst s0  }
0x18: {  	s0 =	sld [smem:$0x3F9C];
	_ =	swait.ge [sflag:s4], $0x0  }
0x19: {  	s7 =	sld [smem:$0x3F9D]  }
0x1a: {  	s8 =	sadd.s32 $0xFFFFE003, lr  }
0x1b: {  	s9 =	sadd.s32 $0xFFFFFEF7, lr;
	s5 =	simm.s32 $0xFFFFFFFF;
	p2 =	slt.u32 s8, $0xFFFFF086  }
0x1c: {  	p1 =	slt.u32 s9, $0xF7A;
	s5 =	simm.s32 @!p2 $0x0  }
0x1d: {  	s5 =	simm.s32 @p1 $0x1;
	p0 =	seq.s32 s7, s2  }
0x1e: {  	s7 =	smul.u32 @!p0 $0xF7A, s2;
	p2 =	seq.s32 @!p0 s5, $0x0  }
0x1f: {  	s9 =	smul.u32 $0xF7A, s1;
	s8 =	simm.s32 @!p0 $0x1BF5;
	p2 =	por !p2, p0  }
0x20: {  	[sflag:s8] =	ssyncset.s32 @!p0 $0xFFFFF086;
	s6 =	sadd.s32 @!p0 s3, s7;
	s7 =	simm.s32 @!p0 $0x108  }
0x21: {  	s3 =	sadd.s32 s3, s9;
	s6 =	sadd.s32 @!p0 $0x88, s6;
	s7 =	simm.s32 @p2 $0x1082  }
0x22: {  	[simem:s7], [sflag:s8] =	dma.local @!p0 [hbm:s6], $0xF7A  }
0x23: {  	s9 =	sor.u32 $0xD0000000, s2;
	s6 =	simm.s32 $0x108;
	_ =	swait.ge @!p0 [sflag:s8], $0x0  }
0x24: {  	s3 =	sadd.s32 $0x88, s3;
	s6 =	simm.s32 @!p1 $0x1082;
	[sflag:s4] =	ssyncset.s32 $0xFFFFF086  }
0x25: {  	[simem:s6], [sflag:s4] =	dma.local [hbm:s3], $0xF7A  }
0x26: {  	[smem:$0x3F9D] =	sst s1;
	(tag) =	ssettag s2;
	_ =	strace s9  }
0x27: {  	s1 =	sld [smem:$0x3FAD]  }
0x28: {  	s2 =	sld [smem:$0x3FAE]  }
0x29: {  	s4 =	sld [smem:$0x3FB0]  }
0x2a: {  	p0 =	seq.s32 s5, $0x0;
	s5 =	sld [smem:$0x3FB1]  }
0x2b: {  	s6 =	sld [smem:$0x3FB2]  }
0x2c: {  	s7 =	sld [smem:$0x3FB3]  }
0x2d: {  	s3 =	simm.s32 $0x108;
	s8 =	sld [smem:$0x3FB4]  }
0x2e: {  	s3 =	simm.s32 @!p0 $0x1082;
	s9 =	sld [smem:$0x3FB5]  }
0x2f: {  	lr =	sadd.s32 s0, s3;
	s0 =	sld [smem:$0x3FAC]  }
0x30: {  	s3 =	sld [smem:$0x3FAF]  }
0x31: {  	[smem:$0x3FB8] =	sst s10  }
0x32: {  	s10 =	sld [smem:$0x3FB6];
	_ =	sdelay $0x3  }
0x33: {  	p0 =	seq.s32 s10, $0x1;
	s10 =	sld [smem:$0x3FB8];
	_ =	sdelay $0x3  }
0x34: {  	[smem:$0x3FB8] =	sst s10  }
0x35: {  	s10 =	sld [smem:$0x3FB7];
	_ =	sdelay $0x3  }
0x36: {  	p1 =	seq.s32 s10, $0x1;
	s10 =	sld [smem:$0x3FB8];
	_ =	sdelay $0x3  }
0x37: {  	[smem:$0x3FB8] =	sst s10  }
0x38: {  	s10 =	sld [smem:$0x3FB9]  }
0x39: {  	_ = 	snop;
	(pc) =	sbr.ind lr, $3  }
0x3a: {  	_ = 	snop  }
0x3b: {  	_ = 	snop  }
0x3c: {  	p2 =	seq.s32 s10, $0x1;
	s10 =	sld [smem:$0x3FB8]  }
0x3d: {  	_ =	shalt  }
0x3e: {  	_ =	shalt  }
0x3f: {  	_ =	shalt  }
0x40: {  	_ =	shalt  }
0x41: {  	_ =	shalt  }
0x42: {  	_ =	shalt  }
0x43: {  	_ =	shalt  }
0x44: {  	_ =	shalt  }
0x45: {  	_ =	shalt  }
0x46: {  	_ =	shalt  }
0x47: {  	_ =	shalt  }
0x48: {  	_ =	shalt  }
0x49: {  	_ =	shalt  }
0x4a: {  	_ =	shalt  }
0x4b: {  	_ =	shalt  }
0x4c: {  	_ =	shalt  }
0x4d: {  	_ =	shalt  }
0x4e: {  	_ =	shalt  }
0x4f: {  	_ =	shalt  }
0x50: {  	_ =	shalt  }
0x51: {  	_ =	shalt  }
0x52: {  	_ =	shalt  }
0x53: {  	_ =	shalt  }
0x54: {  	_ =	shalt  }
0x55: {  	_ =	shalt  }
0x56: {  	_ =	shalt  }
0x57: {  	_ =	shalt  }
0x58: {  	_ =	shalt  }
0x59: {  	_ =	shalt  }
0x5a: {  	_ =	shalt  }
0x5b: {  	_ =	shalt  }
0x5c: {  	_ =	shalt  }
0x5d: {  	_ =	shalt  }
0x5e: {  	_ =	shalt  }
0x5f: {  	_ =	shalt  }
0x60: {  	_ =	shalt  }
0x61: {  	_ =	shalt  }
0x62: {  	_ =	shalt  }
0x63: {  	_ =	shalt  }
0x64: {  	_ =	shalt  }
0x65: {  	_ =	shalt  }
0x66: {  	_ =	shalt  }
0x67: {  	_ =	shalt  }
0x68: {  	_ =	shalt  }
0x69: {  	_ =	shalt  }
0x6a: {  	_ =	shalt  }
0x6b: {  	_ =	shalt  }
0x6c: {  	_ =	shalt  }
0x6d: {  	_ =	shalt  }
0x6e: {  	_ =	shalt  }
0x6f: {  	_ =	shalt  }
0x70: {  	_ =	shalt  }
0x71: {  	_ =	shalt  }
0x72: {  	_ =	shalt  }
0x73: {  	_ =	shalt  }
0x74: {  	_ =	shalt  }
0x75: {  	_ =	shalt  }
0x76: {  	_ =	shalt  }
0x77: {  	_ =	shalt  }
0x78: {  	_ =	shalt  }
0x79: {  	_ =	shalt  }
0x7a: {  	_ =	shalt  }
0x7b: {  	_ =	shalt  }
0x7c: {  	_ =	shalt  }
0x7d: {  	_ =	shalt  }
0x7e: {  	_ =	shalt  }
0x7f: {  	_ =	shalt  }
0x80: {  	_ =	shalt  }
0x81: {  	_ =	shalt  }
0x82: {  	_ =	shalt  }
0x83: {  	_ =	shalt  }
0x84: {  	_ =	shalt  }
0x85: {  	_ =	shalt  }
0x86: {  	_ =	shalt  }
0x87: {  	_ =	shalt  }
.Lfunc_end0:
.L_simem_size_0:
called_computation_lowered:
.L_overlay_start_0:
0x88: {  	s2 =	sld [smem:$0x3FD9]  }
0x89: {  	s3 =	sld [smem:$0x3FFE];
	_ =	sdelay $0x1  }
0x8a: {  	s1 =	srdreg.scid  }
0x8b: {  	s0 =	sand.u32 $0x1, s1  }
0x8c: {  	s17 =	sshll.u32 s0, $0xA;
	s2 =	sadd.s32 s3, s2  }
0x8d: {  	s2 =	sadd.s32 s2, s17  }
0x8e: {  	[smem:$0x3FC4] =	sst s2  }
0x8f: {  	_ = 	snop  }
0x90: {  	s2 =	sld [smem:$0x3FD0];
	(tm) =	ssettm $0x1  }
0x91: {  	s18 =	sld [smem:$0x3FFB];
	_ =	sdelay $0x3  }
0x92: {  	_ =	strace s18  }
0x93: {  	s3 =	sld [smem:$0x3FFC];
	_ =	sdelay $0x3  }
0x94: {  	_ =	strace s3  }
0x95: {  	s3 =	sld [smem:$0x3FFD];
	_ =	sdelay $0x3  }
0x96: {  	_ =	strace s3  }
0x97: {  	_ =	strace $0x8FFFFFFF  }
0x98: {  	s19 =	sld [smem:$0x3FDB];
	_ =	sdelay $0x1  }
0x99: {  	s4 =	simm.s32 $_scs_section_size  }
0x9a: {  	s5 =	simm.s32 $_size__tile_overlayer_lowered;
	s6 =	simm.s32 $_tile_overlayer_lowered  }
0x9b: {  	s22 =	simm.s32 $0x1BFF;
	s21 =	sshll.u32 s6, $0x1;
	s3 =	sadd.s32 s4, s19  }
0x9c: {  	s7 =	simm.s32 $0x0;
	s20 =	sshll.u32 s5, $0x1;
	s5 =	sadd.s32 s21, s3  }
0x9d: {  	[timem:s7], [sflag:s22] =	dma.local [hbm:s5], s20  }
0x9e: {  	_ =	swait.ge [sflag:s22], s20  }
0x9f: {  	s4 =	ssub.s32 $0x0, s20;
	[sflag:s22] =	ssyncset.done $0x0  }
0xa0: {  	[sflag:s22] =	ssyncadd.s32 s4;
	_ =	sdelay $0x1  }
0xa1: {  	s23 =	simm.s32 $0x1B8B  }
0xa2: {  	_ =	swait.ge [sflag:s23], $0x1  }
0xa3: {  	[sflag:s23] =	ssyncset.done $0x0  }
0xa4: {  	s25 =	simm.s32 $0x1B8E;
	s24 =	sld [smem:$0x3FFE];
	[sflag:s23] =	ssyncadd.s32 $0xFFFFFFFF  }
0xa5: {  	s26 =	simm.s32 $execute0_lowered;
	[smem:$0x3FD2] =	sst s25  }
0xa6: {  	s5 =	sshll.u32 s26, $0x1;
	_ =	strace $0x80000046;
	[dreg:$0x1] =	wrdreg $0xFFFFFFFF  }
0xa7: {  	s28 =	simm.s32 $_size_execute0_lowered;
	s3 =	sadd.s32 s3, s5;
	[dreg:$0x0] =	wrdreg $0x0  }
0xa8: {  	s5 =	sshll.u32 s28, $0x1;
	[dreg:$0x2] =	wrdreg s3  }
0xa9: {  	[dreg:$0x3] =	wrdreg s5  }
0xaa: {  	[dreg:$0x4] =	wrdreg $0xC0  }
0xab: {  	_ =	task [dreg:s7], $0x5FFFF  }
0xac: {  	[dreg:$0x1] =	wrdreg $0xFFFFFFFF  }
0xad: {  	[dreg:$0x0] =	wrdreg $0x60  }
0xae: {  	[dreg:$0x2] =	wrdreg s24  }
0xaf: {  	[dreg:$0x3] =	wrdreg s2  }
0xb0: {  	[dreg:$0x4] =	wrdreg $0x0  }
0xb1: {  	[dreg:$0x5] =	wrdreg $0x18700  }
0xb2: {  	[dreg:$0x6] =	wrdreg $0x30E00  }
0xb3: {  	[dreg:$0x7] =	wrdreg $0x49500  }
0xb4: {  	[dreg:$0x8] =	wrdreg $0x61C00  }
0xb5: {  	[dreg:$0x9] =	wrdreg $0x7A300  }
0xb6: {  	[dreg:$0xa] =	wrdreg $0x92A00  }
0xb7: {  	[dreg:$0xb] =	wrdreg $0x9  }
0xb8: {  	_ =	task.clear_ibuf [dreg:s7], $0xCFFFF;
	_ =	strace $0x90000046  }
0xb9: {  	s29 =	simm.s32 $0x9;
	_ =	strace $0x80000048  }
0xba: {  	_ =	swait.ge [sflag:s29], $0x1  }
0xbb: {  	[sflag:s29] =	ssyncadd.s32 $0xFFFFFFFF  }
0xbc: {  	_ =	strace $0x90000048  }
0xbd: {  	_ =	sfence  }
0xbe: {  	s30 =	sld [smem:$0x0];
	_ =	sdelay $0x2  }
0xbf: {  	s31 =	sshll.u32 s1, $0xD;
	s1 =	sshrl.u32 s1, $0x2  }
0xc0: {  	s3 =	sand.u32 $0x4000, s31;
	s1 =	sadd.s32 s1, s30  }
0xc1: {  	s0 =	sor.u32 s3, s0;
	s1 =	sshll.u32 s1, $0x11  }
0xc2: {  	s0 =	sor.u32 s1, s0  }
0xc3: {  	s0 =	sadd.s32 $0x8F2B, s0  }
0xc4: {  	[sflag:s0] =	ssyncadd.remote.s32 $0x1  }
0xc5: {  	_ =	sfence.sel $0xFFFF  }
0xc6: {  	[dreg:$0x0] =	wrdreg $0xFFFFFFFF;
	(pc) =	sbr.abs _section_cstart, $3  }
0xc7: {  	[dreg:$0x1] =	wrdreg $0xFFFFFFFF  }
0xc8: {  	_ =	task.clear_ibuf [dreg:s7], $0x2FFFF;
	_ =	strace $0x9FFFFFFF  }
0xc9: {  	(tm) =	ssettm $0x7FFFFFFF  }
tec
execute0_lowered:
.L_overlay_start_1:
0x0: {  	(tag) =	ssettag $0x1  }
0x1: {  	s0 =	rddreg [dreg:$0x0]  }
0x2: {  	s29 =	rddreg [dreg:$0x1]  }
0x3: {  	s3 =	srdreg.scid;
	s28 =	rddreg [dreg:$0x6]  }
0x4: {  	s1 =	simm.s32 $0x0;
	s18 =	stileid.u32;
	s30 =	rddreg [dreg:$0x7]  }
0x5: {  	[smem:$0x7FF] =	sst s1;
	s22 =	sadd.s32 $0x7000, s0;
	s8 =	sadd.s32 $0x3E00, s0  }
0x6: {  	s11 =	sadd.s32 $0xC00, s0;
	s2 =	sadd.s32 $0xA200, s0;
	s5 =	sadd.s32 $0x6BE00, s0  }
0x7: {  	s6 =	sand.u32 $0x1, s3;
	s3 =	smul.u32 $0xFA0, s18;
	s0 =	sor.u32 $0x10, s18  }
0x8: {  	s7 =	ssub.s32 $0x2, s6;
	s10 =	sshll.u32 s6, $0x4;
	s4 =	smul.u32 $0xFA0, s0  }
0x9: {  	s12 =	smul.u32 $0x1F40, s6;
	s9 =	sshrl.u32 s7, $0x1;
	s24 =	sshrl.u32 s3, $0x3  }
0xa: {  	s23 =	sor.u32 s18, s10;
	s7 =	ssub.s32 s7, s9;
	s25 =	sadd.s32 s22, s24  }
0xb: {  	s13 =	sshrl.u32 s4, $0x3;
	s26 =	sadd.s32 s8, s24;
	[dreg:$0xa] =	wrdreg s25  }
0xc: {  	s14 =	sadd.s32 $0x7D0, s12;
	s15 =	sadd.s32 s11, s24;
	[dreg:$0xc] =	wrdreg s26  }
0xd: {  	s9 =	sor.u32 $0x20, s18;
	s1 =	sadd.s32 s22, s13;
	[dreg:$0xe] =	wrdreg s15  }
0xe: {  	s10 =	sadd.s32 s8, s13;
	s8 =	smul.u32 $0x3E80, s0;
	[dreg:$0xb] =	wrdreg s1  }
0xf: {  	s16 =	sadd.s32 s11, s13;
	s13 =	smul.u32 $0x3E80, s9;
	[dreg:$0xd] =	wrdreg s10  }
0x10: {  	s11 =	sor.u32 $0x30, s18;
	s10 =	smul.u32 $0x3E80, s18;
	[dreg:$0xf] =	wrdreg s16  }
0x11: {  	s15 =	sadd.s32 s12, s8;
	s16 =	sadd.s32 s12, s13;
	s24 =	sadd.s32 s8, s14  }
0x12: {  	s26 =	sadd.s32 s13, s14;
	s17 =	sadd.s32 s12, s10;
	s15 =	sshrl.u32 s15, $0x3  }
0x13: {  	s20 =	sshrl.u32 s16, $0x3;
	s16 =	sadd.s32 $0x1770, s12;
	s22 =	sadd.s32 s10, s14  }
0x14: {  	s1 =	sshrl.u32 s17, $0x3;
	s17 =	smul.u32 $0x3E80, s11;
	s19 =	sadd.s32 s5, s15  }
0x15: {  	s15 =	sadd.s32 $0xFA0, s12;
	s1 =	sadd.s32 s5, s1;
	[dreg:$0x11] =	wrdreg s19  }
0x16: {  	s19 =	sshrl.u32 s26, $0x3;
	s26 =	sadd.s32 s13, s15;
	[dreg:$0x10] =	wrdreg s1  }
0x17: {  	s12 =	sadd.s32 s12, s17;
	s1 =	sadd.s32 s5, s20;
	s20 =	sadd.s32 s17, s14  }
0x18: {  	s14 =	sshrl.u32 s26, $0x3;
	s26 =	rddreg [dreg:$0x5];
	s21 =	sshrl.u32 s12, $0x3  }
0x19: {  	s6 =	smul.u32 $0x186A0, s23;
	[dreg:$0x12] =	wrdreg s1;
	s1 =	sadd.s32 s5, s21  }
0x1a: {  	s23 =	sshrl.u32 s22, $0x3;
	s22 =	sadd.s32 s10, s15;
	[dreg:$0x13] =	wrdreg s1  }
0x1b: {  	s1 =	sadd.s32 s5, s23;
	s23 =	sshrl.u32 s22, $0x3;
	s22 =	rddreg [dreg:$0x3]  }
0x1c: {  	s25 =	sshrl.u32 s24, $0x3;
	s24 =	sadd.s32 s8, s15;
	[dreg:$0x14] =	wrdreg s1  }
0x1d: {  	s1 =	sadd.s32 s5, s25;
	s25 =	sshrl.u32 s24, $0x3;
	s24 =	rddreg [dreg:$0x4]  }
0x1e: {  	[dreg:$0x15] =	wrdreg s1;
	s1 =	sadd.s32 s5, s19  }
0x1f: {  	s21 =	sshrl.u32 s20, $0x3;
	[dreg:$0x16] =	wrdreg s1  }
0x20: {  	s1 =	sadd.s32 s5, s21;
	s21 =	rddreg [dreg:$0x2]  }
0x21: {  	[dreg:$0x17] =	wrdreg s1;
	s1 =	sadd.s32 s5, s23  }
0x22: {  	s15 =	sadd.s32 s17, s15;
	[dreg:$0x18] =	wrdreg s1;
	s1 =	sadd.s32 s5, s25  }
0x23: {  	s19 =	sadd.s32 s10, s16;
	[dreg:$0x19] =	wrdreg s1;
	s1 =	sadd.s32 s5, s14  }
0x24: {  	s20 =	sshrl.u32 s19, $0x3;
	[dreg:$0x1a] =	wrdreg s1;
	s1 =	sshrl.u32 s15, $0x3  }
0x25: {  	s23 =	sadd.s32 s13, s16;
	s14 =	sadd.s32 s8, s16;
	s1 =	sadd.s32 s5, s1  }
0x26: {  	s13 =	sshrl.u32 s14, $0x3;
	[dreg:$0x1b] =	wrdreg s1;
	s1 =	sadd.s32 s5, s20  }
0x27: {  	s13 =	sadd.s32 s5, s13;
	[dreg:$0x1c] =	wrdreg s1;
	s1 =	sshrl.u32 s23, $0x3  }
0x28: {  	s25 =	sadd.s32 s17, s16;
	[dreg:$0x1d] =	wrdreg s13;
	s1 =	sadd.s32 s5, s1  }
0x29: {  	s12 =	sshrl.u32 s25, $0x3;
	[dreg:$0x1e] =	wrdreg s1  }
0x2a: {  	s15 =	sshrl.u32 s6, $0x3;
	s5 =	sadd.s32 s5, s12;
	s1 =	rddreg [dreg:$0x8]  }
0x2b: {  	s16 =	sadd.s32 s2, s15;
	[dreg:$0x1f] =	wrdreg s5  }
0x2c: {  	s17 =	sadd.s32 s29, s15;
	_ =	strace $0x80000047;
	[smem:$0x7DD] =	sst s16  }
0x2d: {  	s19 =	smax.u32 s7, $0x1;
	[smem:$0x7DE] =	sst s17  }
0x2e: {  	s20 =	sadd.s32 s3, s21;
	[smem:$0x7DF] =	sst s19  }
0x2f: {  	s23 =	sadd.s32 s3, s22;
	[smem:$0x7E0] =	sst s20  }
0x30: {  	s31 =	simm.s32 $0x1;
	s3 =	sadd.s32 s3, s24;
	[smem:$0x7E1] =	sst s23  }
0x31: {  	p0 =	sgt.u32 s0, $0x18;
	s25 =	sadd.s32 s4, s21;
	[smem:$0x7E2] =	sst s3  }
0x32: {  	s0 =	smul.u32 $0x1F40, s0;
	s5 =	sadd.s32 s4, s22;
	[smem:$0x7E3] =	sst s25  }
0x33: {  	s7 =	sadd.s32 s4, s24;
	s12 =	sshrl.u32 s10, $0x2;
	[smem:$0x7E4] =	sst s5  }
0x34: {  	s13 =	sshrl.u32 s8, $0x2;
	s8 =	sadd.s32 s12, s26;
	[smem:$0x7E5] =	sst s7  }
0x35: {  	s14 =	smul.u32 $0x1F40, s9;
	s9 =	sadd.s32 s12, s30;
	[smem:$0x7FA] =	sst s8  }
0x36: {  	p1 =	sgt.u32 s11, $0x31;
	s16 =	sadd.s32 s12, s28;
	[smem:$0x7FC] =	sst s9  }
0x37: {  	s0 =	sshrl.u32 s0, $0x2;
	s3 =	sadd.s32 s12, s1;
	[smem:$0x7E6] =	sst s16  }
0x38: {  	s17 =	smul.u32 $0x1F40, s18;
	s18 =	sadd.s32 s13, s26;
	[smem:$0x7E7] =	sst s3  }
0x39: {  	s15 =	smul.u32 $0x1F40, s11;
	s4 =	sadd.s32 s13, s1;
	[smem:$0x7E8] =	sst s18  }
0x3a: {  	s11 =	sadd.s32 s13, s30;
	s12 =	sadd.s32 s0, s26;
	[smem:$0x7E9] =	sst s4  }
0x3b: {  	s10 =	sadd.s32 s13, s28;
	s13 =	sadd.s32 s0, s28;
	[smem:$0x7EE] =	sst s12  }
0x3c: {  	s19 =	sshrl.u32 s14, $0x2;
	s14 =	sadd.s32 s0, s30;
	[smem:$0x7EF] =	sst s13  }
0x3d: {  	s6 =	sadd.s32 $0xFA0, s6;
	s0 =	sadd.s32 s0, s1;
	[smem:$0x7F0] =	sst s14  }
0x3e: {  	s5 =	sshrl.u32 s15, $0x2;
	s10 =	smov.u32 @p0 s8;
	[smem:$0x7F1] =	sst s0  }
0x3f: {  	s11 =	smov.u32 @p0 s9;
	s8 =	simm.s32 $0xCB10;
	[smem:$0x7FB] =	sst s10  }
0x40: {  	s9 =	simm.s32 $0xFA0;
	s15 =	sadd.s32 s19, s26;
	[smem:$0x7FD] =	sst s11  }
0x41: {  	s16 =	sadd.s32 s19, s28;
	s18 =	sadd.s32 s19, s1;
	[smem:$0x7F2] =	sst s15  }
0x42: {  	s4 =	simm.s32 $0x4;
	s10 =	simm.s32 $0x2;
	[smem:$0x7F3] =	sst s16  }
0x43: {  	s3 =	sshrl.u32 s17, $0x2;
	s17 =	sadd.s32 s19, s30;
	[smem:$0x7F5] =	sst s18  }
0x44: {  	s11 =	simm.s32 $0x3;
	s19 =	sadd.s32 s5, s26;
	[smem:$0x7F4] =	sst s17  }
0x45: {  	s12 =	simm.s32 $0xDB10;
	s20 =	sadd.s32 s3, s26;
	[smem:$0x7F6] =	sst s19  }
0x46: {  	s13 =	simm.s32 $0x1AB10;
	s23 =	sadd.s32 s3, s28;
	[smem:$0x7EA] =	sst s20  }
0x47: {  	s18 =	simm.s32 $0x1CB10;
	s25 =	sadd.s32 s3, s30;
	[smem:$0x7EB] =	sst s23  }
.Ltmp0:
0x48: {  	s3 =	sadd.s32 s3, s1;
	[smem:$0x7EC] =	sst s25;
	(pc) =	sbr.rel .LBB2_1-.Ltmp0, $4  }
0x49: {  	s17 =	simm.s32 $0x1BB10;
	[smem:$0x7ED] =	sst s3;
	s20 =	sadd.s32 s5, s28  }
0x4a: {  	s23 =	sadd.s32 s5, s30;
	s25 =	sadd.s32 s5, s1;
	[smem:$0x7F7] =	sst s20  }
0x4b: {  	s3 =	simm.s32 $0x5;
	s5 =	simm.s32 $0x0;
	[smem:$0x7F8] =	sst s23  }
0x4c: {  	v0 =	vimm.f32 $0.0e+00;
	[smem:$0x7F9] =	sst s25;
	s23 =	simm.s32 $0xEB10;
	s25 =	simm.s32 $0x1DB10  }
.LBB2_12:
0x4d: {  	_ =	swait.ge [sflag:s11], $0xFA0  }
0x4e: {  	[sflag:s11] =	ssyncset.done $0x0  }
0x4f: {  	[sflag:s11] =	ssyncadd.s32 $0xFFFFF060  }
0x50: {  	_ =	swait.ge [sflag:s11], $0xFA0  }
0x51: {  	[sflag:s11] =	ssyncset.done $0x0  }
0x52: {  	[sflag:s11] =	ssyncadd.s32 $0xFFFFF060  }
0x53: {  	_ =	swait.ge [sflag:s11], $0xFA0  }
0x54: {  	[sflag:s11] =	ssyncset.done $0x0  }
0x55: {  	[sflag:s11] =	ssyncadd.s32 $0xFFFFF060  }
0x56: {  	_ =	swait.ge [sflag:s11], $0xFA0  }
0x57: {  	[sflag:s11] =	ssyncset.done $0x0  }
0x58: {  	[sflag:s11] =	ssyncadd.s32 $0xFFFFF060  }
0x59: {  	[bflag:$0x0] =	sbarrier.arrive $0xFFFF  }
0x5a: {  	s0 =	sld [smem:$0x7EA];
	_ =	sdelay $0x1  }
0x5b: {  	s23 =	simm.s32 $0xEB10  }
0x5c: {  	[tilespmem:s23], [sflag:$0x5] =	stream.linear.gather [spmem:s0], $0x7D0, $0x38;
	[tilespmem:$0x1FB10] =	vst v63  }
0x5d: {  	_ =	swait.ge [sflag:s3], $0x7D0  }
0x5e: {  	[sflag:s3] =	ssyncset.done $0x0  }
0x5f: {  	s16 =	simm.s32 $0x0;
	s5 =	rddreg [dreg:$0x10];
	[sflag:s3] =	ssyncadd.s32 $0xFFFFF830  }
0x60: {  	[hbm4b:s5+s16] =	stream.linear.scatter [tilespmem:s23], [sflag:$0x4], $0x7D0, $0x38;
	[tilespmem:$0x1FB10] =	vst v63  }
0x61: {  	_ =	swait.ge [sflag:s4], $0x7D0  }
0x62: {  	s7 =	sld [smem:$0x7EE]  }
0x63: {  	[sflag:s4] =	ssyncset.done $0x0  }
0x64: {  	[sflag:s4] =	ssyncadd.s32 $0xFFFFF830  }
0x65: {  	[tilespmem:s23], [sflag:$0x5] =	stream.linear.gather [spmem:s7], $0x7D0, $0x38;
	[tilespmem:$0x1FB10] =	vst v63  }
0x66: {  	_ =	swait.ge [sflag:s3], $0x7D0  }
0x67: {  	[sflag:s3] =	ssyncset.done $0x0  }
0x68: {  	s14 =	rddreg [dreg:$0x11];
	[sflag:s3] =	ssyncadd.s32 $0xFFFFF830  }
0x69: {  	[hbm4b:s14+s16] =	stream.linear.scatter [tilespmem:s23], [sflag:$0x4], $0x7D0, $0x38;
	[tilespmem:$0x1FB10] =	vst v63  }
0x6a: {  	_ =	swait.ge [sflag:s4], $0x7D0  }
0x6b: {  	s15 =	sld [smem:$0x7F2]  }
0x6c: {  	[sflag:s4] =	ssyncset.done $0x0  }
0x6d: {  	[sflag:s4] =	ssyncadd.s32 $0xFFFFF830  }
0x6e: {  	[tilespmem:s23], [sflag:$0x5] =	stream.linear.gather [spmem:s15], $0x7D0, $0x38;
	[tilespmem:$0x1FB10] =	vst v63  }
0x6f: {  	_ =	swait.ge [sflag:s3], $0x7D0  }
0x70: {  	[sflag:s3] =	ssyncset.done $0x0  }
0x71: {  	s19 =	rddreg [dreg:$0x12];
	[sflag:s3] =	ssyncadd.s32 $0xFFFFF830  }
0x72: {  	[hbm4b:s19+s16] =	stream.linear.scatter [tilespmem:s23], [sflag:$0x4], $0x7D0, $0x38;
	[tilespmem:$0x1FB10] =	vst v63  }
0x73: {  	_ =	swait.ge [sflag:s4], $0x7D0  }
0x74: {  	s5 =	sld [smem:$0x7F6]  }
0x75: {  	[sflag:s4] =	ssyncset.done $0x0  }
0x76: {  	s0 =	simm.s32 @!p1 $0xEB10;
	[sflag:s4] =	ssyncadd.s32 $0xFFFFF830  }
0x77: {  	[tilespmem:s0], [sflag:$0x5] =	stream.linear.gather @!p1 [spmem:s5], $0x7D0, $0x38;
	[tilespmem:$0x1FB10] =	vst v63  }
0x78: {  	s5 =	simm.s32 @!p1 $0x5  }
0x79: {  	_ =	swait.ge @!p1 [sflag:s5], $0x7D0  }
0x7a: {  	[sflag:s5] =	ssyncset.done @!p1 $0x0  }
0x7b: {  	s15 =	simm.s32 @!p1 $0x0;
	s7 =	rddreg [dreg:$0x13];
	[sflag:s5] =	ssyncadd.s32 @!p1 $0xFFFFF830  }
0x7c: {  	[hbm4b:s7+s15] =	stream.linear.scatter @!p1 [tilespmem:s0], [sflag:$0x4], $0x7D0, $0x38;
	[tilespmem:$0x1FB10] =	vst v63  }
0x7d: {  	s7 =	simm.s32 @!p1 $0x4  }
0x7e: {  	_ =	swait.ge @!p1 [sflag:s7], $0x7D0  }
0x7f: {  	s14 =	sld [smem:$0x7EB]  }
0x80: {  	[sflag:s7] =	ssyncset.done @!p1 $0x0  }
0x81: {  	[sflag:s7] =	ssyncadd.s32 @!p1 $0xFFFFF830  }
0x82: {  	[tilespmem:s23], [sflag:$0x5] =	stream.linear.gather [spmem:s14], $0x7D0, $0x38;
	[tilespmem:$0x1FB10] =	vst v63  }
0x83: {  	_ =	swait.ge [sflag:s3], $0x7D0  }
0x84: {  	[sflag:s3] =	ssyncset.done $0x0  }
0x85: {  	s19 =	rddreg [dreg:$0x14];
	[sflag:s3] =	ssyncadd.s32 $0xFFFFF830  }
0x86: {  	[hbm4b:s19+s16] =	stream.linear.scatter [tilespmem:s23], [sflag:$0x4], $0x7D0, $0x38;
	[tilespmem:$0x1FB10] =	vst v63  }
0x87: {  	_ =	swait.ge [sflag:s4], $0x7D0  }
0x88: {  	s20 =	sld [smem:$0x7EF]  }
0x89: {  	[sflag:s4] =	ssyncset.done $0x0  }
0x8a: {  	[sflag:s4] =	ssyncadd.s32 $0xFFFFF830  }
0x8b: {  	[tilespmem:s23], [sflag:$0x5] =	stream.linear.gather [spmem:s20], $0x7D0, $0x38;
	[tilespmem:$0x1FB10] =	vst v63  }
0x8c: {  	_ =	swait.ge [sflag:s3], $0x7D0  }
0x8d: {  	[sflag:s3] =	ssyncset.done $0x0  }
0x8e: {  	s14 =	rddreg [dreg:$0x15];
	[sflag:s3] =	ssyncadd.s32 $0xFFFFF830  }
0x8f: {  	[hbm4b:s14+s16] =	stream.linear.scatter [tilespmem:s23], [sflag:$0x4], $0x7D0, $0x38;
	[tilespmem:$0x1FB10] =	vst v63  }
0x90: {  	_ =	swait.ge [sflag:s4], $0x7D0  }
0x91: {  	s20 =	sld [smem:$0x7F3]  }
0x92: {  	[sflag:s4] =	ssyncset.done $0x0  }
0x93: {  	[sflag:s4] =	ssyncadd.s32 $0xFFFFF830  }
0x94: {  	[tilespmem:s23], [sflag:$0x5] =	stream.linear.gather [spmem:s20], $0x7D0, $0x38;
	[tilespmem:$0x1FB10] =	vst v63  }
0x95: {  	_ =	swait.ge [sflag:s3], $0x7D0  }
0x96: {  	[sflag:s3] =	ssyncset.done $0x0  }
0x97: {  	s14 =	rddreg [dreg:$0x16];
	[sflag:s3] =	ssyncadd.s32 $0xFFFFF830  }
0x98: {  	[hbm4b:s14+s16] =	stream.linear.scatter [tilespmem:s23], [sflag:$0x4], $0x7D0, $0x38;
	[tilespmem:$0x1FB10] =	vst v63  }
0x99: {  	_ =	swait.ge [sflag:s4], $0x7D0  }
0x9a: {  	s14 =	sld [smem:$0x7F7]  }
0x9b: {  	[sflag:s4] =	ssyncset.done $0x0  }
0x9c: {  	[sflag:s4] =	ssyncadd.s32 $0xFFFFF830  }
0x9d: {  	[tilespmem:s0], [sflag:$0x5] =	stream.linear.gather @!p1 [spmem:s14], $0x7D0, $0x38;
	[tilespmem:$0x1FB10] =	vst v63  }
0x9e: {  	_ =	swait.ge @!p1 [sflag:s5], $0x7D0  }
0x9f: {  	[sflag:s5] =	ssyncset.done @!p1 $0x0  }
0xa0: {  	s19 =	rddreg [dreg:$0x17];
	[sflag:s5] =	ssyncadd.s32 @!p1 $0xFFFFF830  }
0xa1: {  	[hbm4b:s19+s15] =	stream.linear.scatter @!p1 [tilespmem:s0], [sflag:$0x4], $0x7D0, $0x38;
	[tilespmem:$0x1FB10] =	vst v63  }
0xa2: {  	_ =	swait.ge @!p1 [sflag:s7], $0x7D0  }
0xa3: {  	s20 =	sld [smem:$0x7EC]  }
0xa4: {  	[sflag:s7] =	ssyncset.done @!p1 $0x0  }
0xa5: {  	[sflag:s7] =	ssyncadd.s32 @!p1 $0xFFFFF830  }
0xa6: {  	[tilespmem:s23], [sflag:$0x5] =	stream.linear.gather [spmem:s20], $0x7D0, $0x38;
	[tilespmem:$0x1FB10] =	vst v63  }
0xa7: {  	_ =	swait.ge [sflag:s3], $0x7D0  }
0xa8: {  	[sflag:s3] =	ssyncset.done $0x0  }
0xa9: {  	s14 =	rddreg [dreg:$0x18];
	[sflag:s3] =	ssyncadd.s32 $0xFFFFF830  }
0xaa: {  	[hbm4b:s14+s16] =	stream.linear.scatter [tilespmem:s23], [sflag:$0x4], $0x7D0, $0x38;
	[tilespmem:$0x1FB10] =	vst v63  }
0xab: {  	_ =	swait.ge [sflag:s4], $0x7D0  }
0xac: {  	s20 =	sld [smem:$0x7F0]  }
0xad: {  	[sflag:s4] =	ssyncset.done $0x0  }
0xae: {  	[sflag:s4] =	ssyncadd.s32 $0xFFFFF830  }
0xaf: {  	[tilespmem:s23], [sflag:$0x5] =	stream.linear.gather [spmem:s20], $0x7D0, $0x38;
	[tilespmem:$0x1FB10] =	vst v63  }
0xb0: {  	_ =	swait.ge [sflag:s3], $0x7D0  }
0xb1: {  	[sflag:s3] =	ssyncset.done $0x0  }
0xb2: {  	s14 =	rddreg [dreg:$0x19];
	[sflag:s3] =	ssyncadd.s32 $0xFFFFF830  }
0xb3: {  	[hbm4b:s14+s16] =	stream.linear.scatter [tilespmem:s23], [sflag:$0x4], $0x7D0, $0x38;
	[tilespmem:$0x1FB10] =	vst v63  }
0xb4: {  	_ =	swait.ge [sflag:s4], $0x7D0  }
0xb5: {  	s19 =	sld [smem:$0x7F4]  }
0xb6: {  	[sflag:s4] =	ssyncset.done $0x0  }
0xb7: {  	[sflag:s4] =	ssyncadd.s32 $0xFFFFF830  }
0xb8: {  	[tilespmem:s23], [sflag:$0x5] =	stream.linear.gather [spmem:s19], $0x7D0, $0x38;
	[tilespmem:$0x1FB10] =	vst v63  }
0xb9: {  	_ =	swait.ge [sflag:s3], $0x7D0  }
0xba: {  	[sflag:s3] =	ssyncset.done $0x0  }
0xbb: {  	s20 =	rddreg [dreg:$0x1a];
	[sflag:s3] =	ssyncadd.s32 $0xFFFFF830  }
0xbc: {  	[hbm4b:s20+s16] =	stream.linear.scatter [tilespmem:s23], [sflag:$0x4], $0x7D0, $0x38;
	[tilespmem:$0x1FB10] =	vst v63  }
0xbd: {  	_ =	swait.ge [sflag:s4], $0x7D0  }
0xbe: {  	s14 =	sld [smem:$0x7F8]  }
0xbf: {  	[sflag:s4] =	ssyncset.done $0x0  }
0xc0: {  	[sflag:s4] =	ssyncadd.s32 $0xFFFFF830  }
0xc1: {  	[tilespmem:s0], [sflag:$0x5] =	stream.linear.gather @!p1 [spmem:s14], $0x7D0, $0x38;
	[tilespmem:$0x1FB10] =	vst v63  }
0xc2: {  	_ =	swait.ge @!p1 [sflag:s5], $0x7D0  }
0xc3: {  	[sflag:s5] =	ssyncset.done @!p1 $0x0  }
0xc4: {  	s14 =	rddreg [dreg:$0x1b];
	[sflag:s5] =	ssyncadd.s32 @!p1 $0xFFFFF830  }
0xc5: {  	[hbm4b:s14+s15] =	stream.linear.scatter @!p1 [tilespmem:s0], [sflag:$0x4], $0x7D0, $0x38;
	[tilespmem:$0x1FB10] =	vst v63  }
0xc6: {  	_ =	swait.ge @!p1 [sflag:s7], $0x7D0  }
0xc7: {  	s19 =	sld [smem:$0x7ED]  }
0xc8: {  	[sflag:s7] =	ssyncset.done @!p1 $0x0  }
0xc9: {  	[sflag:s7] =	ssyncadd.s32 @!p1 $0xFFFFF830  }
0xca: {  	[tilespmem:s23], [sflag:$0x5] =	stream.linear.gather [spmem:s19], $0x7D0, $0x38;
	[tilespmem:$0x1FB10] =	vst v63  }
0xcb: {  	_ =	swait.ge [sflag:s3], $0x7D0  }
0xcc: {  	[sflag:s3] =	ssyncset.done $0x0  }
0xcd: {  	s20 =	rddreg [dreg:$0x1c];
	[sflag:s3] =	ssyncadd.s32 $0xFFFFF830  }
0xce: {  	[hbm4b:s20+s16] =	stream.linear.scatter [tilespmem:s23], [sflag:$0x4], $0x7D0, $0x38;
	[tilespmem:$0x1FB10] =	vst v63  }
0xcf: {  	_ =	swait.ge [sflag:s4], $0x7D0  }
0xd0: {  	s19 =	sld [smem:$0x7F1]  }
0xd1: {  	[sflag:s4] =	ssyncset.done $0x0  }
0xd2: {  	[sflag:s4] =	ssyncadd.s32 $0xFFFFF830  }
0xd3: {  	[tilespmem:s23], [sflag:$0x5] =	stream.linear.gather [spmem:s19], $0x7D0, $0x38;
	[tilespmem:$0x1FB10] =	vst v63  }
0xd4: {  	_ =	swait.ge [sflag:s3], $0x7D0  }
0xd5: {  	[sflag:s3] =	ssyncset.done $0x0  }
0xd6: {  	s20 =	rddreg [dreg:$0x1d];
	[sflag:s3] =	ssyncadd.s32 $0xFFFFF830  }
0xd7: {  	[hbm4b:s20+s16] =	stream.linear.scatter [tilespmem:s23], [sflag:$0x4], $0x7D0, $0x38;
	[tilespmem:$0x1FB10] =	vst v63  }
0xd8: {  	_ =	swait.ge [sflag:s4], $0x7D0  }
0xd9: {  	s19 =	sld [smem:$0x7F5]  }
0xda: {  	[sflag:s4] =	ssyncset.done $0x0  }
0xdb: {  	[sflag:s4] =	ssyncadd.s32 $0xFFFFF830  }
0xdc: {  	[tilespmem:s23], [sflag:$0x5] =	stream.linear.gather [spmem:s19], $0x7D0, $0x38;
	[tilespmem:$0x1FB10] =	vst v63  }
0xdd: {  	_ =	swait.ge [sflag:s3], $0x7D0  }
0xde: {  	[sflag:s3] =	ssyncset.done $0x0  }
0xdf: {  	s20 =	rddreg [dreg:$0x1e];
	[sflag:s3] =	ssyncadd.s32 $0xFFFFF830  }
0xe0: {  	[hbm4b:s20+s16] =	stream.linear.scatter [tilespmem:s23], [sflag:$0x4], $0x7D0, $0x38;
	[tilespmem:$0x1FB10] =	vst v63  }
0xe1: {  	_ =	swait.ge [sflag:s4], $0x7D0  }
0xe2: {  	s14 =	sld [smem:$0x7F9]  }
0xe3: {  	[sflag:s4] =	ssyncset.done $0x0  }
0xe4: {  	[sflag:s4] =	ssyncadd.s32 $0xFFFFF830  }
0xe5: {  	[tilespmem:s0], [sflag:$0x5] =	stream.linear.gather @!p1 [spmem:s14], $0x7D0, $0x38;
	[tilespmem:$0x1FB10] =	vst v63  }
0xe6: {  	_ =	swait.ge @!p1 [sflag:s5], $0x7D0  }
0xe7: {  	[sflag:s5] =	ssyncset.done @!p1 $0x0  }
0xe8: {  	[sflag:s5] =	ssyncadd.s32 @!p1 $0xFFFFF830;
	s5 =	rddreg [dreg:$0x1f]  }
0xe9: {  	[hbm4b:s5+s15] =	stream.linear.scatter @!p1 [tilespmem:s0], [sflag:$0x4], $0x7D0, $0x38;
	[tilespmem:$0x1FB10] =	vst v63  }
0xea: {  	_ =	swait.ge @!p1 [sflag:s7], $0x7D0  }
0xeb: {  	s19 =	sld [smem:$0x7DC]  }
0xec: {  	s20 =	sld [smem:$0x7DF];
	_ =	sdelay $0x1  }
0xed: {  	s5 =	sadd.s32 $0x1, s19  }
0xee: {  	p2 =	sne.s32 s5, s20  }
.Ltmp1:
0xef: {  	_ = 	snop;
	(pc) =	sbr.rel @!p2 .LBB2_13-.Ltmp1, $3  }
0xf0: {  	_ =	sdelay $0x1  }
0xf1: {  	[sflag:s7] =	ssyncset.done @!p1 $0x0  }
0xf2: {  	[sflag:s7] =	ssyncadd.s32 @!p1 $0xFFFFF830  }
.LBB2_1:
0xf3: {  	[smem:$0x7DC] =	sst s5;
	s0 =	simm.s32 $0x40;
	s5 =	simm.s32 $0x0  }
.LBB2_2:
0xf4: {  	p2 =	sne.s32 s0, $0x3E40;
	[tilespmem:s5+$0x1EB10] =	vst v0;
	s5 =	smov.u32 s0;
	s0 =	sadd.s32 $0x40, s0  }
.Ltmp2:
0xf5: {  	(pc) =	sbr.rel @p2 .LBB2_2-.Ltmp2, $2  }
0xf6: {  	_ =	sdelay $0x2  }
0xf7: {  	s5 =	sshra.s32 s5, $0x2  }
0xf8: {  	[tilespmem:s5+$0x1EB10] =	vst v0;
	s16 =	simm.s32 $0x0;
	s0 =	rddreg [dreg:$0xa]  }
0xf9: {  	[tilespmem:s23], [sflag:$0x5] =	stream.linear.gather [hbm4b:s0+s16], $0xFA0, $0x38;
	[tilespmem:$0x1FB10] =	vst v63  }
0xfa: {  	_ =	swait.ge [sflag:s3], $0xFA0  }
0xfb: {  	s7 =	sld [smem:$0x7E0]  }
0xfc: {  	[sflag:s3] =	ssyncset.done $0x0  }
0xfd: {  	[sflag:s3] =	ssyncadd.s32 $0xFFFFF060  }
0xfe: {  	[spmem:s7] =	stream.linear.scatter [tilespmem:s23], [sflag:$0x4], $0xFA0, $0x38;
	[tilespmem:$0x1FB10] =	vst v63  }
0xff: {  	_ =	swait.ge [sflag:s4], $0xFA0  }
0x100: {  	s5 =	simm.s32 @!p0 $0x0;
	s15 =	simm.s32 @!p0 $0x5;
	[sflag:s4] =	ssyncset.done $0x0  }
0x101: {  	s7 =	simm.s32 @!p0 $0xEB10;
	s0 =	rddreg [dreg:$0xb];
	[sflag:s4] =	ssyncadd.s32 $0xFFFFF060  }
0x102: {  	[tilespmem:s7], [sflag:$0x5] =	stream.linear.gather @!p0 [hbm4b:s0+s5], $0xFA0, $0x38;
	[tilespmem:$0x1FB10] =	vst v63  }
0x103: {  	_ =	swait.ge @!p0 [sflag:s15], $0xFA0  }
0x104: {  	s0 =	sld [smem:$0x7E3]  }
0x105: {  	[sflag:s15] =	ssyncset.done @!p0 $0x0  }
0x106: {  	[sflag:s15] =	ssyncadd.s32 @!p0 $0xFFFFF060  }
0x107: {  	[spmem:s0] =	stream.linear.scatter @!p0 [tilespmem:s7], [sflag:$0x4], $0xFA0, $0x38;
	[tilespmem:$0x1FB10] =	vst v63  }
0x108: {  	s0 =	simm.s32 @!p0 $0x4  }
0x109: {  	_ =	swait.ge @!p0 [sflag:s0], $0xFA0  }
0x10a: {  	[sflag:s0] =	ssyncset.done @!p0 $0x0  }
0x10b: {  	s19 =	rddreg [dreg:$0xc];
	[sflag:s0] =	ssyncadd.s32 @!p0 $0xFFFFF060  }
0x10c: {  	[tilespmem:s23], [sflag:$0x5] =	stream.linear.gather [hbm4b:s19+s16], $0xFA0, $0x38;
	[tilespmem:$0x1FB10] =	vst v63  }
0x10d: {  	_ =	swait.ge [sflag:s3], $0xFA0  }
0x10e: {  	s14 =	sld [smem:$0x7E1]  }
0x10f: {  	[sflag:s3] =	ssyncset.done $0x0  }
0x110: {  	[sflag:s3] =	ssyncadd.s32 $0xFFFFF060  }
0x111: {  	[spmem:s14] =	stream.linear.scatter [tilespmem:s23], [sflag:$0x4], $0xFA0, $0x38;
	[tilespmem:$0x1FB10] =	vst v63  }
0x112: {  	_ =	swait.ge [sflag:s4], $0xFA0  }
0x113: {  	[sflag:s4] =	ssyncset.done $0x0  }
0x114: {  	s19 =	rddreg [dreg:$0xd];
	[sflag:s4] =	ssyncadd.s32 $0xFFFFF060  }
0x115: {  	[tilespmem:s7], [sflag:$0x5] =	stream.linear.gather @!p0 [hbm4b:s19+s5], $0xFA0, $0x38;
	[tilespmem:$0x1FB10] =	vst v63  }
0x116: {  	_ =	swait.ge @!p0 [sflag:s15], $0xFA0  }
0x117: {  	s14 =	sld [smem:$0x7E4]  }
0x118: {  	[sflag:s15] =	ssyncset.done @!p0 $0x0  }
0x119: {  	[sflag:s15] =	ssyncadd.s32 @!p0 $0xFFFFF060  }
0x11a: {  	[spmem:s14] =	stream.linear.scatter @!p0 [tilespmem:s7], [sflag:$0x4], $0xFA0, $0x38;
	[tilespmem:$0x1FB10] =	vst v63  }
0x11b: {  	_ =	swait.ge @!p0 [sflag:s0], $0xFA0  }
0x11c: {  	[sflag:s0] =	ssyncset.done @!p0 $0x0  }
0x11d: {  	s14 =	rddreg [dreg:$0xe];
	[sflag:s0] =	ssyncadd.s32 @!p0 $0xFFFFF060  }
0x11e: {  	[tilespmem:s23], [sflag:$0x5] =	stream.linear.gather [hbm4b:s14+s16], $0xFA0, $0x38;
	[tilespmem:$0x1FB10] =	vst v63  }
0x11f: {  	_ =	swait.ge [sflag:s3], $0xFA0  }
0x120: {  	s20 =	sld [smem:$0x7E2]  }
0x121: {  	[sflag:s3] =	ssyncset.done $0x0  }
0x122: {  	[sflag:s3] =	ssyncadd.s32 $0xFFFFF060  }
0x123: {  	[spmem:s20] =	stream.linear.scatter [tilespmem:s23], [sflag:$0x4], $0xFA0, $0x38;
	[tilespmem:$0x1FB10] =	vst v63  }
0x124: {  	_ =	swait.ge [sflag:s4], $0xFA0  }
0x125: {  	[sflag:s4] =	ssyncset.done $0x0  }
0x126: {  	s16 =	rddreg [dreg:$0xf];
	[sflag:s4] =	ssyncadd.s32 $0xFFFFF060  }
0x127: {  	[tilespmem:s7], [sflag:$0x5] =	stream.linear.gather @!p0 [hbm4b:s16+s5], $0xFA0, $0x38;
	[tilespmem:$0x1FB10] =	vst v63  }
0x128: {  	_ =	swait.ge @!p0 [sflag:s15], $0xFA0  }
0x129: {  	s5 =	sld [smem:$0x7E5]  }
0x12a: {  	[sflag:s15] =	ssyncset.done @!p0 $0x0  }
0x12b: {  	[sflag:s15] =	ssyncadd.s32 @!p0 $0xFFFFF060  }
0x12c: {  	[spmem:s5] =	stream.linear.scatter @!p0 [tilespmem:s7], [sflag:$0x4], $0xFA0, $0x38;
	[tilespmem:$0x1FB10] =	vst v63  }
0x12d: {  	_ =	swait.ge @!p0 [sflag:s0], $0xFA0  }
0x12e: {  	s7 =	sld [smem:$0x7FA]  }
0x12f: {  	[sflag:s0] =	ssyncset.done @!p0 $0x0  }
0x130: {  	s5 =	simm.s32 @!p0 $0x1EB10;
	[sflag:s0] =	ssyncadd.s32 @!p0 $0xFFFFF060  }
0x131: {  	[spmem:s7] =	stream.linear.scatter @!p0 [tilespmem:s5], [sflag:$0x4], $0xFA0, $0x38;
	[tilespmem:$0x1FB10] =	vst v63  }
0x132: {  	_ =	swait.ge @!p0 [sflag:s0], $0xFA0  }
0x133: {  	s7 =	sld [smem:$0x7E8]  }
0x134: {  	[sflag:s0] =	ssyncset.done @!p0 $0x0  }
0x135: {  	[sflag:s0] =	ssyncadd.s32 @!p0 $0xFFFFF060  }
0x136: {  	[spmem:s7] =	stream.linear.scatter @!p0 [tilespmem:s5], [sflag:$0x4], $0xFA0, $0x38;
	[tilespmem:$0x1FB10] =	vst v63  }
0x137: {  	_ =	swait.ge @!p0 [sflag:s0], $0xFA0  }
0x138: {  	s14 =	sld [smem:$0x7E6]  }
0x139: {  	[sflag:s0] =	ssyncset.done @!p0 $0x0  }
0x13a: {  	[sflag:s0] =	ssyncadd.s32 @!p0 $0xFFFFF060  }
0x13b: {  	[spmem:s14] =	stream.linear.scatter @!p0 [tilespmem:s5], [sflag:$0x4], $0xFA0, $0x38;
	[tilespmem:$0x1FB10] =	vst v63  }
0x13c: {  	_ =	swait.ge @!p0 [sflag:s0], $0xFA0  }
0x13d: {  	s16 =	sld [smem:$0x7FB]  }
0x13e: {  	[sflag:s0] =	ssyncset.done @!p0 $0x0  }
0x13f: {  	s19 =	simm.s32 $0x1EB10;
	[sflag:s0] =	ssyncadd.s32 @!p0 $0xFFFFF060  }
0x140: {  	[spmem:s16] =	stream.linear.scatter [tilespmem:s19], [sflag:$0x4], $0xFA0, $0x38;
	[tilespmem:$0x1FB10] =	vst v63  }
0x141: {  	_ =	swait.ge [sflag:s4], $0xFA0  }
0x142: {  	s7 =	sld [smem:$0x7FC];
	_ =	sdelay $0x1  }
0x143: {  	[sflag:s4] =	ssyncset.done $0x0  }
0x144: {  	[sflag:s4] =	ssyncadd.s32 $0xFFFFF060;
	s7 =	smov.u32 @p0 s14  }
0x145: {  	[spmem:s7] =	stream.linear.scatter [tilespmem:s19], [sflag:$0x4], $0xFA0, $0x38;
	[tilespmem:$0x1FB10] =	vst v63  }
0x146: {  	_ =	swait.ge [sflag:s4], $0xFA0  }
0x147: {  	s20 =	sld [smem:$0x7FD]  }
0x148: {  	[sflag:s4] =	ssyncset.done $0x0  }
0x149: {  	[sflag:s4] =	ssyncadd.s32 $0xFFFFF060  }
0x14a: {  	[spmem:s20] =	stream.linear.scatter [tilespmem:s19], [sflag:$0x4], $0xFA0, $0x38;
	[tilespmem:$0x1FB10] =	vst v63  }
0x14b: {  	_ =	swait.ge [sflag:s4], $0xFA0  }
0x14c: {  	s14 =	sld [smem:$0x7E7]  }
0x14d: {  	[sflag:s4] =	ssyncset.done $0x0  }
0x14e: {  	[sflag:s4] =	ssyncadd.s32 $0xFFFFF060  }
0x14f: {  	[spmem:s14] =	stream.linear.scatter [tilespmem:s19], [sflag:$0x4], $0xFA0, $0x38;
	[tilespmem:$0x1FB10] =	vst v63  }
0x150: {  	_ =	swait.ge [sflag:s4], $0xFA0  }
0x151: {  	s7 =	sld [smem:$0x7E9]  }
0x152: {  	[sflag:s4] =	ssyncset.done $0x0  }
0x153: {  	[sflag:s4] =	ssyncadd.s32 $0xFFFFF060  }
0x154: {  	[spmem:s7] =	stream.linear.scatter @!p0 [tilespmem:s5], [sflag:$0x4], $0xFA0, $0x38;
	[tilespmem:$0x1FB10] =	vst v63  }
0x155: {  	_ =	swait.ge @!p0 [sflag:s0], $0xFA0  }
0x156: {  	[sflag:s0] =	ssyncset.done @!p0 $0x0  }
0x157: {  	[sflag:s0] =	ssyncadd.s32 @!p0 $0xFFFFF060  }
0x158: {  	[bflag:$0x0] =	sbarrier.arrive $0xFFFF  }
0x159: {  	s16 =	sld [smem:$0x7DD];
	_ =	sdelay $0x1  }
0x15a: {  	s20 =	simm.s32 $0x0;
	s19 =	simm.s32 $0xAB10  }
0x15b: {  	[tilespmem:s19], [sflag:$0x4] =	stream.linear.gather [hbm4b:s16+s20], $0xFA0, $0x38;
	[tilespmem:$0x1FB10] =	vst v63  }
0x15c: {  	_ =	swait.ge [sflag:s4], $0xFA0  }
0x15d: {  	s7 =	sld [smem:$0x7DE]  }
0x15e: {  	[sflag:s4] =	ssyncset.done $0x0  }
0x15f: {  	[sflag:s4] =	ssyncadd.s32 $0xFFFFF060  }
0x160: {  	[tilespmem:s8], [sflag:$0x4] =	stream.linear.gather [hbm4b:s7+s20], $0xFA0, $0x38;
	[tilespmem:$0x1FB10] =	vst v63  }
0x161: {  	_ =	swait.ge [sflag:s4], $0xFA0  }
0x162: {  	[sflag:s4] =	ssyncset.done $0x0  }
0x163: {  	[sflag:s4] =	ssyncadd.s32 $0xFFFFF060  }
0x164: {  	[tilespmem:s23], [sflag:$0x1] =	stream.indirect.gather [spmem:s21], $0x1, s19, s9, $0xb8;
	[tilespmem:$0x1FB10] =	vst v63  }
0x165: {  	s14 =	simm.s32 $0xFB10  }
0x166: {  	[tilespmem:s14], [sflag:$0x1] =	stream.indirect.gather [spmem:s22], $0x1, s19, s9, $0xb8;
	[tilespmem:$0x1FB10] =	vst v63  }
0x167: {  	s15 =	simm.s32 $0x10B10  }
0x168: {  	[tilespmem:s15], [sflag:$0x1] =	stream.indirect.gather [spmem:s24], $0x1, s19, s9, $0xb8;
	[tilespmem:$0x1FB10] =	vst v63  }
0x169: {  	s16 =	simm.s32 $0x11B10  }
0x16a: {  	[tilespmem:s16], [sflag:$0x1] =	stream.indirect.gather [spmem:s21], $0x1, s8, s9, $0xb8;
	[tilespmem:$0x1FB10] =	vst v63  }
.Ltmp3:
0x16b: {  	_ = 	snop;
	(pc) =	sbr.rel .LBB2_4-.Ltmp3, $4  }
0x16c: {  	s19 =	simm.s32 $0x12B10  }
0x16d: {  	[tilespmem:s19], [sflag:$0x1] =	stream.indirect.gather [spmem:s22], $0x1, s8, s9, $0xb8;
	[tilespmem:$0x1FB10] =	vst v63  }
0x16e: {  	s23 =	simm.s32 $0x13B10  }
0x16f: {  	[tilespmem:s23], [sflag:$0x1] =	stream.indirect.gather [spmem:s24], $0x1, s8, s9, $0xb8;
	[tilespmem:$0x1FB10] =	vst v63  }
.LBB2_11:
0x170: {  	s20 =	sadd.s32 $0x1, s20  }
0x171: {  	p2 =	sne.s32 s20, $0x19  }
.Ltmp4:
0x172: {  	_ = 	snop;
	(pc) =	sbr.rel @!p2 .LBB2_12-.Ltmp4, $1  }
0x173: {  	_ =	sdelay $0x3  }
.LBB2_4:
0x174: {  	s23 =	sand.u32 $0x1, s20  }
0x175: {  	p2 =	seq.s32 s23, $0x1  }
.Ltmp5:
0x176: {  	_ = 	snop;
	(pc) =	sbr.rel @p2 .LBB2_8-.Ltmp5, $1  }
0x177: {  	_ =	sdelay $0x3  }
0x178: {  	_ =	swait.ge [sflag:s31], $0xFA0  }
0x179: {  	[sflag:s31] =	ssyncset.done $0x0  }
0x17a: {  	[sflag:s31] =	ssyncadd.s32 $0xFFFFF060  }
0x17b: {  	_ =	swait.ge [sflag:s31], $0xFA0  }
0x17c: {  	[sflag:s31] =	ssyncset.done $0x0  }
0x17d: {  	[sflag:s31] =	ssyncadd.s32 $0xFFFFF060  }
0x17e: {  	_ =	swait.ge [sflag:s31], $0xFA0  }
0x17f: {  	[sflag:s31] =	ssyncset.done $0x0  }
0x180: {  	[sflag:s31] =	ssyncadd.s32 $0xFFFFF060  }
0x181: {  	_ =	swait.ge [sflag:s31], $0xFA0  }
0x182: {  	[sflag:s31] =	ssyncset.done $0x0  }
0x183: {  	[sflag:s31] =	ssyncadd.s32 $0xFFFFF060  }
0x184: {  	_ =	swait.ge [sflag:s31], $0xFA0  }
0x185: {  	[sflag:s31] =	ssyncset.done $0x0  }
0x186: {  	[sflag:s31] =	ssyncadd.s32 $0xFFFFF060  }
0x187: {  	_ =	swait.ge [sflag:s31], $0xFA0  }
0x188: {  	p2 =	seq.s32 s20, $0x0;
	[sflag:s31] =	ssyncset.done $0x0  }
0x189: {  	s0 =	simm.s32 @!p2 $0x3;
	[sflag:s31] =	ssyncadd.s32 $0xFFFFF060  }
0x18a: {  	_ =	swait.ge @!p2 [sflag:s0], $0xFA0  }
0x18b: {  	[sflag:s0] =	ssyncset.done @!p2 $0x0  }
0x18c: {  	[sflag:s0] =	ssyncadd.s32 @!p2 $0xFFFFF060  }
0x18d: {  	_ =	swait.ge @!p2 [sflag:s0], $0xFA0  }
0x18e: {  	[sflag:s0] =	ssyncset.done @!p2 $0x0  }
0x18f: {  	[sflag:s0] =	ssyncadd.s32 @!p2 $0xFFFFF060  }
0x190: {  	_ =	swait.ge @!p2 [sflag:s0], $0xFA0  }
0x191: {  	[sflag:s0] =	ssyncset.done @!p2 $0x0  }
0x192: {  	[sflag:s0] =	ssyncadd.s32 @!p2 $0xFFFFF060  }
0x193: {  	p3 =	seq.s32 @!p2 s20, $0x18;
	_ =	swait.ge @!p2 [sflag:s0], $0xFA0  }
0x194: {  	p3 =	por p2, !p3;
	[sflag:s0] =	ssyncset.done @!p2 $0x0  }
0x195: {  	[sflag:s0] =	ssyncadd.s32 @!p2 $0xFFFFF060;
	s0 =	smul.u32 @p3 $0xFA0, s20;
	_ =	sdelay $0x1  }
0x196: {  	s0 =	sadd.s32 @p3 s0, s6  }
0x197: {  	s0 =	sshrl.u32 @p3 s0, $0x3  }
0x198: {  	s7 =	simm.s32 @p3 $0x0;
	s14 =	simm.s32 @p3 $0xBB10;
	s5 =	sadd.s32 @p3 s2, s0  }
0x199: {  	[tilespmem:s14], [sflag:$0x4] =	stream.linear.gather @p3 [hbm4b:s5+s7], $0xFA0, $0x38;
	[tilespmem:$0x1FB10] =	vst v63  }
0x19a: {  	_ =	swait.ge @p3 [sflag:s4], $0xFA0  }
0x19b: {  	[sflag:s4] =	ssyncset.done @p3 $0x0  }
0x19c: {  	s0 =	sadd.s32 @p3 s29, s0;
	[sflag:s4] =	ssyncadd.s32 @p3 $0xFFFFF060  }
0x19d: {  	[tilespmem:s12], [sflag:$0x4] =	stream.linear.gather @p3 [hbm4b:s0+s7], $0xFA0, $0x38;
	[tilespmem:$0x1FB10] =	vst v63  }
0x19e: {  	_ =	swait.ge @p3 [sflag:s4], $0xFA0  }
0x19f: {  	[sflag:s4] =	ssyncset.done @p3 $0x0  }
0x1a0: {  	s0 =	simm.s32 @p3 $0x14B10;
	[sflag:s4] =	ssyncadd.s32 @p3 $0xFFFFF060  }
0x1a1: {  	[tilespmem:s0], [sflag:$0x2] =	stream.indirect.gather @p3 [spmem:s21], $0x1, s14, s9, $0xb8;
	[tilespmem:$0x1FB10] =	vst v63  }
0x1a2: {  	s0 =	simm.s32 @p3 $0x15B10  }
0x1a3: {  	[tilespmem:s0], [sflag:$0x2] =	stream.indirect.gather @p3 [spmem:s22], $0x1, s14, s9, $0xb8;
	[tilespmem:$0x1FB10] =	vst v63  }
0x1a4: {  	s0 =	simm.s32 @p3 $0x16B10  }
0x1a5: {  	[tilespmem:s0], [sflag:$0x2] =	stream.indirect.gather @p3 [spmem:s24], $0x1, s14, s9, $0xb8;
	[tilespmem:$0x1FB10] =	vst v63  }
0x1a6: {  	s0 =	simm.s32 @p3 $0x17B10  }
0x1a7: {  	[tilespmem:s0], [sflag:$0x2] =	stream.indirect.gather @p3 [spmem:s21], $0x1, s12, s9, $0xb8;
	[tilespmem:$0x1FB10] =	vst v63  }
0x1a8: {  	s0 =	simm.s32 @p3 $0x18B10  }
0x1a9: {  	[tilespmem:s0], [sflag:$0x2] =	stream.indirect.gather @p3 [spmem:s22], $0x1, s12, s9, $0xb8;
	[tilespmem:$0x1FB10] =	vst v63  }
0x1aa: {  	s5 =	simm.s32 $0x0;
	s0 =	simm.s32 @p3 $0x19B10  }
0x1ab: {  	[tilespmem:s0], [sflag:$0x2] =	stream.indirect.gather @p3 [spmem:s24], $0x1, s12, s9, $0xb8;
	[tilespmem:$0x1FB10] =	vst v63  }
0x1ac: {  	v1 =	vld [tilespmem:s5+$0x10B10]  }
0x1ad: {  	v2 =	vld [tilespmem:s5+$0x13B10]  }
0x1ae: {  	v3 =	vld [tilespmem:s5+$0xEB10]  }
0x1af: {  	v4 =	vld [tilespmem:s5+$0x11B10]  }
0x1b0: {  	v5 =	vld [tilespmem:s5+$0xFB10]  }
0x1b1: {  	v6 =	vld [tilespmem:s5+$0x12B10];
	_ =	sdelay $0x2  }
0x1b2: {  	v1 =	vsub.f32 v1, v2  }
0x1b3: {  	s15 =	simm.s32 $0x10  }
0x1b4: {  	v7 =	vld [tilespmem:s15+$0x13B10];
	v3 =	vsub.f32 v3, v4;
	v4 =	vsub.f32 v5, v6;
	v1 =	vmul.f32 $6.666666410e+01, v1  }
0x1b5: {  	v2 =	vld [tilespmem:s15+$0x10B10]  }
0x1b6: {  	v5 =	vld [tilespmem:s15+$0xEB10];
	v3 =	vmul.f32 $6.666666410e+01, v3;
	v4 =	vmul.f32 $6.666666410e+01, v4;
	[tilespmem:s5+$0x1CB10] =	vst v1  }
0x1b7: {  	v6 =	vld [tilespmem:s15+$0x11B10]  }
0x1b8: {  	v9 =	vmul.f32 v3, v3;
	v10 =	vmul.f32 v4, v4;
	v8 =	vld [tilespmem:s15+$0xFB10];
	[tilespmem:s5+$0x1AB10] =	vst v3  }
0x1b9: {  	v3 =	vld [tilespmem:s15+$0x12B10]  }
0x1ba: {  	v1 =	vmul.f32 v1, v1;
	[tilespmem:s5+$0x1BB10] =	vst v4;
	v4 =	vadd.f32 v10, v9  }
0x1bb: {  	v2 =	vsub.f32 v2, v7  }
0x1bc: {  	s7 =	simm.s32 $0x20;
	v1 =	vadd.f32 v1, v4  }
0x1bd: {  	v7 =	vld [tilespmem:s7+$0x10B10];
	v2 =	vmul.f32 $6.666666410e+01, v2;
	v5 =	vsub.f32 v5, v6  }
0x1be: {  	v4 =	vld [tilespmem:s7+$0x13B10];
	v9 =	vmul.f32 $5.000000000e-01, v1;
	v3 =	vsub.f32 v8, v3;
	v8 =	vshrl.u32 v1, $0x1  }
0x1bf: {  	v6 =	vld [tilespmem:s7+$0xEB10];
	[tilespmem:s15+$0x1CB10] =	vst v2;
	v5 =	vmul.f32 $6.666666410e+01, v5;
	v8 =	vsub.s32 $0x5F3759DF, v8  }
0x1c0: {  	v10 =	vld [tilespmem:s7+$0x11B10];
	v3 =	vmul.f32 $6.666666410e+01, v3;
	v11 =	vmul.f32 v8, v9  }
0x1c1: {  	v12 =	vld [tilespmem:s7+$0xFB10];
	v13 =	vmul.f32 v5, v5;
	[tilespmem:s15+$0x1AB10] =	vst v5  }
0x1c2: {  	v5 =	vmul.f32 v3, v3;
	v14 =	vld [tilespmem:s7+$0x12B10];
	v11 =	vmul.f32 v8, v11;
	_ =	sdelay $0x1  }
0x1c3: {  	v2 =	vmul.f32 v2, v2;
	v5 =	vadd.f32 v5, v13;
	v11 =	vsub.f32 $1.500000000e+00, v11  }
0x1c4: {  	[tilespmem:s15+$0x1BB10] =	vst v3;
	v3 =	vsub.f32 v7, v4  }
0x1c5: {  	s16 =	simm.s32 $0x30;
	v2 =	vadd.f32 v2, v5;
	v5 =	vmul.f32 v8, v11  }
0x1c6: {  	v7 =	vld [tilespmem:s16+$0x10B10];
	v6 =	vsub.f32 v6, v10;
	v3 =	vmul.f32 $6.666666410e+01, v3;
	v8 =	vsub.f32 v12, v14  }
0x1c7: {  	v10 =	vld [tilespmem:s16+$0x13B10];
	v4 =	vmul.f32 $5.000000000e-01, v2;
	v11 =	vshrl.u32 v2, $0x1;
	v12 =	vmul.f32 v5, v9  }
0x1c8: {  	v13 =	vld [tilespmem:s16+$0xEB10];
	v6 =	vmul.f32 $6.666666410e+01, v6;
	[tilespmem:s7+$0x1CB10] =	vst v3;
	v8 =	vmul.f32 $6.666666410e+01, v8;
	v11 =	vsub.s32 $0x5F3759DF, v11  }
0x1c9: {  	v14 =	vld [tilespmem:s16+$0x11B10];
	v15 =	vmul.f32 v11, v4;
	v12 =	vmul.f32 v12, v5  }
0x1ca: {  	v16 =	vld [tilespmem:s16+$0xFB10];
	v17 =	vmul.f32 v6, v6;
	[tilespmem:s7+$0x1AB10] =	vst v6;
	v18 =	vmul.f32 v8, v8  }
0x1cb: {  	v6 =	vmul.f32 v11, v15;
	v15 =	vld [tilespmem:s16+$0x12B10];
	v12 =	vsub.f32 $1.500000000e+00, v12  }
0x1cc: {  	v3 =	vmul.f32 v3, v3;
	v17 =	vadd.f32 v18, v17  }
0x1cd: {  	v6 =	vsub.f32 $1.500000000e+00, v6;
	v12 =	vmul.f32 v12, v5  }
0x1ce: {  	[tilespmem:s7+$0x1BB10] =	vst v8;
	v8 =	vsub.f32 v7, v10;
	v3 =	vadd.f32 v3, v17  }
0x1cf: {  	s0 =	simm.s32 $0x40;
	v13 =	vsub.f32 v13, v14;
	v6 =	vmul.f32 v11, v6;
	v9 =	vmul.f32 v12, v9  }
0x1d0: {  	v7 =	vld [tilespmem:s0+$0x10B10];
	v8 =	vmul.f32 $6.666666410e+01, v8;
	v14 =	vsub.f32 v16, v15;
	v5 =	vmul.f32 $5.000000000e-01, v3  }
0x1d1: {  	v10 =	vld [tilespmem:s0+$0x13B10];
	v17 =	vshrl.u32 v3, $0x1;
	v16 =	vmul.f32 v6, v4;
	v18 =	vmul.f32 v9, v12  }
0x1d2: {  	v19 =	vmul.f32 $6.666666410e+01, v13;
	v11 =	vld [tilespmem:s0+$0xEB10];
	[tilespmem:s16+$0x1CB10] =	vst v8;
	v9 =	vsub.s32 $0x5F3759DF, v17;
	v14 =	vmul.f32 $6.666666410e+01, v14  }
0x1d3: {  	v15 =	vld [tilespmem:s0+$0x11B10];
	v17 =	vmul.f32 v9, v5;
	v20 =	vmul.f32 v16, v6;
	v21 =	vsub.f32 $1.500000000e+00, v18  }
0x1d4: {  	v13 =	vld [tilespmem:s0+$0xFB10];
	[tilespmem:s16+$0x1AB10] =	vst v19;
	v18 =	vmul.f32 v19, v19;
	v19 =	vmul.f32 v14, v14  }
0x1d5: {  	s19 =	simm.s32 $0x140;
	s14 =	smov.u32 s29;
	v16 =	vld [tilespmem:s0+$0x12B10];
	[tilespmem:s16+$0x1BB10] =	vst v14;
	v17 =	vmul.f32 v9, v17;
	v14 =	vsub.f32 $1.500000000e+00, v20;
	v12 =	vmul.f32 v21, v12  }
.LBB2_6:
0x1d6: {  	p2 =	sne.s32 s19, $0x3E40;
	v18 =	vadd.f32 v19, v18;
	v8 =	vmul.f32 v8, v8  }
0x1d7: {  	v17 =	vsub.f32 $1.500000000e+00, v17;
	v20 =	vmul.f32 v14, v6;
	v12 =	vmul.f32 v12, v1;
	v1 =	vmovc v2;
	v2 =	vmovc v3  }
0x1d8: {  	v10 =	vsub.f32 v7, v10;
	v3 =	vadd.f32 v8, v18  }
0x1d9: {  	s29 =	sshra.s32 s19, $0x2;
	v14 =	vsub.f32 v11, v15;
	v6 =	vmul.f32 v9, v17;
	v9 =	vmul.f32 v20, v4;
	[tilespmem:s5+$0x1DB10] =	vst v12;
	s5 =	smov.u32 s15;
	s15 =	smov.u32 s7  }
0x1da: {  	v8 =	vmul.f32 $6.666666410e+01, v10;
	v4 =	vmovc v5;
	s7 =	smov.u32 s16;
	s16 =	smov.u32 s0;
	s0 =	smov.u32 s29;
	v7 =	vld [tilespmem:s29+$0x10B10];
	v12 =	vsub.f32 v13, v16;
	v5 =	vmul.f32 $5.000000000e-01, v3  }
.Ltmp6:
0x1db: {  	v13 =	vshrl.u32 v3, $0x1;
	v10 =	vld [tilespmem:s0+$0x13B10];
	v16 =	vmul.f32 v6, v4;
	v17 =	vmul.f32 v9, v20;
	(pc) =	sbr.rel @p2 .LBB2_6-.Ltmp6, $4  }
0x1dc: {  	v14 =	vmul.f32 $6.666666410e+01, v14;
	v9 =	vsub.s32 $0x5F3759DF, v13;
	v11 =	vld [tilespmem:s0+$0xEB10];
	v12 =	vmul.f32 $6.666666410e+01, v12;
	[tilespmem:s16+$0x1CB10] =	vst v8  }
0x1dd: {  	v21 =	vmul.f32 v9, v5;
	v15 =	vld [tilespmem:s0+$0x11B10];
	v22 =	vmul.f32 v16, v6;
	v23 =	vsub.f32 $1.500000000e+00, v17  }
0x1de: {  	v18 =	vmul.f32 v14, v14;
	v13 =	vld [tilespmem:s0+$0xFB10];
	v19 =	vmul.f32 v12, v12;
	[tilespmem:s16+$0x1AB10] =	vst v14  }
0x1df: {  	s19 =	sadd.s32 $0x40, s19;
	v17 =	vmul.f32 v9, v21;
	v16 =	vld [tilespmem:s0+$0x12B10];
	[tilespmem:s16+$0x1BB10] =	vst v12;
	v14 =	vsub.f32 $1.500000000e+00, v22;
	v12 =	vmul.f32 v23, v20  }
0x1e0: {  	_ =	sdelay $0x3  }
0x1e1: {  	v11 =	vsub.f32 v11, v15;
	v13 =	vsub.f32 v13, v16  }
0x1e2: {  	v7 =	vsub.f32 v7, v10  }
0x1e3: {  	v42 =	vmul.f32 $6.666666410e+01, v11;
	v43 =	vmul.f32 $6.666666410e+01, v13  }
0x1e4: {  	v7 =	vmul.f32 $6.666666410e+01, v7  }
0x1e5: {  	v44 =	vmul.f32 v42, v42;
	v45 =	vmul.f32 v43, v43  }
0x1e6: {  	v46 =	vadd.f32 v19, v18;
	v8 =	vmul.f32 v8, v8  }
0x1e7: {  	v47 =	vmul.f32 v7, v7;
	v13 =	vadd.f32 v45, v44  }
0x1e8: {  	v8 =	vadd.f32 v8, v46  }
0x1e9: {  	v13 =	vadd.f32 v47, v13  }
0x1ea: {  	v48 =	vmul.f32 $5.000000000e-01, v8;
	v16 =	vshrl.u32 v8, $0x1  }
0x1eb: {  	v16 =	vsub.s32 $0x5F3759DF, v16;
	v49 =	vmul.f32 $5.000000000e-01, v13;
	v50 =	vshrl.u32 v13, $0x1  }
0x1ec: {  	v20 =	vmul.f32 v16, v48;
	v19 =	vsub.s32 $0x5F3759DF, v50  }
0x1ed: {  	v21 =	vmul.f32 v19, v49  }
0x1ee: {  	v20 =	vmul.f32 v16, v20  }
0x1ef: {  	v17 =	vsub.f32 $1.500000000e+00, v17;
	v21 =	vmul.f32 v19, v21  }
0x1f0: {  	v20 =	vsub.f32 $1.500000000e+00, v20  }
0x1f1: {  	v9 =	vmul.f32 v9, v17;
	v51 =	vsub.f32 $1.500000000e+00, v21  }
0x1f2: {  	v16 =	vmul.f32 v16, v20  }
0x1f3: {  	v52 =	vmul.f32 v9, v5;
	v17 =	vmul.f32 v19, v51  }
0x1f4: {  	v53 =	vmul.f32 v16, v48  }
0x1f5: {  	v20 =	vmul.f32 v52, v9;
	v54 =	vmul.f32 v17, v49  }
0x1f6: {  	v19 =	vmul.f32 v53, v16  }
0x1f7: {  	v20 =	vsub.f32 $1.500000000e+00, v20;
	v21 =	vmul.f32 v54, v17  }
0x1f8: {  	v6 =	vmul.f32 v14, v6;
	v55 =	vsub.f32 $1.500000000e+00, v19  }
0x1f9: {  	v9 =	vmul.f32 v20, v9;
	v56 =	vsub.f32 $1.500000000e+00, v21  }
0x1fa: {  	v4 =	vmul.f32 v6, v4;
	v14 =	vmul.f32 v55, v16  }
0x1fb: {  	v57 =	vmul.f32 v9, v5;
	v58 =	vmul.f32 v56, v17  }
0x1fc: {  	v4 =	vmul.f32 v4, v6;
	v15 =	vmul.f32 v14, v48  }
0x1fd: {  	v5 =	vmul.f32 v57, v9;
	v17 =	vmul.f32 v58, v49  }
0x1fe: {  	v1 =	vmul.f32 v12, v1;
	v4 =	vsub.f32 $1.500000000e+00, v4;
	v59 =	vmul.f32 v15, v14  }
0x1ff: {  	v5 =	vsub.f32 $1.500000000e+00, v5;
	v60 =	vmul.f32 v17, v58  }
0x200: {  	[tilespmem:s5+$0x1DB10] =	vst v1;
	v1 =	vmul.f32 v4, v6;
	v61 =	vsub.f32 $1.500000000e+00, v59  }
0x201: {  	[tilespmem:s0+$0x1CB10] =	vst v7;
	v5 =	vmul.f32 v5, v9;
	v62 =	vsub.f32 $1.500000000e+00, v60  }
0x202: {  	[tilespmem:s0+$0x1AB10] =	vst v42;
	v1 =	vmul.f32 v1, v2;
	v2 =	vmul.f32 v61, v14  }
0x203: {  	[tilespmem:s0+$0x1BB10] =	vst v43;
	v3 =	vmul.f32 v5, v3;
	v63 =	vmul.f32 v62, v58  }
0x204: {  	[tilespmem:s15+$0x1DB10] =	vst v1;
	v1 =	vmul.f32 v2, v8  }
0x205: {  	[tilespmem:s7+$0x1DB10] =	vst v3;
	v2 =	vmul.f32 v63, v13  }
0x206: {  	[tilespmem:s16+$0x1DB10] =	vst v1  }
0x207: {  	[tilespmem:s0+$0x1DB10] =	vst v2  }
0x208: {  	[spmem:s26] =	stream.indirect.scatter.add.f32 [tilespmem:s13], [sflag:$0x3], $0x1, s8, s9, $0xb8;
	[tilespmem:$0x1FB10] =	vst v63  }
0x209: {  	p2 =	seq.s32 s23, $0x0  }
0x20a: {  	[spmem:s28] =	stream.indirect.scatter.add.f32 [tilespmem:s17], [sflag:$0x3], $0x1, s8, s9, $0xb8;
	[tilespmem:$0x1FB10] =	vst v63  }
.Ltmp7:
0x20b: {  	_ = 	snop;
	(pc) =	sbr.rel @p2 .LBB2_11-.Ltmp7, $4  }
0x20c: {  	_ = 	snop  }
0x20d: {  	[spmem:s30] =	stream.indirect.scatter.add.f32 [tilespmem:s18], [sflag:$0x3], $0x1, s8, s9, $0xb8;
	[tilespmem:$0x1FB10] =	vst v63  }
0x20e: {  	s29 =	smov.u32 s14  }
0x20f: {  	[spmem:s1] =	stream.indirect.scatter.add.f32 [tilespmem:s25], [sflag:$0x3], $0x1, s8, s9, $0xb8;
	[tilespmem:$0x1FB10] =	vst v63  }
.LBB2_8:
0x210: {  	_ =	swait.ge [sflag:s10], $0xFA0  }
0x211: {  	[sflag:s10] =	ssyncset.done $0x0  }
0x212: {  	[sflag:s10] =	ssyncadd.s32 $0xFFFFF060  }
0x213: {  	_ =	swait.ge [sflag:s10], $0xFA0  }
0x214: {  	[sflag:s10] =	ssyncset.done $0x0  }
0x215: {  	[sflag:s10] =	ssyncadd.s32 $0xFFFFF060  }
0x216: {  	_ =	swait.ge [sflag:s10], $0xFA0  }
0x217: {  	[sflag:s10] =	ssyncset.done $0x0  }
0x218: {  	[sflag:s10] =	ssyncadd.s32 $0xFFFFF060  }
0x219: {  	_ =	swait.ge [sflag:s10], $0xFA0  }
0x21a: {  	[sflag:s10] =	ssyncset.done $0x0  }
0x21b: {  	[sflag:s10] =	ssyncadd.s32 $0xFFFFF060  }
0x21c: {  	_ =	swait.ge [sflag:s10], $0xFA0  }
0x21d: {  	[sflag:s10] =	ssyncset.done $0x0  }
0x21e: {  	[sflag:s10] =	ssyncadd.s32 $0xFFFFF060  }
0x21f: {  	_ =	swait.ge [sflag:s10], $0xFA0  }
0x220: {  	[sflag:s10] =	ssyncset.done $0x0  }
0x221: {  	[sflag:s10] =	ssyncadd.s32 $0xFFFFF060  }
0x222: {  	_ =	swait.ge [sflag:s11], $0xFA0  }
0x223: {  	[sflag:s11] =	ssyncset.done $0x0  }
0x224: {  	[sflag:s11] =	ssyncadd.s32 $0xFFFFF060  }
0x225: {  	_ =	swait.ge [sflag:s11], $0xFA0  }
0x226: {  	[sflag:s11] =	ssyncset.done $0x0  }
0x227: {  	[sflag:s11] =	ssyncadd.s32 $0xFFFFF060  }
0x228: {  	p2 =	seq.s32 s20, $0x18;
	_ =	swait.ge [sflag:s11], $0xFA0  }
0x229: {  	s0 =	smul.u32 @!p2 $0xFA0, s20;
	[sflag:s11] =	ssyncset.done $0x0  }
0x22a: {  	[sflag:s11] =	ssyncadd.s32 $0xFFFFF060  }
0x22b: {  	s0 =	sadd.s32 @!p2 s0, s6;
	_ =	swait.ge [sflag:s11], $0xFA0  }
0x22c: {  	s7 =	simm.s32 @!p2 $0x0;
	s0 =	sshrl.u32 @!p2 s0, $0x3;
	[sflag:s11] =	ssyncset.done $0x0  }
0x22d: {  	s15 =	simm.s32 @!p2 $0xAB10;
	s5 =	sadd.s32 @!p2 s2, s0;
	[sflag:s11] =	ssyncadd.s32 $0xFFFFF060  }
0x22e: {  	[tilespmem:s15], [sflag:$0x4] =	stream.linear.gather @!p2 [hbm4b:s5+s7], $0xFA0, $0x38;
	[tilespmem:$0x1FB10] =	vst v63  }
0x22f: {  	s5 =	simm.s32 @!p2 $0x4  }
0x230: {  	_ =	swait.ge @!p2 [sflag:s5], $0xFA0  }
0x231: {  	[sflag:s5] =	ssyncset.done @!p2 $0x0  }
0x232: {  	s16 =	simm.s32 @!p2 $0xCB10;
	s0 =	sadd.s32 @!p2 s29, s0;
	[sflag:s5] =	ssyncadd.s32 @!p2 $0xFFFFF060  }
0x233: {  	[tilespmem:s16], [sflag:$0x4] =	stream.linear.gather @!p2 [hbm4b:s0+s7], $0xFA0, $0x38;
	[tilespmem:$0x1FB10] =	vst v63  }
0x234: {  	_ =	swait.ge @!p2 [sflag:s5], $0xFA0  }
0x235: {  	[sflag:s5] =	ssyncset.done @!p2 $0x0  }
0x236: {  	s0 =	simm.s32 @!p2 $0xFA0;
	[sflag:s5] =	ssyncadd.s32 @!p2 $0xFFFFF060;
	s5 =	simm.s32 @!p2 $0xEB10  }
0x237: {  	[tilespmem:s5], [sflag:$0x1] =	stream.indirect.gather @!p2 [spmem:s21], $0x1, s15, s0, $0xb8;
	[tilespmem:$0x1FB10] =	vst v63  }
0x238: {  	s5 =	simm.s32 @!p2 $0xFB10  }
0x239: {  	[tilespmem:s5], [sflag:$0x1] =	stream.indirect.gather @!p2 [spmem:s22], $0x1, s15, s0, $0xb8;
	[tilespmem:$0x1FB10] =	vst v63  }
0x23a: {  	s5 =	simm.s32 @!p2 $0x10B10  }
0x23b: {  	[tilespmem:s5], [sflag:$0x1] =	stream.indirect.gather @!p2 [spmem:s24], $0x1, s15, s0, $0xb8;
	[tilespmem:$0x1FB10] =	vst v63  }
0x23c: {  	s5 =	simm.s32 @!p2 $0x11B10  }
0x23d: {  	[tilespmem:s5], [sflag:$0x1] =	stream.indirect.gather @!p2 [spmem:s21], $0x1, s16, s0, $0xb8;
	[tilespmem:$0x1FB10] =	vst v63  }
0x23e: {  	s5 =	simm.s32 @!p2 $0x12B10  }
0x23f: {  	[tilespmem:s5], [sflag:$0x1] =	stream.indirect.gather @!p2 [spmem:s22], $0x1, s16, s0, $0xb8;
	[tilespmem:$0x1FB10] =	vst v63  }
0x240: {  	s5 =	simm.s32 @!p2 $0x13B10  }
0x241: {  	[tilespmem:s5], [sflag:$0x1] =	stream.indirect.gather @!p2 [spmem:s24], $0x1, s16, s0, $0xb8;
	[tilespmem:$0x1FB10] =	vst v63  }
0x242: {  	s5 =	simm.s32 $0x0  }
0x243: {  	v1 =	vld [tilespmem:s5+$0x16B10]  }
0x244: {  	v2 =	vld [tilespmem:s5+$0x19B10]  }
0x245: {  	v3 =	vld [tilespmem:s5+$0x14B10]  }
0x246: {  	v4 =	vld [tilespmem:s5+$0x17B10]  }
0x247: {  	v5 =	vld [tilespmem:s5+$0x15B10]  }
0x248: {  	v6 =	vld [tilespmem:s5+$0x18B10];
	_ =	sdelay $0x2  }
0x249: {  	v1 =	vsub.f32 v1, v2  }
0x24a: {  	s15 =	simm.s32 $0x10  }
0x24b: {  	v7 =	vld [tilespmem:s15+$0x19B10];
	v3 =	vsub.f32 v3, v4;
	v4 =	vsub.f32 v5, v6;
	v1 =	vmul.f32 $6.666666410e+01, v1  }
0x24c: {  	v2 =	vld [tilespmem:s15+$0x16B10]  }
0x24d: {  	v5 =	vld [tilespmem:s15+$0x14B10];
	v3 =	vmul.f32 $6.666666410e+01, v3;
	v4 =	vmul.f32 $6.666666410e+01, v4;
	[tilespmem:s5+$0x1CB10] =	vst v1  }
0x24e: {  	v6 =	vld [tilespmem:s15+$0x17B10]  }
0x24f: {  	v9 =	vmul.f32 v3, v3;
	v10 =	vmul.f32 v4, v4;
	v8 =	vld [tilespmem:s15+$0x15B10];
	[tilespmem:s5+$0x1AB10] =	vst v3  }
0x250: {  	v3 =	vld [tilespmem:s15+$0x18B10]  }
0x251: {  	v1 =	vmul.f32 v1, v1;
	[tilespmem:s5+$0x1BB10] =	vst v4;
	v4 =	vadd.f32 v10, v9  }
0x252: {  	v2 =	vsub.f32 v2, v7  }
0x253: {  	s7 =	simm.s32 $0x20;
	v1 =	vadd.f32 v1, v4  }
0x254: {  	v7 =	vld [tilespmem:s7+$0x16B10];
	v2 =	vmul.f32 $6.666666410e+01, v2;
	v5 =	vsub.f32 v5, v6  }
0x255: {  	v4 =	vld [tilespmem:s7+$0x19B10];
	v9 =	vmul.f32 $5.000000000e-01, v1;
	v3 =	vsub.f32 v8, v3;
	v8 =	vshrl.u32 v1, $0x1  }
0x256: {  	v6 =	vld [tilespmem:s7+$0x14B10];
	[tilespmem:s15+$0x1CB10] =	vst v2;
	v5 =	vmul.f32 $6.666666410e+01, v5;
	v8 =	vsub.s32 $0x5F3759DF, v8  }
0x257: {  	v10 =	vld [tilespmem:s7+$0x17B10];
	v3 =	vmul.f32 $6.666666410e+01, v3;
	v11 =	vmul.f32 v8, v9  }
0x258: {  	v12 =	vld [tilespmem:s7+$0x15B10];
	v13 =	vmul.f32 v5, v5;
	[tilespmem:s15+$0x1AB10] =	vst v5  }
0x259: {  	v5 =	vmul.f32 v3, v3;
	v14 =	vld [tilespmem:s7+$0x18B10];
	v11 =	vmul.f32 v8, v11;
	_ =	sdelay $0x1  }
0x25a: {  	v2 =	vmul.f32 v2, v2;
	v5 =	vadd.f32 v5, v13;
	v11 =	vsub.f32 $1.500000000e+00, v11  }
0x25b: {  	[tilespmem:s15+$0x1BB10] =	vst v3;
	v3 =	vsub.f32 v7, v4  }
0x25c: {  	s16 =	simm.s32 $0x30;
	v2 =	vadd.f32 v2, v5;
	v5 =	vmul.f32 v8, v11  }
0x25d: {  	v7 =	vld [tilespmem:s16+$0x16B10];
	v6 =	vsub.f32 v6, v10;
	v3 =	vmul.f32 $6.666666410e+01, v3;
	v8 =	vsub.f32 v12, v14  }
0x25e: {  	v10 =	vld [tilespmem:s16+$0x19B10];
	v4 =	vmul.f32 $5.000000000e-01, v2;
	v11 =	vshrl.u32 v2, $0x1;
	v12 =	vmul.f32 v5, v9  }
0x25f: {  	v13 =	vld [tilespmem:s16+$0x14B10];
	v6 =	vmul.f32 $6.666666410e+01, v6;
	[tilespmem:s7+$0x1CB10] =	vst v3;
	v8 =	vmul.f32 $6.666666410e+01, v8;
	v11 =	vsub.s32 $0x5F3759DF, v11  }
0x260: {  	v14 =	vld [tilespmem:s16+$0x17B10];
	v15 =	vmul.f32 v11, v4;
	v12 =	vmul.f32 v12, v5  }
0x261: {  	v16 =	vld [tilespmem:s16+$0x15B10];
	v17 =	vmul.f32 v6, v6;
	[tilespmem:s7+$0x1AB10] =	vst v6;
	v18 =	vmul.f32 v8, v8  }
0x262: {  	v6 =	vmul.f32 v11, v15;
	v15 =	vld [tilespmem:s16+$0x18B10];
	v12 =	vsub.f32 $1.500000000e+00, v12  }
0x263: {  	v3 =	vmul.f32 v3, v3;
	v17 =	vadd.f32 v18, v17  }
0x264: {  	v6 =	vsub.f32 $1.500000000e+00, v6;
	v12 =	vmul.f32 v12, v5  }
0x265: {  	[tilespmem:s7+$0x1BB10] =	vst v8;
	v8 =	vsub.f32 v7, v10;
	v3 =	vadd.f32 v3, v17  }
0x266: {  	s0 =	simm.s32 $0x40;
	v13 =	vsub.f32 v13, v14;
	v6 =	vmul.f32 v11, v6;
	v9 =	vmul.f32 v12, v9  }
0x267: {  	v7 =	vld [tilespmem:s0+$0x16B10];
	v8 =	vmul.f32 $6.666666410e+01, v8;
	v14 =	vsub.f32 v16, v15;
	v5 =	vmul.f32 $5.000000000e-01, v3  }
0x268: {  	v10 =	vld [tilespmem:s0+$0x19B10];
	v17 =	vshrl.u32 v3, $0x1;
	v16 =	vmul.f32 v6, v4;
	v18 =	vmul.f32 v9, v12  }
0x269: {  	v19 =	vmul.f32 $6.666666410e+01, v13;
	v11 =	vld [tilespmem:s0+$0x14B10];
	[tilespmem:s16+$0x1CB10] =	vst v8;
	v9 =	vsub.s32 $0x5F3759DF, v17;
	v14 =	vmul.f32 $6.666666410e+01, v14  }
0x26a: {  	v15 =	vld [tilespmem:s0+$0x17B10];
	v17 =	vmul.f32 v9, v5;
	v20 =	vmul.f32 v16, v6;
	v21 =	vsub.f32 $1.500000000e+00, v18  }
0x26b: {  	v13 =	vld [tilespmem:s0+$0x15B10];
	[tilespmem:s16+$0x1AB10] =	vst v19;
	v18 =	vmul.f32 v19, v19;
	v19 =	vmul.f32 v14, v14  }
0x26c: {  	s19 =	simm.s32 $0x140;
	v16 =	vld [tilespmem:s0+$0x18B10];
	[tilespmem:s16+$0x1BB10] =	vst v14;
	v17 =	vmul.f32 v9, v17;
	v14 =	vsub.f32 $1.500000000e+00, v20;
	v12 =	vmul.f32 v21, v12  }
.LBB2_9:
0x26d: {  	p2 =	sne.s32 s19, $0x3E40;
	v18 =	vadd.f32 v19, v18;
	v8 =	vmul.f32 v8, v8  }
0x26e: {  	v17 =	vsub.f32 $1.500000000e+00, v17;
	v20 =	vmul.f32 v14, v6;
	v12 =	vmul.f32 v12, v1;
	v1 =	vmovc v2;
	v2 =	vmovc v3  }
0x26f: {  	v10 =	vsub.f32 v7, v10;
	v3 =	vadd.f32 v8, v18  }
0x270: {  	s23 =	sshra.s32 s19, $0x2;
	v14 =	vsub.f32 v11, v15;
	v6 =	vmul.f32 v9, v17;
	v9 =	vmul.f32 v20, v4;
	[tilespmem:s5+$0x1DB10] =	vst v12;
	s5 =	smov.u32 s15;
	s15 =	smov.u32 s7  }
0x271: {  	v8 =	vmul.f32 $6.666666410e+01, v10;
	v4 =	vmovc v5;
	s7 =	smov.u32 s16;
	s16 =	smov.u32 s0;
	s0 =	smov.u32 s23;
	v7 =	vld [tilespmem:s23+$0x16B10];
	v12 =	vsub.f32 v13, v16;
	v5 =	vmul.f32 $5.000000000e-01, v3  }
.Ltmp8:
0x272: {  	v13 =	vshrl.u32 v3, $0x1;
	v10 =	vld [tilespmem:s0+$0x19B10];
	v16 =	vmul.f32 v6, v4;
	v17 =	vmul.f32 v9, v20;
	(pc) =	sbr.rel @p2 .LBB2_9-.Ltmp8, $4  }
0x273: {  	v14 =	vmul.f32 $6.666666410e+01, v14;
	v9 =	vsub.s32 $0x5F3759DF, v13;
	v11 =	vld [tilespmem:s0+$0x14B10];
	v12 =	vmul.f32 $6.666666410e+01, v12;
	[tilespmem:s16+$0x1CB10] =	vst v8  }
0x274: {  	v21 =	vmul.f32 v9, v5;
	v15 =	vld [tilespmem:s0+$0x17B10];
	v22 =	vmul.f32 v16, v6;
	v23 =	vsub.f32 $1.500000000e+00, v17  }
0x275: {  	v18 =	vmul.f32 v14, v14;
	v13 =	vld [tilespmem:s0+$0x15B10];
	v19 =	vmul.f32 v12, v12;
	[tilespmem:s16+$0x1AB10] =	vst v14  }
0x276: {  	s19 =	sadd.s32 $0x40, s19;
	v17 =	vmul.f32 v9, v21;
	v16 =	vld [tilespmem:s0+$0x18B10];
	[tilespmem:s16+$0x1BB10] =	vst v12;
	v14 =	vsub.f32 $1.500000000e+00, v22;
	v12 =	vmul.f32 v23, v20  }
0x277: {  	_ =	sdelay $0x3  }
0x278: {  	v11 =	vsub.f32 v11, v15;
	v13 =	vsub.f32 v13, v16  }
0x279: {  	v7 =	vsub.f32 v7, v10  }
0x27a: {  	v42 =	vmul.f32 $6.666666410e+01, v11;
	v43 =	vmul.f32 $6.666666410e+01, v13  }
0x27b: {  	v7 =	vmul.f32 $6.666666410e+01, v7  }
0x27c: {  	v44 =	vmul.f32 v42, v42;
	v45 =	vmul.f32 v43, v43  }
0x27d: {  	v46 =	vadd.f32 v19, v18;
	v8 =	vmul.f32 v8, v8  }
0x27e: {  	v47 =	vmul.f32 v7, v7;
	v13 =	vadd.f32 v45, v44  }
0x27f: {  	v8 =	vadd.f32 v8, v46  }
0x280: {  	v13 =	vadd.f32 v47, v13  }
0x281: {  	v48 =	vmul.f32 $5.000000000e-01, v8;
	v16 =	vshrl.u32 v8, $0x1  }
0x282: {  	v16 =	vsub.s32 $0x5F3759DF, v16;
	v49 =	vmul.f32 $5.000000000e-01, v13;
	v50 =	vshrl.u32 v13, $0x1  }
0x283: {  	v20 =	vmul.f32 v16, v48;
	v19 =	vsub.s32 $0x5F3759DF, v50  }
0x284: {  	v21 =	vmul.f32 v19, v49  }
0x285: {  	v20 =	vmul.f32 v16, v20  }
0x286: {  	v17 =	vsub.f32 $1.500000000e+00, v17;
	v21 =	vmul.f32 v19, v21  }
0x287: {  	v20 =	vsub.f32 $1.500000000e+00, v20  }
0x288: {  	v9 =	vmul.f32 v9, v17;
	v51 =	vsub.f32 $1.500000000e+00, v21  }
0x289: {  	v16 =	vmul.f32 v16, v20  }
0x28a: {  	v52 =	vmul.f32 v9, v5;
	v17 =	vmul.f32 v19, v51  }
0x28b: {  	v53 =	vmul.f32 v16, v48  }
0x28c: {  	v20 =	vmul.f32 v52, v9;
	v54 =	vmul.f32 v17, v49  }
0x28d: {  	v19 =	vmul.f32 v53, v16  }
0x28e: {  	v20 =	vsub.f32 $1.500000000e+00, v20;
	v21 =	vmul.f32 v54, v17  }
0x28f: {  	v6 =	vmul.f32 v14, v6;
	v55 =	vsub.f32 $1.500000000e+00, v19  }
0x290: {  	v9 =	vmul.f32 v20, v9;
	v56 =	vsub.f32 $1.500000000e+00, v21  }
0x291: {  	v4 =	vmul.f32 v6, v4;
	v14 =	vmul.f32 v55, v16  }
0x292: {  	v57 =	vmul.f32 v9, v5;
	v58 =	vmul.f32 v56, v17  }
0x293: {  	v4 =	vmul.f32 v4, v6;
	v15 =	vmul.f32 v14, v48  }
0x294: {  	v5 =	vmul.f32 v57, v9;
	v17 =	vmul.f32 v58, v49  }
0x295: {  	v1 =	vmul.f32 v12, v1;
	v4 =	vsub.f32 $1.500000000e+00, v4;
	v59 =	vmul.f32 v15, v14  }
0x296: {  	v5 =	vsub.f32 $1.500000000e+00, v5;
	v60 =	vmul.f32 v17, v58  }
0x297: {  	[tilespmem:s5+$0x1DB10] =	vst v1;
	v1 =	vmul.f32 v4, v6;
	v61 =	vsub.f32 $1.500000000e+00, v59  }
0x298: {  	[tilespmem:s0+$0x1CB10] =	vst v7;
	v5 =	vmul.f32 v5, v9;
	v62 =	vsub.f32 $1.500000000e+00, v60  }
0x299: {  	[tilespmem:s0+$0x1AB10] =	vst v42;
	v1 =	vmul.f32 v1, v2;
	v2 =	vmul.f32 v61, v14  }
0x29a: {  	[tilespmem:s0+$0x1BB10] =	vst v43;
	v3 =	vmul.f32 v5, v3;
	v63 =	vmul.f32 v62, v58  }
0x29b: {  	[tilespmem:s15+$0x1DB10] =	vst v1;
	v1 =	vmul.f32 v2, v8  }
0x29c: {  	[tilespmem:s7+$0x1DB10] =	vst v3;
	v2 =	vmul.f32 v63, v13  }
0x29d: {  	[tilespmem:s16+$0x1DB10] =	vst v1  }
0x29e: {  	[tilespmem:s0+$0x1DB10] =	vst v2  }
0x29f: {  	[spmem:s26] =	stream.indirect.scatter.add.f32 [tilespmem:s13], [sflag:$0x3], $0x1, s12, s9, $0xb8;
	[tilespmem:$0x1FB10] =	vst v63  }
0x2a0: {  	_ = 	snop  }
0x2a1: {  	[spmem:s28] =	stream.indirect.scatter.add.f32 [tilespmem:s17], [sflag:$0x3], $0x1, s12, s9, $0xb8;
	[tilespmem:$0x1FB10] =	vst v63  }
.Ltmp9:
0x2a2: {  	_ = 	snop;
	(pc) =	sbr.rel .LBB2_11-.Ltmp9, $4  }
0x2a3: {  	_ = 	snop  }
0x2a4: {  	[spmem:s30] =	stream.indirect.scatter.add.f32 [tilespmem:s18], [sflag:$0x3], $0x1, s12, s9, $0xb8;
	[tilespmem:$0x1FB10] =	vst v63  }
0x2a5: {  	_ = 	snop  }
0x2a6: {  	[spmem:s1] =	stream.indirect.scatter.add.f32 [tilespmem:s25], [sflag:$0x3], $0x1, s12, s9, $0xb8;
	[tilespmem:$0x1FB10] =	vst v63  }
.LBB2_13:
0x2a7: {  	_ =	sfence.sel $0x180000  }
0x2a8: {  	[bflag:$0x0] =	sbarrier.arrive $0xFFFF  }
0x2a9: {  	_ =	strace $0x90000047  }
0x2aa: {  	s0 =	stileid.u32;
	[bflag:$0x2] =	sbarrier.arrive $0xFFFF  }
0x2ab: {  	p0 =	sne.s32 s0, $0x0;
	s0 =	rddreg [dreg:$0x9]  }
0x2ac: {  	s0 =	sadd.s32 @!p0 $0x100000, s0  }
0x2ad: {  	[sflag:s0] =	ssyncadd.tile.s32 @!p0 $0x1;
	_ =	shalt  }
.Lfunc_end2:
_tile_overlayer_lowered:
.L_overlay_start_2:
0x2ae: {  	(tag) =	ssettag $0x2  }
0x2af: {  	s0 =	rddreg [dreg:$0x0];
	s2 =	stileid.u32  }
0x2b0: {  	s1 =	rddreg [dreg:$0x1];
	p0 =	sne.s32 s2, $0x0  }
0x2b1: {  	s3 =	rddreg [dreg:$0x2];
	[bflag:$0x3] =	sbarrier.arrive $0xFFFF;
	s2 =	simm.s32 @!p0 $0x1C04  }
0x2b2: {  	[timem:s3], [sflag:s2] =	dma.local @!p0 [hbm:s0], s1  }
0x2b3: {  	s0 =	simm.s32 @!p0 $0x4  }
0x2b4: {  	_ =	swait.ge @!p0 [sflag:s0], s1  }
0x2b5: {  	s1 =	ssub.s32 @!p0 $0x0, s1;
	[sflag:s0] =	ssyncset.done @!p0 $0x0  }
0x2b6: {  	[sflag:s0] =	ssyncadd.s32 @!p0 s1  }
0x2b7: {  	[bflag:$0x3] =	sbarrier.arrive $0xFFFF  }
0x2b8: {  	_ =	shalt  }

</sc_bundles>
